<compile_context>
chip_gen: v7x
topology: tpu7x:2x2x1
jax: 0.10.2.dev20260603
libtpu: 0.0.44.dev20260713+nightly
codegen_flags: <defaults>
</compile_context>

<pallas_src>
import functools

import jax
import jax.numpy as jnp
from jax import lax
from jax.experimental import pallas as pl
from jax.experimental.pallas import tpu as pltpu
from jax.experimental.pallas import tpu_sc as plsc

N_NODES = 50000
N_PAD = 51200
N_EDGES = 3200000
LANE = 128
KROW = 8
E_PAD = 3211264
E_ROWS = E_PAD // LANE
NC, NS = 2, 16
CH = 1024


def _mesh():
    return plsc.VectorSubcoreMesh(core_axis_name="c", subcore_axis_name="s",
                                  num_cores=NC, num_subcores=NS)


def _make_prop(n_pad, e_pad, feat_split):
    nworkers = NS if feat_split else NC * NS
    edges_per_tile = e_pad // nworkers
    nbody = edges_per_tile // (2 * CH)
    rpt = n_pad // NS

    @functools.partial(
        pl.kernel,
        out_type=(
            jax.ShapeDtypeStruct((n_pad, 16), jnp.float32),
            jax.ShapeDtypeStruct((n_pad, 16), jnp.float32),
        ),
        mesh=_mesh(),
        compiler_params=pltpu.CompilerParams(use_tc_tiling_on_sc=False),
        scratch_types=[
            pltpu.VMEM_SHARED((n_pad, 16), jnp.float32),
            pltpu.VMEM((CH,), jnp.int32),
            pltpu.VMEM((CH,), jnp.int32),
            pltpu.VMEM((CH,), jnp.int32),
            pltpu.VMEM((CH,), jnp.int32),
            pltpu.VMEM((CH, 16), jnp.float32),
            pltpu.VMEM((CH, 16), jnp.float32),
            pltpu.SemaphoreType.DMA,
            pltpu.SemaphoreType.DMA,
            pltpu.SemaphoreType.DMA,
            pltpu.SemaphoreType.DMA,
        ],
    )
    def prop_kernel(tbl_hbm, srca_hbm, srcb_hbm, dst_hbm, zeros_hbm, o0, o1,
                    acc_sh, sxa, sxb, dxa, dxb, rowsa, rowsb,
                    sga, sgb, ssa, ssb):
        cid = lax.axis_index("c")
        sid = lax.axis_index("s")
        nd = pl.ds(sid * rpt, rpt)
        pltpu.sync_copy(zeros_hbm.at[nd], acc_sh.at[nd])
        plsc.subcore_barrier()

        if feat_split:
            base = sid * edges_per_tile
        else:
            base = (cid * NS + sid) * edges_per_tile

        def body(t, carry):
            e0 = base + t * 2 * CH

            def bank(eo, sx, dx, rows, sg):
                @pl.when(cid == 0)
                def _():
                    pltpu.sync_copy(srca_hbm.at[pl.ds(eo, CH)], sx)

                @pl.when(cid == 1)
                def _():
                    pltpu.sync_copy(srcb_hbm.at[pl.ds(eo, CH)], sx)
                pltpu.sync_copy(dst_hbm.at[pl.ds(eo, CH)], dx)
                return pltpu.async_copy(tbl_hbm.at[sx], rows, sg)

            gda = bank(e0, sxa, dxa, rowsa, sga)
            gdb = bank(e0 + CH, sxb, dxb, rowsb, sgb)
            gda.wait()
            sda = pltpu.async_copy(rowsa, acc_sh.at[dxa], ssa, add=True)
            gdb.wait()
            sdb = pltpu.async_copy(rowsb, acc_sh.at[dxb], ssb, add=True)
            sda.wait()
            sdb.wait()
            return carry

        lax.fori_loop(0, nbody, body, 0)
        plsc.subcore_barrier()

        @pl.when(cid == 0)
        def _():
            pltpu.sync_copy(acc_sh.at[nd], o0.at[nd])

        @pl.when(cid == 1)
        def _():
            pltpu.sync_copy(acc_sh.at[nd], o1.at[nd])

    return prop_kernel


def _make_deg(n_pad, e_pad):
    edges_per_tile = e_pad // (NC * NS)
    nbody = edges_per_tile // (2 * CH)
    rpt = n_pad // NS

    @functools.partial(
        pl.kernel,
        out_type=(
            jax.ShapeDtypeStruct((n_pad, 16), jnp.float32),
            jax.ShapeDtypeStruct((n_pad, 16), jnp.float32),
        ),
        mesh=_mesh(),
        compiler_params=pltpu.CompilerParams(use_tc_tiling_on_sc=False),
        scratch_types=[
            pltpu.VMEM_SHARED((n_pad, 16), jnp.float32),
            pltpu.VMEM((CH,), jnp.int32),
            pltpu.VMEM((CH,), jnp.int32),
            pltpu.VMEM((CH, 16), jnp.float32),
            pltpu.SemaphoreType.DMA,
            pltpu.SemaphoreType.DMA,
        ],
    )
    def deg_kernel(dst_hbm, zeros_hbm, ones_hbm, o0, o1,
                   acc_sh, dxa, dxb, ones_v, ssa, ssb):
        cid = lax.axis_index("c")
        sid = lax.axis_index("s")
        nd = pl.ds(sid * rpt, rpt)
        pltpu.sync_copy(zeros_hbm.at[nd], acc_sh.at[nd])
        pltpu.sync_copy(ones_hbm, ones_v)
        plsc.subcore_barrier()
        base = (cid * NS + sid) * edges_per_tile

        def body(t, carry):
            e0 = base + t * 2 * CH
            pltpu.sync_copy(dst_hbm.at[pl.ds(e0, CH)], dxa)
            sda = pltpu.async_copy(ones_v, acc_sh.at[dxa], ssa, add=True)
            pltpu.sync_copy(dst_hbm.at[pl.ds(e0 + CH, CH)], dxb)
            sdb = pltpu.async_copy(ones_v, acc_sh.at[dxb], ssb, add=True)
            sda.wait()
            sdb.wait()
            return carry

        lax.fori_loop(0, nbody, body, 0)
        plsc.subcore_barrier()

        @pl.when(cid == 0)
        def _():
            pltpu.sync_copy(acc_sh.at[nd], o0.at[nd])

        @pl.when(cid == 1)
        def _():
            pltpu.sync_copy(acc_sh.at[nd], o1.at[nd])

    return deg_kernel


def _dis(cnt0_ref, cnt1_ref):
    return lax.rsqrt(cnt0_ref[:, :1] + cnt1_ref[:, :1] + 1.0)


def _stage_a(cnt0_ref, cnt1_ref, x_ref, w_ref, o_ref):
    dis = _dis(cnt0_ref, cnt1_ref)
    o_ref[...] = dis * jnp.dot(x_ref[...], w_ref[...],
                               preferred_element_type=jnp.float32)


def _stage_b(s0, s1, hp, cnt0, cnt1, b, w, o):
    dis = _dis(cnt0, cnt1)
    act = jax.nn.relu(dis * (s0[...] + s1[...] + hp[...]) + b[...])
    o[...] = dis * jnp.dot(act, w[...], preferred_element_type=jnp.float32)


def _stage_b1_body(s0, s1, hp, cnt0, cnt1, b, w, oa, ob):
    dis = _dis(cnt0, cnt1)
    act = jax.nn.relu(dis * (s0[...] + s1[...] + hp[...]) + b[...])
    h2 = dis * jnp.dot(act, w[...], preferred_element_type=jnp.float32)
    oa[...] = h2[:, :16]
    ob[...] = h2[:, 16:]


def _tc_call_b1(ins, n_rows, r):
    grid = (n_rows // r,)
    widths = (16, 16, 16, 16, 16, None, None)
    in_specs = []
    for a, w in zip(ins, widths):
        if w is None:
            in_specs.append(pl.BlockSpec(a.shape, lambda i, nd=a.ndim: (0,) * nd))
        else:
            in_specs.append(pl.BlockSpec((r, w), lambda i: (i, 0)))
    out_shape = tuple(jax.ShapeDtypeStruct((n_rows, 16), jnp.float32) for _ in range(2))
    out_specs = tuple(pl.BlockSpec((r, 16), lambda i: (i, 0)) for _ in range(2))
    return pl.pallas_call(_stage_b1_body, grid=grid, in_specs=in_specs,
                          out_specs=out_specs, out_shape=out_shape)(*ins)


def _stage_b2(s2a, s2b, h2a, h2b, cnt0, cnt1, b, w, o):
    dis = _dis(cnt0, cnt1)
    s2 = jnp.concatenate([s2a[...], s2b[...]], axis=1)
    hp = jnp.concatenate([h2a[...], h2b[...]], axis=1)
    act = jax.nn.relu(dis * (s2 + hp) + b[...])
    o[...] = dis * jnp.dot(act, w[...], preferred_element_type=jnp.float32)


def _stage_c(s0, s1, hp, cnt0, cnt1, b, o):
    dis = _dis(cnt0, cnt1)
    act = jax.nn.relu(dis * (s0[...] + s1[...] + hp[...]) + b[...])
    o[...] = act[:, :11]


def _tc_call(body, out_width, ins, widths, n_rows, r):
    grid = (n_rows // r,)
    in_specs = []
    for a, w in zip(ins, widths):
        if w is None:
            in_specs.append(pl.BlockSpec(a.shape, lambda i, nd=a.ndim: (0,) * nd))
        else:
            in_specs.append(pl.BlockSpec((r, w), lambda i: (i, 0)))
    out_shape = jax.ShapeDtypeStruct((n_rows, out_width), jnp.float32)
    out_specs = pl.BlockSpec((r, out_width), lambda i: (i, 0))
    return pl.pallas_call(body, grid=grid, in_specs=in_specs,
                          out_specs=out_specs, out_shape=out_shape)(*ins)


def kernel(x, edge_index, W1, b1, W2, b2, W3, b3, W4, b4):
    f32 = jnp.float32
    src = edge_index[0].astype(jnp.int32)
    dst = edge_index[1].astype(jnp.int32)
    pad = jnp.full((E_PAD - N_EDGES,), N_NODES, jnp.int32)
    src1 = jnp.concatenate([src, pad])
    dst1 = jnp.concatenate([dst, pad])

    xpad = jnp.zeros((N_PAD, 16), f32).at[:N_NODES, :11].set(x)
    w1p = jnp.zeros((16, 16), f32).at[:11, :].set(W1)
    w4p = jnp.zeros((16, 16), f32).at[:, :11].set(W4)
    b1r = b1.reshape(1, 16)
    b2r = b2.reshape(1, 32)
    b3r = b3.reshape(1, 16)
    b4r = jnp.zeros((1, 16), f32).at[0, :11].set(b4)
    zeros16 = jnp.zeros((N_PAD, 16), f32)
    zeros32 = jnp.zeros((N_PAD, 32), f32)
    zeros32 = jnp.zeros((N_PAD, 32), f32)
    ones_hbm = jnp.ones((CH, 16), f32)

    deg_k = _make_deg(N_PAD, E_PAD)
    prop_e = _make_prop(N_PAD, E_PAD, feat_split=False)
    prop_f = _make_prop(N_PAD, E_PAD, feat_split=True)

    srcoff1 = src1 + N_PAD

    cnt0, cnt1 = deg_k(dst1, zeros16, ones_hbm)

    R = 1600
    hp1 = _tc_call(_stage_a, 16, (cnt0, cnt1, xpad, w1p),
                   (16, 16, 16, None), N_PAD, R)
    s10, s11 = prop_e(hp1, src1, src1, dst1, zeros16)
    hp2a, hp2b = _tc_call_b1((s10, s11, hp1, cnt0, cnt1, b1r, W2), N_PAD, R)
    tbl2 = jnp.concatenate([hp2a, hp2b], axis=0)
    s2a, s2b = prop_f(tbl2, src1, srcoff1, dst1, zeros16)
    hp3 = _tc_call(_stage_b2, 16, (s2a, s2b, hp2a, hp2b, cnt0, cnt1, b2r, W3),
                   (16, 16, 16, 16, 16, 16, None, None), N_PAD, R)
    s30, s31 = prop_e(hp3, src1, src1, dst1, zeros16)
    hp4 = _tc_call(_stage_b, 16, (s30, s31, hp3, cnt0, cnt1, b3r, w4p),
                   (16, 16, 16, 16, 16, None, None), N_PAD, R)
    s40, s41 = prop_e(hp4, src1, src1, dst1, zeros16)
    out = _tc_call(_stage_c, 11, (s40, s41, hp4, cnt0, cnt1, b4r),
                   (16, 16, 16, 16, 16, None), N_NODES, 2000)
    return out

# --- scband reference (transcript-rebuilt; emitter-appended) ---
"""Pipeline reference for scband-auto-encoder-53884659696242 (READ-ONLY COPY).

The authoritative reference and input builder live on the scoring server;
editing this copy changes nothing except your own understanding.
"""

import jax, jax.numpy as jnp
import numpy as np

N_NODES = 50000
N_EDGES = 3200000


def glorot(key, shape):
    lim = float(np.sqrt(6.0 / (shape[0] + shape[1])))
    return jax.random.uniform(key, shape, dtype=jnp.float32, minval=-lim, maxval=lim)


def setup_inputs(seed: int = 0) -> dict:
    key = jax.random.key(seed)
    ks = jax.random.split(key, 10)
    x = jax.random.normal(ks[0], (N_NODES, 11), dtype=jnp.float32)
    edge_index = jax.random.randint(ks[1], (2, N_EDGES), 0, N_NODES, dtype=jnp.int64)
    W1 = glorot(ks[2], (11, 16)); b1 = jnp.zeros((16,), dtype=jnp.float32)
    W2 = glorot(ks[3], (16, 32)); b2 = jnp.zeros((32,), dtype=jnp.float32)
    W3 = glorot(ks[4], (32, 16)); b3 = jnp.zeros((16,), dtype=jnp.float32)
    W4 = glorot(ks[5], (16, 11)); b4 = jnp.zeros((11,), dtype=jnp.float32)
    return {"x": x, "edge_index": edge_index, "W1": W1, "b1": b1, "W2": W2, "b2": b2, "W3": W3, "b3": b3, "W4": W4, "b4": b4}


def _gcn_layer(x, src, dst, norm, W, b, n_nodes):
    h = x @ W
    msg = h[src] * norm[:, None]
    out = jax.ops.segment_sum(msg, dst, num_segments=n_nodes)
    return out + b


def reference(x, edge_index, W1, b1, W2, b2, W3, b3, W4, b4):
    n = x.shape[0]
    # add self-loops (GCN A_hat = A + I)
    loops = jnp.arange(n, dtype=edge_index.dtype)
    src = jnp.concatenate([edge_index[0], loops])
    dst = jnp.concatenate([edge_index[1], loops])
    # symmetric normalization D^{-1/2} A_hat D^{-1/2}
    deg = jax.ops.segment_sum(jnp.ones_like(dst, dtype=jnp.float32), dst, num_segments=n)
    deg_inv_sqrt = jnp.where(deg > 0, 1.0 / jnp.sqrt(deg), 0.0)
    norm = deg_inv_sqrt[src] * deg_inv_sqrt[dst]
    h = jax.nn.relu(_gcn_layer(x, src, dst, norm, W1, b1, n))
    h = jax.nn.relu(_gcn_layer(h, src, dst, norm, W2, b2, n))
    h = jax.nn.relu(_gcn_layer(h, src, dst, norm, W3, b3, n))
    h = jax.nn.relu(_gcn_layer(h, src, dst, norm, W4, b4, n))
    return h

if __name__ == "__main__":
    import jax
    _d = setup_inputs()
    print(jax.jit(kernel)(*tuple(_d.values())))

</pallas_src>

<mosaic_0001>
#map = affine_map<(d0, d1) -> (0, 0)>
#map1 = affine_map<(d0, d1) -> (0)>
module attributes {stable_mosaic.version = 14 : i64} {
  func.func @prop_kernel(%arg0: i32, %arg1: i32, %arg2: memref<51200x16xf32, #tpu.memory_space<hbm>>, %arg3: memref<3211264xi32, #tpu.memory_space<hbm>>, %arg4: memref<3211264xi32, #tpu.memory_space<hbm>>, %arg5: memref<3211264xi32, #tpu.memory_space<hbm>>, %arg6: memref<51200x16xf32, #tpu.memory_space<hbm>>, %arg7: memref<51200x16xf32, #tpu.memory_space<hbm>>, %arg8: memref<51200x16xf32, #tpu.memory_space<hbm>>, %arg9: memref<51200x16xf32, #tpu.memory_space<vmem_shared>>, %arg10: memref<1024xi32, #tpu.memory_space<vmem>>, %arg11: memref<1024xi32, #tpu.memory_space<vmem>>, %arg12: memref<1024xi32, #tpu.memory_space<vmem>>, %arg13: memref<1024xi32, #tpu.memory_space<vmem>>, %arg14: memref<1024x16xf32, #tpu.memory_space<vmem>>, %arg15: memref<1024x16xf32, #tpu.memory_space<vmem>>, %arg16: memref<!tpu.dma_semaphore, #tpu.memory_space<semaphore_mem>>, %arg17: memref<!tpu.dma_semaphore, #tpu.memory_space<semaphore_mem>>, %arg18: memref<!tpu.dma_semaphore, #tpu.memory_space<semaphore_mem>>, %arg19: memref<!tpu.dma_semaphore, #tpu.memory_space<semaphore_mem>>) attributes {dimension_semantics = [#tpu.dimension_semantics<core_parallel>, #tpu.dimension_semantics<subcore_parallel>], iteration_bounds = array<i64: 2, 16>, scalar_prefetch = 0 : i64, scratch_operands = 11 : i64, tpu.core_type = #tpu.core_type<sc_vector_subcore>, window_params = [{transform_indices = #map}, {transform_indices = #map1}, {transform_indices = #map1}, {transform_indices = #map1}, {transform_indices = #map}, {transform_indices = #map}, {transform_indices = #map}]} {
    %mul3A = arith.constant 3200 : i32
    %mul3A_0 = arith.muli %arg1, %mul3A : i32
    "tpu.region"() ({
      %run_scoped3A = tpu.sem_alloc : memref<!tpu.dma_semaphore, #tpu.memory_space<semaphore_mem>>
      %dma_start3A = arith.constant 0 : i32
      %dma_start3A_18 = tpu.memref_slice %arg9[%mul3A_0, %dma_start3A] : memref<51200x16xf32, #tpu.memory_space<vmem_shared>> -> memref<3200x16xf32, #tpu.memory_space<vmem_shared>>
      %dma_start3A_19 = arith.constant 0 : i32
      %dma_start3A_20 = tpu.memref_slice %arg6[%mul3A_0, %dma_start3A_19] : memref<51200x16xf32, #tpu.memory_space<hbm>> -> memref<3200x16xf32, #tpu.memory_space<hbm>>
      tpu.enqueue_dma source(%dma_start3A_20 : memref<3200x16xf32, #tpu.memory_space<hbm>>) target(%dma_start3A_18 : memref<3200x16xf32, #tpu.memory_space<vmem_shared>>) target_semaphore(%run_scoped3A : memref<!tpu.dma_semaphore, #tpu.memory_space<semaphore_mem>>)
      %dma_wait3A = arith.constant 0 : i32
      %dma_wait3A_21 = tpu.memref_slice %arg9[%mul3A_0, %dma_wait3A] : memref<51200x16xf32, #tpu.memory_space<vmem_shared>> -> memref<3200x16xf32, #tpu.memory_space<vmem_shared>>
      %dma_wait3A_22 = arith.constant 0 : i32
      %dma_wait3A_23 = tpu.memref_slice %arg6[%mul3A_0, %dma_wait3A_22] : memref<51200x16xf32, #tpu.memory_space<hbm>> -> memref<3200x16xf32, #tpu.memory_space<hbm>>
      tpu.wait_dma2 semaphore(%run_scoped3A : memref<!tpu.dma_semaphore, #tpu.memory_space<semaphore_mem>>) src(%dma_wait3A_23 : memref<3200x16xf32, #tpu.memory_space<hbm>>) dst(%dma_wait3A_21 : memref<3200x16xf32, #tpu.memory_space<vmem_shared>>)
      tpu.yield
    }) : () -> ()
    %barrier3A = arith.constant 0 : index
    tpu.barrier barrier_id(%barrier3A)
    %mul3A_1 = arith.constant 16 : i32
    %mul3A_2 = arith.muli %arg0, %mul3A_1 : i32
    %add3A = arith.addi %mul3A_2, %arg1 : i32
    %mul3A_3 = arith.constant 100352 : i32
    %mul3A_4 = arith.muli %add3A, %mul3A_3 : i32
    %scan3A = arith.constant 0 : i32
    %scan3A_5 = arith.constant 0 : i32
    %scan3A_6 = arith.constant 49 : i32
    %scan3A_7 = arith.addi %scan3A_5, %scan3A_6 : i32
    %scan3A_8 = arith.constant 1 : i32
    scf.for %scan3A_18 = %scan3A_5 to %scan3A_7 step %scan3A_8  : i32 {
      %mul3A_19 = arith.constant 2 : i32
      %mul3A_20 = arith.muli %scan3A_18, %mul3A_19 : i32
      %mul3A_21 = arith.constant 1024 : i32
      %mul3A_22 = arith.muli %mul3A_20, %mul3A_21 : i32
      %add3A_23 = arith.addi %mul3A_4, %mul3A_22 : i32
      %eq3A_24 = arith.constant 0 : i32
      %eq3A_25 = arith.cmpi eq, %arg0, %eq3A_24 : i32
      %convert_element_type3A_26 = arith.extui %eq3A_25 : i1 to i32
      %cond3A_27 = arith.constant 0 : i32
      %cond3A_28 = arith.cmpi ne, %convert_element_type3A_26, %cond3A_27 : i32
      scf.if %cond3A_28 {
        "tpu.region"() ({
          %run_scoped3A = tpu.sem_alloc : memref<!tpu.dma_semaphore, #tpu.memory_space<semaphore_mem>>
          %dma_start3A_68 = tpu.memref_slice %arg3[%add3A_23] : memref<3211264xi32, #tpu.memory_space<hbm>> -> memref<1024xi32, #tpu.memory_space<hbm>>
          %dma_start3A_69 = tpu.memref_slice %arg3[%add3A_23] : memref<3211264xi32, #tpu.memory_space<hbm>> -> memref<1024xi32, #tpu.memory_space<hbm>>
          tpu.enqueue_dma source(%dma_start3A_69 : memref<1024xi32, #tpu.memory_space<hbm>>) target(%arg10 : memref<1024xi32, #tpu.memory_space<vmem>>) target_semaphore(%run_scoped3A : memref<!tpu.dma_semaphore, #tpu.memory_space<semaphore_mem>>)
          %dma_wait3A_70 = tpu.memref_slice %arg3[%add3A_23] : memref<3211264xi32, #tpu.memory_space<hbm>> -> memref<1024xi32, #tpu.memory_space<hbm>>
          %dma_wait3A_71 = tpu.memref_slice %arg3[%add3A_23] : memref<3211264xi32, #tpu.memory_space<hbm>> -> memref<1024xi32, #tpu.memory_space<hbm>>
          tpu.wait_dma2 semaphore(%run_scoped3A : memref<!tpu.dma_semaphore, #tpu.memory_space<semaphore_mem>>) src(%dma_wait3A_71 : memref<1024xi32, #tpu.memory_space<hbm>>) dst(%arg10 : memref<1024xi32, #tpu.memory_space<vmem>>)
          tpu.yield
        }) : () -> ()
      } else {
      }
      %eq3A_29 = arith.constant 1 : i32
      %eq3A_30 = arith.cmpi eq, %arg0, %eq3A_29 : i32
      %convert_element_type3A_31 = arith.extui %eq3A_30 : i1 to i32
      %cond3A_32 = arith.constant 0 : i32
      %cond3A_33 = arith.cmpi ne, %convert_element_type3A_31, %cond3A_32 : i32
      scf.if %cond3A_33 {
        "tpu.region"() ({
          %run_scoped3A = tpu.sem_alloc : memref<!tpu.dma_semaphore, #tpu.memory_space<semaphore_mem>>
          %dma_start3A_68 = tpu.memref_slice %arg4[%add3A_23] : memref<3211264xi32, #tpu.memory_space<hbm>> -> memref<1024xi32, #tpu.memory_space<hbm>>
          %dma_start3A_69 = tpu.memref_slice %arg4[%add3A_23] : memref<3211264xi32, #tpu.memory_space<hbm>> -> memref<1024xi32, #tpu.memory_space<hbm>>
          tpu.enqueue_dma source(%dma_start3A_69 : memref<1024xi32, #tpu.memory_space<hbm>>) target(%arg10 : memref<1024xi32, #tpu.memory_space<vmem>>) target_semaphore(%run_scoped3A : memref<!tpu.dma_semaphore, #tpu.memory_space<semaphore_mem>>)
          %dma_wait3A_70 = tpu.memref_slice %arg4[%add3A_23] : memref<3211264xi32, #tpu.memory_space<hbm>> -> memref<1024xi32, #tpu.memory_space<hbm>>
          %dma_wait3A_71 = tpu.memref_slice %arg4[%add3A_23] : memref<3211264xi32, #tpu.memory_space<hbm>> -> memref<1024xi32, #tpu.memory_space<hbm>>
          tpu.wait_dma2 semaphore(%run_scoped3A : memref<!tpu.dma_semaphore, #tpu.memory_space<semaphore_mem>>) src(%dma_wait3A_71 : memref<1024xi32, #tpu.memory_space<hbm>>) dst(%arg10 : memref<1024xi32, #tpu.memory_space<vmem>>)
          tpu.yield
        }) : () -> ()
      } else {
      }
      "tpu.region"() ({
        %run_scoped3A = tpu.sem_alloc : memref<!tpu.dma_semaphore, #tpu.memory_space<semaphore_mem>>
        %dma_start3A_68 = tpu.memref_slice %arg5[%add3A_23] : memref<3211264xi32, #tpu.memory_space<hbm>> -> memref<1024xi32, #tpu.memory_space<hbm>>
        %dma_start3A_69 = tpu.memref_slice %arg5[%add3A_23] : memref<3211264xi32, #tpu.memory_space<hbm>> -> memref<1024xi32, #tpu.memory_space<hbm>>
        tpu.enqueue_dma source(%dma_start3A_69 : memref<1024xi32, #tpu.memory_space<hbm>>) target(%arg12 : memref<1024xi32, #tpu.memory_space<vmem>>) target_semaphore(%run_scoped3A : memref<!tpu.dma_semaphore, #tpu.memory_space<semaphore_mem>>)
        %dma_wait3A_70 = tpu.memref_slice %arg5[%add3A_23] : memref<3211264xi32, #tpu.memory_space<hbm>> -> memref<1024xi32, #tpu.memory_space<hbm>>
        %dma_wait3A_71 = tpu.memref_slice %arg5[%add3A_23] : memref<3211264xi32, #tpu.memory_space<hbm>> -> memref<1024xi32, #tpu.memory_space<hbm>>
        tpu.wait_dma2 semaphore(%run_scoped3A : memref<!tpu.dma_semaphore, #tpu.memory_space<semaphore_mem>>) src(%dma_wait3A_71 : memref<1024xi32, #tpu.memory_space<hbm>>) dst(%arg12 : memref<1024xi32, #tpu.memory_space<vmem>>)
        tpu.yield
      }) : () -> ()
      %dma_start3A = arith.constant 0 : i32
      %dma_start3A_34 = arith.constant 0 : i32
      %dma_start3A_35 = tpu.memref_slice %arg2[%dma_start3A, %dma_start3A_34] : memref<51200x16xf32, #tpu.memory_space<hbm>> -> memref<51200x16xf32, #tpu.memory_space<hbm>>
      tpu.enqueue_indirect_dma source(%dma_start3A_35 : memref<51200x16xf32, #tpu.memory_space<hbm>>) target(%arg14 : memref<1024x16xf32, #tpu.memory_space<vmem>>) offsets(%arg10 : memref<1024xi32, #tpu.memory_space<vmem>>) semaphore(%arg16 : memref<!tpu.dma_semaphore, #tpu.memory_space<semaphore_mem>>)
      %add3A_36 = arith.constant 1024 : i32
      %add3A_37 = arith.addi %add3A_23, %add3A_36 : i32
      %eq3A_38 = arith.constant 0 : i32
      %eq3A_39 = arith.cmpi eq, %arg0, %eq3A_38 : i32
      %convert_element_type3A_40 = arith.extui %eq3A_39 : i1 to i32
      %cond3A_41 = arith.constant 0 : i32
      %cond3A_42 = arith.cmpi ne, %convert_element_type3A_40, %cond3A_41 : i32
      scf.if %cond3A_42 {
        "tpu.region"() ({
          %run_scoped3A = tpu.sem_alloc : memref<!tpu.dma_semaphore, #tpu.memory_space<semaphore_mem>>
          %dma_start3A_68 = tpu.memref_slice %arg3[%add3A_37] : memref<3211264xi32, #tpu.memory_space<hbm>> -> memref<1024xi32, #tpu.memory_space<hbm>>
          %dma_start3A_69 = tpu.memref_slice %arg3[%add3A_37] : memref<3211264xi32, #tpu.memory_space<hbm>> -> memref<1024xi32, #tpu.memory_space<hbm>>
          tpu.enqueue_dma source(%dma_start3A_69 : memref<1024xi32, #tpu.memory_space<hbm>>) target(%arg11 : memref<1024xi32, #tpu.memory_space<vmem>>) target_semaphore(%run_scoped3A : memref<!tpu.dma_semaphore, #tpu.memory_space<semaphore_mem>>)
          %dma_wait3A_70 = tpu.memref_slice %arg3[%add3A_37] : memref<3211264xi32, #tpu.memory_space<hbm>> -> memref<1024xi32, #tpu.memory_space<hbm>>
          %dma_wait3A_71 = tpu.memref_slice %arg3[%add3A_37] : memref<3211264xi32, #tpu.memory_space<hbm>> -> memref<1024xi32, #tpu.memory_space<hbm>>
          tpu.wait_dma2 semaphore(%run_scoped3A : memref<!tpu.dma_semaphore, #tpu.memory_space<semaphore_mem>>) src(%dma_wait3A_71 : memref<1024xi32, #tpu.memory_space<hbm>>) dst(%arg11 : memref<1024xi32, #tpu.memory_space<vmem>>)
          tpu.yield
        }) : () -> ()
      } else {
      }
      %eq3A_43 = arith.constant 1 : i32
      %eq3A_44 = arith.cmpi eq, %arg0, %eq3A_43 : i32
      %convert_element_type3A_45 = arith.extui %eq3A_44 : i1 to i32
      %cond3A_46 = arith.constant 0 : i32
      %cond3A_47 = arith.cmpi ne, %convert_element_type3A_45, %cond3A_46 : i32
      scf.if %cond3A_47 {
        "tpu.region"() ({
          %run_scoped3A = tpu.sem_alloc : memref<!tpu.dma_semaphore, #tpu.memory_space<semaphore_mem>>
          %dma_start3A_68 = tpu.memref_slice %arg4[%add3A_37] : memref<3211264xi32, #tpu.memory_space<hbm>> -> memref<1024xi32, #tpu.memory_space<hbm>>
          %dma_start3A_69 = tpu.memref_slice %arg4[%add3A_37] : memref<3211264xi32, #tpu.memory_space<hbm>> -> memref<1024xi32, #tpu.memory_space<hbm>>
          tpu.enqueue_dma source(%dma_start3A_69 : memref<1024xi32, #tpu.memory_space<hbm>>) target(%arg11 : memref<1024xi32, #tpu.memory_space<vmem>>) target_semaphore(%run_scoped3A : memref<!tpu.dma_semaphore, #tpu.memory_space<semaphore_mem>>)
          %dma_wait3A_70 = tpu.memref_slice %arg4[%add3A_37] : memref<3211264xi32, #tpu.memory_space<hbm>> -> memref<1024xi32, #tpu.memory_space<hbm>>
          %dma_wait3A_71 = tpu.memref_slice %arg4[%add3A_37] : memref<3211264xi32, #tpu.memory_space<hbm>> -> memref<1024xi32, #tpu.memory_space<hbm>>
          tpu.wait_dma2 semaphore(%run_scoped3A : memref<!tpu.dma_semaphore, #tpu.memory_space<semaphore_mem>>) src(%dma_wait3A_71 : memref<1024xi32, #tpu.memory_space<hbm>>) dst(%arg11 : memref<1024xi32, #tpu.memory_space<vmem>>)
          tpu.yield
        }) : () -> ()
      } else {
      }
      "tpu.region"() ({
        %run_scoped3A = tpu.sem_alloc : memref<!tpu.dma_semaphore, #tpu.memory_space<semaphore_mem>>
        %dma_start3A_68 = tpu.memref_slice %arg5[%add3A_37] : memref<3211264xi32, #tpu.memory_space<hbm>> -> memref<1024xi32, #tpu.memory_space<hbm>>
        %dma_start3A_69 = tpu.memref_slice %arg5[%add3A_37] : memref<3211264xi32, #tpu.memory_space<hbm>> -> memref<1024xi32, #tpu.memory_space<hbm>>
        tpu.enqueue_dma source(%dma_start3A_69 : memref<1024xi32, #tpu.memory_space<hbm>>) target(%arg13 : memref<1024xi32, #tpu.memory_space<vmem>>) target_semaphore(%run_scoped3A : memref<!tpu.dma_semaphore, #tpu.memory_space<semaphore_mem>>)
        %dma_wait3A_70 = tpu.memref_slice %arg5[%add3A_37] : memref<3211264xi32, #tpu.memory_space<hbm>> -> memref<1024xi32, #tpu.memory_space<hbm>>
        %dma_wait3A_71 = tpu.memref_slice %arg5[%add3A_37] : memref<3211264xi32, #tpu.memory_space<hbm>> -> memref<1024xi32, #tpu.memory_space<hbm>>
        tpu.wait_dma2 semaphore(%run_scoped3A : memref<!tpu.dma_semaphore, #tpu.memory_space<semaphore_mem>>) src(%dma_wait3A_71 : memref<1024xi32, #tpu.memory_space<hbm>>) dst(%arg13 : memref<1024xi32, #tpu.memory_space<vmem>>)
        tpu.yield
      }) : () -> ()
      %dma_start3A_48 = arith.constant 0 : i32
      %dma_start3A_49 = arith.constant 0 : i32
      %dma_start3A_50 = tpu.memref_slice %arg2[%dma_start3A_48, %dma_start3A_49] : memref<51200x16xf32, #tpu.memory_space<hbm>> -> memref<51200x16xf32, #tpu.memory_space<hbm>>
      tpu.enqueue_indirect_dma source(%dma_start3A_50 : memref<51200x16xf32, #tpu.memory_space<hbm>>) target(%arg15 : memref<1024x16xf32, #tpu.memory_space<vmem>>) offsets(%arg11 : memref<1024xi32, #tpu.memory_space<vmem>>) semaphore(%arg17 : memref<!tpu.dma_semaphore, #tpu.memory_space<semaphore_mem>>)
      %dma_wait3A = arith.constant 0 : i32
      %dma_wait3A_51 = arith.constant 0 : i32
      %dma_wait3A_52 = tpu.memref_slice %arg2[%dma_wait3A, %dma_wait3A_51] : memref<51200x16xf32, #tpu.memory_space<hbm>> -> memref<51200x16xf32, #tpu.memory_space<hbm>>
      tpu.wait_indirect_dma semaphore(%arg16 : memref<!tpu.dma_semaphore, #tpu.memory_space<semaphore_mem>>) src(%dma_wait3A_52 : memref<51200x16xf32, #tpu.memory_space<hbm>>) dst(%arg14 : memref<1024x16xf32, #tpu.memory_space<vmem>>)
      %dma_start3A_53 = arith.constant 0 : i32
      %dma_start3A_54 = arith.constant 0 : i32
      %dma_start3A_55 = tpu.memref_slice %arg9[%dma_start3A_53, %dma_start3A_54] : memref<51200x16xf32, #tpu.memory_space<vmem_shared>> -> memref<51200x16xf32, #tpu.memory_space<vmem_shared>>
      tpu.enqueue_indirect_dma source(%arg14 : memref<1024x16xf32, #tpu.memory_space<vmem>>) target(%dma_start3A_55 : memref<51200x16xf32, #tpu.memory_space<vmem_shared>>) offsets(%arg12 : memref<1024xi32, #tpu.memory_space<vmem>>) semaphore(%arg18 : memref<!tpu.dma_semaphore, #tpu.memory_space<semaphore_mem>>) {add = true}
      %dma_wait3A_56 = arith.constant 0 : i32
      %dma_wait3A_57 = arith.constant 0 : i32
      %dma_wait3A_58 = tpu.memref_slice %arg2[%dma_wait3A_56, %dma_wait3A_57] : memref<51200x16xf32, #tpu.memory_space<hbm>> -> memref<51200x16xf32, #tpu.memory_space<hbm>>
      tpu.wait_indirect_dma semaphore(%arg17 : memref<!tpu.dma_semaphore, #tpu.memory_space<semaphore_mem>>) src(%dma_wait3A_58 : memref<51200x16xf32, #tpu.memory_space<hbm>>) dst(%arg15 : memref<1024x16xf32, #tpu.memory_space<vmem>>)
      %dma_start3A_59 = arith.constant 0 : i32
      %dma_start3A_60 = arith.constant 0 : i32
      %dma_start3A_61 = tpu.memref_slice %arg9[%dma_start3A_59, %dma_start3A_60] : memref<51200x16xf32, #tpu.memory_space<vmem_shared>> -> memref<51200x16xf32, #tpu.memory_space<vmem_shared>>
      tpu.enqueue_indirect_dma source(%arg15 : memref<1024x16xf32, #tpu.memory_space<vmem>>) target(%dma_start3A_61 : memref<51200x16xf32, #tpu.memory_space<vmem_shared>>) offsets(%arg13 : memref<1024xi32, #tpu.memory_space<vmem>>) semaphore(%arg19 : memref<!tpu.dma_semaphore, #tpu.memory_space<semaphore_mem>>) {add = true}
      %dma_wait3A_62 = arith.constant 0 : i32
      %dma_wait3A_63 = arith.constant 0 : i32
      %dma_wait3A_64 = tpu.memref_slice %arg9[%dma_wait3A_62, %dma_wait3A_63] : memref<51200x16xf32, #tpu.memory_space<vmem_shared>> -> memref<51200x16xf32, #tpu.memory_space<vmem_shared>>
      tpu.wait_indirect_dma semaphore(%arg18 : memref<!tpu.dma_semaphore, #tpu.memory_space<semaphore_mem>>) src(%arg14 : memref<1024x16xf32, #tpu.memory_space<vmem>>) dst(%dma_wait3A_64 : memref<51200x16xf32, #tpu.memory_space<vmem_shared>>)
      %dma_wait3A_65 = arith.constant 0 : i32
      %dma_wait3A_66 = arith.constant 0 : i32
      %dma_wait3A_67 = tpu.memref_slice %arg9[%dma_wait3A_65, %dma_wait3A_66] : memref<51200x16xf32, #tpu.memory_space<vmem_shared>> -> memref<51200x16xf32, #tpu.memory_space<vmem_shared>>
      tpu.wait_indirect_dma semaphore(%arg19 : memref<!tpu.dma_semaphore, #tpu.memory_space<semaphore_mem>>) src(%arg15 : memref<1024x16xf32, #tpu.memory_space<vmem>>) dst(%dma_wait3A_67 : memref<51200x16xf32, #tpu.memory_space<vmem_shared>>)
    }
    %scan3A_9 = arith.constant 49 : i32
    %barrier3A_10 = arith.constant 0 : index
    tpu.barrier barrier_id(%barrier3A_10)
    %eq3A = arith.constant 0 : i32
    %eq3A_11 = arith.cmpi eq, %arg0, %eq3A : i32
    %convert_element_type3A = arith.extui %eq3A_11 : i1 to i32
    %cond3A = arith.constant 0 : i32
    %cond3A_12 = arith.cmpi ne, %convert_element_type3A, %cond3A : i32
    scf.if %cond3A_12 {
      "tpu.region"() ({
        %run_scoped3A = tpu.sem_alloc : memref<!tpu.dma_semaphore, #tpu.memory_space<semaphore_mem>>
        %dma_start3A = arith.constant 0 : i32
        %dma_start3A_18 = tpu.memref_slice %arg7[%mul3A_0, %dma_start3A] : memref<51200x16xf32, #tpu.memory_space<hbm>> -> memref<3200x16xf32, #tpu.memory_space<hbm>>
        %dma_start3A_19 = arith.constant 0 : i32
        %dma_start3A_20 = tpu.memref_slice %arg9[%mul3A_0, %dma_start3A_19] : memref<51200x16xf32, #tpu.memory_space<vmem_shared>> -> memref<3200x16xf32, #tpu.memory_space<vmem_shared>>
        tpu.enqueue_dma source(%dma_start3A_20 : memref<3200x16xf32, #tpu.memory_space<vmem_shared>>) target(%dma_start3A_18 : memref<3200x16xf32, #tpu.memory_space<hbm>>) target_semaphore(%run_scoped3A : memref<!tpu.dma_semaphore, #tpu.memory_space<semaphore_mem>>)
        %dma_wait3A = arith.constant 0 : i32
        %dma_wait3A_21 = tpu.memref_slice %arg7[%mul3A_0, %dma_wait3A] : memref<51200x16xf32, #tpu.memory_space<hbm>> -> memref<3200x16xf32, #tpu.memory_space<hbm>>
        %dma_wait3A_22 = arith.constant 0 : i32
        %dma_wait3A_23 = tpu.memref_slice %arg9[%mul3A_0, %dma_wait3A_22] : memref<51200x16xf32, #tpu.memory_space<vmem_shared>> -> memref<3200x16xf32, #tpu.memory_space<vmem_shared>>
        tpu.wait_dma2 semaphore(%run_scoped3A : memref<!tpu.dma_semaphore, #tpu.memory_space<semaphore_mem>>) src(%dma_wait3A_23 : memref<3200x16xf32, #tpu.memory_space<vmem_shared>>) dst(%dma_wait3A_21 : memref<3200x16xf32, #tpu.memory_space<hbm>>)
        tpu.yield
      }) : () -> ()
    } else {
    }
    %eq3A_13 = arith.constant 1 : i32
    %eq3A_14 = arith.cmpi eq, %arg0, %eq3A_13 : i32
    %convert_element_type3A_15 = arith.extui %eq3A_14 : i1 to i32
    %cond3A_16 = arith.constant 0 : i32
    %cond3A_17 = arith.cmpi ne, %convert_element_type3A_15, %cond3A_16 : i32
    scf.if %cond3A_17 {
      "tpu.region"() ({
        %run_scoped3A = tpu.sem_alloc : memref<!tpu.dma_semaphore, #tpu.memory_space<semaphore_mem>>
        %dma_start3A = arith.constant 0 : i32
        %dma_start3A_18 = tpu.memref_slice %arg8[%mul3A_0, %dma_start3A] : memref<51200x16xf32, #tpu.memory_space<hbm>> -> memref<3200x16xf32, #tpu.memory_space<hbm>>
        %dma_start3A_19 = arith.constant 0 : i32
        %dma_start3A_20 = tpu.memref_slice %arg9[%mul3A_0, %dma_start3A_19] : memref<51200x16xf32, #tpu.memory_space<vmem_shared>> -> memref<3200x16xf32, #tpu.memory_space<vmem_shared>>
        tpu.enqueue_dma source(%dma_start3A_20 : memref<3200x16xf32, #tpu.memory_space<vmem_shared>>) target(%dma_start3A_18 : memref<3200x16xf32, #tpu.memory_space<hbm>>) target_semaphore(%run_scoped3A : memref<!tpu.dma_semaphore, #tpu.memory_space<semaphore_mem>>)
        %dma_wait3A = arith.constant 0 : i32
        %dma_wait3A_21 = tpu.memref_slice %arg8[%mul3A_0, %dma_wait3A] : memref<51200x16xf32, #tpu.memory_space<hbm>> -> memref<3200x16xf32, #tpu.memory_space<hbm>>
        %dma_wait3A_22 = arith.constant 0 : i32
        %dma_wait3A_23 = tpu.memref_slice %arg9[%mul3A_0, %dma_wait3A_22] : memref<51200x16xf32, #tpu.memory_space<vmem_shared>> -> memref<3200x16xf32, #tpu.memory_space<vmem_shared>>
        tpu.wait_dma2 semaphore(%run_scoped3A : memref<!tpu.dma_semaphore, #tpu.memory_space<semaphore_mem>>) src(%dma_wait3A_23 : memref<3200x16xf32, #tpu.memory_space<vmem_shared>>) dst(%dma_wait3A_21 : memref<3200x16xf32, #tpu.memory_space<hbm>>)
        tpu.yield
      }) : () -> ()
    } else {
    }
    return
  }
}

#map = affine_map<(d0, d1) -> (0, 0)>
#map1 = affine_map<(d0, d1) -> (0)>
module attributes {stable_mosaic.version = 14 : i64} {
  func.func @prop_kernel(%arg0: i32, %arg1: i32, %arg2: memref<51200x16xf32, #tpu.memory_space<hbm>>, %arg3: memref<3211264xi32, #tpu.memory_space<hbm>>, %arg4: memref<3211264xi32, #tpu.memory_space<hbm>>, %arg5: memref<3211264xi32, #tpu.memory_space<hbm>>, %arg6: memref<51200x16xf32, #tpu.memory_space<hbm>>, %arg7: memref<51200x16xf32, #tpu.memory_space<hbm>>, %arg8: memref<51200x16xf32, #tpu.memory_space<hbm>>, %arg9: memref<51200x16xf32, #tpu.memory_space<vmem_shared>>, %arg10: memref<1024xi32, #tpu.memory_space<vmem>>, %arg11: memref<1024xi32, #tpu.memory_space<vmem>>, %arg12: memref<1024xi32, #tpu.memory_space<vmem>>, %arg13: memref<1024xi32, #tpu.memory_space<vmem>>, %arg14: memref<1024x16xf32, #tpu.memory_space<vmem>>, %arg15: memref<1024x16xf32, #tpu.memory_space<vmem>>, %arg16: memref<!tpu.dma_semaphore, #tpu.memory_space<semaphore_mem>>, %arg17: memref<!tpu.dma_semaphore, #tpu.memory_space<semaphore_mem>>, %arg18: memref<!tpu.dma_semaphore, #tpu.memory_space<semaphore_mem>>, %arg19: memref<!tpu.dma_semaphore, #tpu.memory_space<semaphore_mem>>) attributes {dimension_semantics = [#tpu.dimension_semantics<core_parallel>, #tpu.dimension_semantics<subcore_parallel>], iteration_bounds = array<i64: 2, 16>, scalar_prefetch = 0 : i64, scratch_operands = 11 : i64, tpu.core_type = #tpu.core_type<sc_vector_subcore>, window_params = [{transform_indices = #map}, {transform_indices = #map1}, {transform_indices = #map1}, {transform_indices = #map1}, {transform_indices = #map}, {transform_indices = #map}, {transform_indices = #map}]} {
    %mul3A = arith.constant 3200 : i32
    %mul3A_0 = arith.muli %arg1, %mul3A : i32
    "tpu.region"() ({
      %run_scoped3A = tpu.sem_alloc : memref<!tpu.dma_semaphore, #tpu.memory_space<semaphore_mem>>
      %dma_start3A = arith.constant 0 : i32
      %dma_start3A_18 = tpu.memref_slice %arg9[%mul3A_0, %dma_start3A] : memref<51200x16xf32, #tpu.memory_space<vmem_shared>> -> memref<3200x16xf32, #tpu.memory_space<vmem_shared>>
      %dma_start3A_19 = arith.constant 0 : i32
      %dma_start3A_20 = tpu.memref_slice %arg6[%mul3A_0, %dma_start3A_19] : memref<51200x16xf32, #tpu.memory_space<hbm>> -> memref<3200x16xf32, #tpu.memory_space<hbm>>
      tpu.enqueue_dma source(%dma_start3A_20 : memref<3200x16xf32, #tpu.memory_space<hbm>>) target(%dma_start3A_18 : memref<3200x16xf32, #tpu.memory_space<vmem_shared>>) target_semaphore(%run_scoped3A : memref<!tpu.dma_semaphore, #tpu.memory_space<semaphore_mem>>)
      %dma_wait3A = arith.constant 0 : i32
      %dma_wait3A_21 = tpu.memref_slice %arg9[%mul3A_0, %dma_wait3A] : memref<51200x16xf32, #tpu.memory_space<vmem_shared>> -> memref<3200x16xf32, #tpu.memory_space<vmem_shared>>
      %dma_wait3A_22 = arith.constant 0 : i32
      %dma_wait3A_23 = tpu.memref_slice %arg6[%mul3A_0, %dma_wait3A_22] : memref<51200x16xf32, #tpu.memory_space<hbm>> -> memref<3200x16xf32, #tpu.memory_space<hbm>>
      tpu.wait_dma2 semaphore(%run_scoped3A : memref<!tpu.dma_semaphore, #tpu.memory_space<semaphore_mem>>) src(%dma_wait3A_23 : memref<3200x16xf32, #tpu.memory_space<hbm>>) dst(%dma_wait3A_21 : memref<3200x16xf32, #tpu.memory_space<vmem_shared>>)
      tpu.yield
    }) : () -> ()
    %barrier3A = arith.constant 0 : index
    tpu.barrier barrier_id(%barrier3A)
    %mul3A_1 = arith.constant 16 : i32
    %mul3A_2 = arith.muli %arg0, %mul3A_1 : i32
    %add3A = arith.addi %mul3A_2, %arg1 : i32
    %mul3A_3 = arith.constant 100352 : i32
    %mul3A_4 = arith.muli %add3A, %mul3A_3 : i32
    %scan3A = arith.constant 0 : i32
    %scan3A_5 = arith.constant 0 : i32
    %scan3A_6 = arith.constant 49 : i32
    %scan3A_7 = arith.addi %scan3A_5, %scan3A_6 : i32
    %scan3A_8 = arith.constant 1 : i32
    scf.for %scan3A_18 = %scan3A_5 to %scan3A_7 step %scan3A_8  : i32 {
      %mul3A_19 = arith.constant 2 : i32
      %mul3A_20 = arith.muli %scan3A_18, %mul3A_19 : i32
      %mul3A_21 = arith.constant 1024 : i32
      %mul3A_22 = arith.muli %mul3A_20, %mul3A_21 : i32
      %add3A_23 = arith.addi %mul3A_4, %mul3A_22 : i32
      %eq3A_24 = arith.constant 0 : i32
      %eq3A_25 = arith.cmpi eq, %arg0, %eq3A_24 : i32
      %convert_element_type3A_26 = arith.extui %eq3A_25 : i1 to i32
      %cond3A_27 = arith.constant 0 : i32
      %cond3A_28 = arith.cmpi ne, %convert_element_type3A_26, %cond3A_27 : i32
      scf.if %cond3A_28 {
        "tpu.region"() ({
          %run_scoped3A = tpu.sem_alloc : memref<!tpu.dma_semaphore, #tpu.memory_space<semaphore_mem>>
          %dma_start3A_68 = tpu.memref_slice %arg3[%add3A_23] : memref<3211264xi32, #tpu.memory_space<hbm>> -> memref<1024xi32, #tpu.memory_space<hbm>>
          %dma_start3A_69 = tpu.memref_slice %arg3[%add3A_23] : memref<3211264xi32, #tpu.memory_space<hbm>> -> memref<1024xi32, #tpu.memory_space<hbm>>
          tpu.enqueue_dma source(%dma_start3A_69 : memref<1024xi32, #tpu.memory_space<hbm>>) target(%arg10 : memref<1024xi32, #tpu.memory_space<vmem>>) target_semaphore(%run_scoped3A : memref<!tpu.dma_semaphore, #tpu.memory_space<semaphore_mem>>)
          %dma_wait3A_70 = tpu.memref_slice %arg3[%add3A_23] : memref<3211264xi32, #tpu.memory_space<hbm>> -> memref<1024xi32, #tpu.memory_space<hbm>>
          %dma_wait3A_71 = tpu.memref_slice %arg3[%add3A_23] : memref<3211264xi32, #tpu.memory_space<hbm>> -> memref<1024xi32, #tpu.memory_space<hbm>>
          tpu.wait_dma2 semaphore(%run_scoped3A : memref<!tpu.dma_semaphore, #tpu.memory_space<semaphore_mem>>) src(%dma_wait3A_71 : memref<1024xi32, #tpu.memory_space<hbm>>) dst(%arg10 : memref<1024xi32, #tpu.memory_space<vmem>>)
          tpu.yield
        }) : () -> ()
      } else {
      }
      %eq3A_29 = arith.constant 1 : i32
      %eq3A_30 = arith.cmpi eq, %arg0, %eq3A_29 : i32
      %convert_element_type3A_31 = arith.extui %eq3A_30 : i1 to i32
      %cond3A_32 = arith.constant 0 : i32
      %cond3A_33 = arith.cmpi ne, %convert_element_type3A_31, %cond3A_32 : i32
      scf.if %cond3A_33 {
        "tpu.region"() ({
          %run_scoped3A = tpu.sem_alloc : memref<!tpu.dma_semaphore, #tpu.memory_space<semaphore_mem>>
          %dma_start3A_68 = tpu.memref_slice %arg4[%add3A_23] : memref<3211264xi32, #tpu.memory_space<hbm>> -> memref<1024xi32, #tpu.memory_space<hbm>>
          %dma_start3A_69 = tpu.memref_slice %arg4[%add3A_23] : memref<3211264xi32, #tpu.memory_space<hbm>> -> memref<1024xi32, #tpu.memory_space<hbm>>
          tpu.enqueue_dma source(%dma_start3A_69 : memref<1024xi32, #tpu.memory_space<hbm>>) target(%arg10 : memref<1024xi32, #tpu.memory_space<vmem>>) target_semaphore(%run_scoped3A : memref<!tpu.dma_semaphore, #tpu.memory_space<semaphore_mem>>)
          %dma_wait3A_70 = tpu.memref_slice %arg4[%add3A_23] : memref<3211264xi32, #tpu.memory_space<hbm>> -> memref<1024xi32, #tpu.memory_space<hbm>>
          %dma_wait3A_71 = tpu.memref_slice %arg4[%add3A_23] : memref<3211264xi32, #tpu.memory_space<hbm>> -> memref<1024xi32, #tpu.memory_space<hbm>>
          tpu.wait_dma2 semaphore(%run_scoped3A : memref<!tpu.dma_semaphore, #tpu.memory_space<semaphore_mem>>) src(%dma_wait3A_71 : memref<1024xi32, #tpu.memory_space<hbm>>) dst(%arg10 : memref<1024xi32, #tpu.memory_space<vmem>>)
          tpu.yield
        }) : () -> ()
      } else {
      }
      "tpu.region"() ({
        %run_scoped3A = tpu.sem_alloc : memref<!tpu.dma_semaphore, #tpu.memory_space<semaphore_mem>>
        %dma_start3A_68 = tpu.memref_slice %arg5[%add3A_23] : memref<3211264xi32, #tpu.memory_space<hbm>> -> memref<1024xi32, #tpu.memory_space<hbm>>
        %dma_start3A_69 = tpu.memref_slice %arg5[%add3A_23] : memref<3211264xi32, #tpu.memory_space<hbm>> -> memref<1024xi32, #tpu.memory_space<hbm>>
        tpu.enqueue_dma source(%dma_start3A_69 : memref<1024xi32, #tpu.memory_space<hbm>>) target(%arg12 : memref<1024xi32, #tpu.memory_space<vmem>>) target_semaphore(%run_scoped3A : memref<!tpu.dma_semaphore, #tpu.memory_space<semaphore_mem>>)
        %dma_wait3A_70 = tpu.memref_slice %arg5[%add3A_23] : memref<3211264xi32, #tpu.memory_space<hbm>> -> memref<1024xi32, #tpu.memory_space<hbm>>
        %dma_wait3A_71 = tpu.memref_slice %arg5[%add3A_23] : memref<3211264xi32, #tpu.memory_space<hbm>> -> memref<1024xi32, #tpu.memory_space<hbm>>
        tpu.wait_dma2 semaphore(%run_scoped3A : memref<!tpu.dma_semaphore, #tpu.memory_space<semaphore_mem>>) src(%dma_wait3A_71 : memref<1024xi32, #tpu.memory_space<hbm>>) dst(%arg12 : memref<1024xi32, #tpu.memory_space<vmem>>)
        tpu.yield
      }) : () -> ()
      %dma_start3A = arith.constant 0 : i32
      %dma_start3A_34 = arith.constant 0 : i32
      %dma_start3A_35 = tpu.memref_slice %arg2[%dma_start3A, %dma_start3A_34] : memref<51200x16xf32, #tpu.memory_space<hbm>> -> memref<51200x16xf32, #tpu.memory_space<hbm>>
      tpu.enqueue_indirect_dma source(%dma_start3A_35 : memref<51200x16xf32, #tpu.memory_space<hbm>>) target(%arg14 : memref<1024x16xf32, #tpu.memory_space<vmem>>) offsets(%arg10 : memref<1024xi32, #tpu.memory_space<vmem>>) semaphore(%arg16 : memref<!tpu.dma_semaphore, #tpu.memory_space<semaphore_mem>>)
      %add3A_36 = arith.constant 1024 : i32
      %add3A_37 = arith.addi %add3A_23, %add3A_36 : i32
      %eq3A_38 = arith.constant 0 : i32
      %eq3A_39 = arith.cmpi eq, %arg0, %eq3A_38 : i32
      %convert_element_type3A_40 = arith.extui %eq3A_39 : i1 to i32
      %cond3A_41 = arith.constant 0 : i32
      %cond3A_42 = arith.cmpi ne, %convert_element_type3A_40, %cond3A_41 : i32
      scf.if %cond3A_42 {
        "tpu.region"() ({
          %run_scoped3A = tpu.sem_alloc : memref<!tpu.dma_semaphore, #tpu.memory_space<semaphore_mem>>
          %dma_start3A_68 = tpu.memref_slice %arg3[%add3A_37] : memref<3211264xi32, #tpu.memory_space<hbm>> -> memref<1024xi32, #tpu.memory_space<hbm>>
          %dma_start3A_69 = tpu.memref_slice %arg3[%add3A_37] : memref<3211264xi32, #tpu.memory_space<hbm>> -> memref<1024xi32, #tpu.memory_space<hbm>>
          tpu.enqueue_dma source(%dma_start3A_69 : memref<1024xi32, #tpu.memory_space<hbm>>) target(%arg11 : memref<1024xi32, #tpu.memory_space<vmem>>) target_semaphore(%run_scoped3A : memref<!tpu.dma_semaphore, #tpu.memory_space<semaphore_mem>>)
          %dma_wait3A_70 = tpu.memref_slice %arg3[%add3A_37] : memref<3211264xi32, #tpu.memory_space<hbm>> -> memref<1024xi32, #tpu.memory_space<hbm>>
          %dma_wait3A_71 = tpu.memref_slice %arg3[%add3A_37] : memref<3211264xi32, #tpu.memory_space<hbm>> -> memref<1024xi32, #tpu.memory_space<hbm>>
          tpu.wait_dma2 semaphore(%run_scoped3A : memref<!tpu.dma_semaphore, #tpu.memory_space<semaphore_mem>>) src(%dma_wait3A_71 : memref<1024xi32, #tpu.memory_space<hbm>>) dst(%arg11 : memref<1024xi32, #tpu.memory_space<vmem>>)
          tpu.yield
        }) : () -> ()
      } else {
      }
      %eq3A_43 = arith.constant 1 : i32
      %eq3A_44 = arith.cmpi eq, %arg0, %eq3A_43 : i32
      %convert_element_type3A_45 = arith.extui %eq3A_44 : i1 to i32
      %cond3A_46 = arith.constant 0 : i32
      %cond3A_47 = arith.cmpi ne, %convert_element_type3A_45, %cond3A_46 : i32
      scf.if %cond3A_47 {
        "tpu.region"() ({
          %run_scoped3A = tpu.sem_alloc : memref<!tpu.dma_semaphore, #tpu.memory_space<semaphore_mem>>
          %dma_start3A_68 = tpu.memref_slice %arg4[%add3A_37] : memref<3211264xi32, #tpu.memory_space<hbm>> -> memref<1024xi32, #tpu.memory_space<hbm>>
          %dma_start3A_69 = tpu.memref_slice %arg4[%add3A_37] : memref<3211264xi32, #tpu.memory_space<hbm>> -> memref<1024xi32, #tpu.memory_space<hbm>>
          tpu.enqueue_dma source(%dma_start3A_69 : memref<1024xi32, #tpu.memory_space<hbm>>) target(%arg11 : memref<1024xi32, #tpu.memory_space<vmem>>) target_semaphore(%run_scoped3A : memref<!tpu.dma_semaphore, #tpu.memory_space<semaphore_mem>>)
          %dma_wait3A_70 = tpu.memref_slice %arg4[%add3A_37] : memref<3211264xi32, #tpu.memory_space<hbm>> -> memref<1024xi32, #tpu.memory_space<hbm>>
          %dma_wait3A_71 = tpu.memref_slice %arg4[%add3A_37] : memref<3211264xi32, #tpu.memory_space<hbm>> -> memref<1024xi32, #tpu.memory_space<hbm>>
          tpu.wait_dma2 semaphore(%run_scoped3A : memref<!tpu.dma_semaphore, #tpu.memory_space<semaphore_mem>>) src(%dma_wait3A_71 : memref<1024xi32, #tpu.memory_space<hbm>>) dst(%arg11 : memref<1024xi32, #tpu.memory_space<vmem>>)
          tpu.yield
        }) : () -> ()
      } else {
      }
      "tpu.region"() ({
        %run_scoped3A = tpu.sem_alloc : memref<!tpu.dma_semaphore, #tpu.memory_space<semaphore_mem>>
        %dma_start3A_68 = tpu.memref_slice %arg5[%add3A_37] : memref<3211264xi32, #tpu.memory_space<hbm>> -> memref<1024xi32, #tpu.memory_space<hbm>>
        %dma_start3A_69 = tpu.memref_slice %arg5[%add3A_37] : memref<3211264xi32, #tpu.memory_space<hbm>> -> memref<1024xi32, #tpu.memory_space<hbm>>
        tpu.enqueue_dma source(%dma_start3A_69 : memref<1024xi32, #tpu.memory_space<hbm>>) target(%arg13 : memref<1024xi32, #tpu.memory_space<vmem>>) target_semaphore(%run_scoped3A : memref<!tpu.dma_semaphore, #tpu.memory_space<semaphore_mem>>)
        %dma_wait3A_70 = tpu.memref_slice %arg5[%add3A_37] : memref<3211264xi32, #tpu.memory_space<hbm>> -> memref<1024xi32, #tpu.memory_space<hbm>>
        %dma_wait3A_71 = tpu.memref_slice %arg5[%add3A_37] : memref<3211264xi32, #tpu.memory_space<hbm>> -> memref<1024xi32, #tpu.memory_space<hbm>>
        tpu.wait_dma2 semaphore(%run_scoped3A : memref<!tpu.dma_semaphore, #tpu.memory_space<semaphore_mem>>) src(%dma_wait3A_71 : memref<1024xi32, #tpu.memory_space<hbm>>) dst(%arg13 : memref<1024xi32, #tpu.memory_space<vmem>>)
        tpu.yield
      }) : () -> ()
      %dma_start3A_48 = arith.constant 0 : i32
      %dma_start3A_49 = arith.constant 0 : i32
      %dma_start3A_50 = tpu.memref_slice %arg2[%dma_start3A_48, %dma_start3A_49] : memref<51200x16xf32, #tpu.memory_space<hbm>> -> memref<51200x16xf32, #tpu.memory_space<hbm>>
      tpu.enqueue_indirect_dma source(%dma_start3A_50 : memref<51200x16xf32, #tpu.memory_space<hbm>>) target(%arg15 : memref<1024x16xf32, #tpu.memory_space<vmem>>) offsets(%arg11 : memref<1024xi32, #tpu.memory_space<vmem>>) semaphore(%arg17 : memref<!tpu.dma_semaphore, #tpu.memory_space<semaphore_mem>>)
      %dma_wait3A = arith.constant 0 : i32
      %dma_wait3A_51 = arith.constant 0 : i32
      %dma_wait3A_52 = tpu.memref_slice %arg2[%dma_wait3A, %dma_wait3A_51] : memref<51200x16xf32, #tpu.memory_space<hbm>> -> memref<51200x16xf32, #tpu.memory_space<hbm>>
      tpu.wait_indirect_dma semaphore(%arg16 : memref<!tpu.dma_semaphore, #tpu.memory_space<semaphore_mem>>) src(%dma_wait3A_52 : memref<51200x16xf32, #tpu.memory_space<hbm>>) dst(%arg14 : memref<1024x16xf32, #tpu.memory_space<vmem>>)
      %dma_start3A_53 = arith.constant 0 : i32
      %dma_start3A_54 = arith.constant 0 : i32
      %dma_start3A_55 = tpu.memref_slice %arg9[%dma_start3A_53, %dma_start3A_54] : memref<51200x16xf32, #tpu.memory_space<vmem_shared>> -> memref<51200x16xf32, #tpu.memory_space<vmem_shared>>
      tpu.enqueue_indirect_dma source(%arg14 : memref<1024x16xf32, #tpu.memory_space<vmem>>) target(%dma_start3A_55 : memref<51200x16xf32, #tpu.memory_space<vmem_shared>>) offsets(%arg12 : memref<1024xi32, #tpu.memory_space<vmem>>) semaphore(%arg18 : memref<!tpu.dma_semaphore, #tpu.memory_space<semaphore_mem>>) {add = true}
      %dma_wait3A_56 = arith.constant 0 : i32
      %dma_wait3A_57 = arith.constant 0 : i32
      %dma_wait3A_58 = tpu.memref_slice %arg2[%dma_wait3A_56, %dma_wait3A_57] : memref<51200x16xf32, #tpu.memory_space<hbm>> -> memref<51200x16xf32, #tpu.memory_space<hbm>>
      tpu.wait_indirect_dma semaphore(%arg17 : memref<!tpu.dma_semaphore, #tpu.memory_space<semaphore_mem>>) src(%dma_wait3A_58 : memref<51200x16xf32, #tpu.memory_space<hbm>>) dst(%arg15 : memref<1024x16xf32, #tpu.memory_space<vmem>>)
      %dma_start3A_59 = arith.constant 0 : i32
      %dma_start3A_60 = arith.constant 0 : i32
      %dma_start3A_61 = tpu.memref_slice %arg9[%dma_start3A_59, %dma_start3A_60] : memref<51200x16xf32, #tpu.memory_space<vmem_shared>> -> memref<51200x16xf32, #tpu.memory_space<vmem_shared>>
      tpu.enqueue_indirect_dma source(%arg15 : memref<1024x16xf32, #tpu.memory_space<vmem>>) target(%dma_start3A_61 : memref<51200x16xf32, #tpu.memory_space<vmem_shared>>) offsets(%arg13 : memref<1024xi32, #tpu.memory_space<vmem>>) semaphore(%arg19 : memref<!tpu.dma_semaphore, #tpu.memory_space<semaphore_mem>>) {add = true}
      %dma_wait3A_62 = arith.constant 0 : i32
      %dma_wait3A_63 = arith.constant 0 : i32
      %dma_wait3A_64 = tpu.memref_slice %arg9[%dma_wait3A_62, %dma_wait3A_63] : memref<51200x16xf32, #tpu.memory_space<vmem_shared>> -> memref<51200x16xf32, #tpu.memory_space<vmem_shared>>
      tpu.wait_indirect_dma semaphore(%arg18 : memref<!tpu.dma_semaphore, #tpu.memory_space<semaphore_mem>>) src(%arg14 : memref<1024x16xf32, #tpu.memory_space<vmem>>) dst(%dma_wait3A_64 : memref<51200x16xf32, #tpu.memory_space<vmem_shared>>)
      %dma_wait3A_65 = arith.constant 0 : i32
      %dma_wait3A_66 = arith.constant 0 : i32
      %dma_wait3A_67 = tpu.memref_slice %arg9[%dma_wait3A_65, %dma_wait3A_66] : memref<51200x16xf32, #tpu.memory_space<vmem_shared>> -> memref<51200x16xf32, #tpu.memory_space<vmem_shared>>
      tpu.wait_indirect_dma semaphore(%arg19 : memref<!tpu.dma_semaphore, #tpu.memory_space<semaphore_mem>>) src(%arg15 : memref<1024x16xf32, #tpu.memory_space<vmem>>) dst(%dma_wait3A_67 : memref<51200x16xf32, #tpu.memory_space<vmem_shared>>)
    }
    %scan3A_9 = arith.constant 49 : i32
    %barrier3A_10 = arith.constant 0 : index
    tpu.barrier barrier_id(%barrier3A_10)
    %eq3A = arith.constant 0 : i32
    %eq3A_11 = arith.cmpi eq, %arg0, %eq3A : i32
    %convert_element_type3A = arith.extui %eq3A_11 : i1 to i32
    %cond3A = arith.constant 0 : i32
    %cond3A_12 = arith.cmpi ne, %convert_element_type3A, %cond3A : i32
    scf.if %cond3A_12 {
      "tpu.region"() ({
        %run_scoped3A = tpu.sem_alloc : memref<!tpu.dma_semaphore, #tpu.memory_space<semaphore_mem>>
        %dma_start3A = arith.constant 0 : i32
        %dma_start3A_18 = tpu.memref_slice %arg7[%mul3A_0, %dma_start3A] : memref<51200x16xf32, #tpu.memory_space<hbm>> -> memref<3200x16xf32, #tpu.memory_space<hbm>>
        %dma_start3A_19 = arith.constant 0 : i32
        %dma_start3A_20 = tpu.memref_slice %arg9[%mul3A_0, %dma_start3A_19] : memref<51200x16xf32, #tpu.memory_space<vmem_shared>> -> memref<3200x16xf32, #tpu.memory_space<vmem_shared>>
        tpu.enqueue_dma source(%dma_start3A_20 : memref<3200x16xf32, #tpu.memory_space<vmem_shared>>) target(%dma_start3A_18 : memref<3200x16xf32, #tpu.memory_space<hbm>>) target_semaphore(%run_scoped3A : memref<!tpu.dma_semaphore, #tpu.memory_space<semaphore_mem>>)
        %dma_wait3A = arith.constant 0 : i32
        %dma_wait3A_21 = tpu.memref_slice %arg7[%mul3A_0, %dma_wait3A] : memref<51200x16xf32, #tpu.memory_space<hbm>> -> memref<3200x16xf32, #tpu.memory_space<hbm>>
        %dma_wait3A_22 = arith.constant 0 : i32
        %dma_wait3A_23 = tpu.memref_slice %arg9[%mul3A_0, %dma_wait3A_22] : memref<51200x16xf32, #tpu.memory_space<vmem_shared>> -> memref<3200x16xf32, #tpu.memory_space<vmem_shared>>
        tpu.wait_dma2 semaphore(%run_scoped3A : memref<!tpu.dma_semaphore, #tpu.memory_space<semaphore_mem>>) src(%dma_wait3A_23 : memref<3200x16xf32, #tpu.memory_space<vmem_shared>>) dst(%dma_wait3A_21 : memref<3200x16xf32, #tpu.memory_space<hbm>>)
        tpu.yield
      }) : () -> ()
    } else {
    }
    %eq3A_13 = arith.constant 1 : i32
    %eq3A_14 = arith.cmpi eq, %arg0, %eq3A_13 : i32
    %convert_element_type3A_15 = arith.extui %eq3A_14 : i1 to i32
    %cond3A_16 = arith.constant 0 : i32
    %cond3A_17 = arith.cmpi ne, %convert_element_type3A_15, %cond3A_16 : i32
    scf.if %cond3A_17 {
      "tpu.region"() ({
        %run_scoped3A = tpu.sem_alloc : memref<!tpu.dma_semaphore, #tpu.memory_space<semaphore_mem>>
        %dma_start3A = arith.constant 0 : i32
        %dma_start3A_18 = tpu.memref_slice %arg8[%mul3A_0, %dma_start3A] : memref<51200x16xf32, #tpu.memory_space<hbm>> -> memref<3200x16xf32, #tpu.memory_space<hbm>>
        %dma_start3A_19 = arith.constant 0 : i32
        %dma_start3A_20 = tpu.memref_slice %arg9[%mul3A_0, %dma_start3A_19] : memref<51200x16xf32, #tpu.memory_space<vmem_shared>> -> memref<3200x16xf32, #tpu.memory_space<vmem_shared>>
        tpu.enqueue_dma source(%dma_start3A_20 : memref<3200x16xf32, #tpu.memory_space<vmem_shared>>) target(%dma_start3A_18 : memref<3200x16xf32, #tpu.memory_space<hbm>>) target_semaphore(%run_scoped3A : memref<!tpu.dma_semaphore, #tpu.memory_space<semaphore_mem>>)
        %dma_wait3A = arith.constant 0 : i32
        %dma_wait3A_21 = tpu.memref_slice %arg8[%mul3A_0, %dma_wait3A] : memref<51200x16xf32, #tpu.memory_space<hbm>> -> memref<3200x16xf32, #tpu.memory_space<hbm>>
        %dma_wait3A_22 = arith.constant 0 : i32
        %dma_wait3A_23 = tpu.memref_slice %arg9[%mul3A_0, %dma_wait3A_22] : memref<51200x16xf32, #tpu.memory_space<vmem_shared>> -> memref<3200x16xf32, #tpu.memory_space<vmem_shared>>
        tpu.wait_dma2 semaphore(%run_scoped3A : memref<!tpu.dma_semaphore, #tpu.memory_space<semaphore_mem>>) src(%dma_wait3A_23 : memref<3200x16xf32, #tpu.memory_space<vmem_shared>>) dst(%dma_wait3A_21 : memref<3200x16xf32, #tpu.memory_space<hbm>>)
        tpu.yield
      }) : () -> ()
    } else {
    }
    return
  }
}

#map = affine_map<(d0, d1) -> (0, 0)>
#map1 = affine_map<(d0, d1) -> (0)>
module attributes {stable_mosaic.version = 14 : i64} {
  func.func @prop_kernel(%arg0: i32, %arg1: i32, %arg2: memref<102400x16xf32, #tpu.memory_space<hbm>>, %arg3: memref<3211264xi32, #tpu.memory_space<hbm>>, %arg4: memref<3211264xi32, #tpu.memory_space<hbm>>, %arg5: memref<3211264xi32, #tpu.memory_space<hbm>>, %arg6: memref<51200x16xf32, #tpu.memory_space<hbm>>, %arg7: memref<51200x16xf32, #tpu.memory_space<hbm>>, %arg8: memref<51200x16xf32, #tpu.memory_space<hbm>>, %arg9: memref<51200x16xf32, #tpu.memory_space<vmem_shared>>, %arg10: memref<1024xi32, #tpu.memory_space<vmem>>, %arg11: memref<1024xi32, #tpu.memory_space<vmem>>, %arg12: memref<1024xi32, #tpu.memory_space<vmem>>, %arg13: memref<1024xi32, #tpu.memory_space<vmem>>, %arg14: memref<1024x16xf32, #tpu.memory_space<vmem>>, %arg15: memref<1024x16xf32, #tpu.memory_space<vmem>>, %arg16: memref<!tpu.dma_semaphore, #tpu.memory_space<semaphore_mem>>, %arg17: memref<!tpu.dma_semaphore, #tpu.memory_space<semaphore_mem>>, %arg18: memref<!tpu.dma_semaphore, #tpu.memory_space<semaphore_mem>>, %arg19: memref<!tpu.dma_semaphore, #tpu.memory_space<semaphore_mem>>) attributes {dimension_semantics = [#tpu.dimension_semantics<core_parallel>, #tpu.dimension_semantics<subcore_parallel>], iteration_bounds = array<i64: 2, 16>, scalar_prefetch = 0 : i64, scratch_operands = 11 : i64, tpu.core_type = #tpu.core_type<sc_vector_subcore>, window_params = [{transform_indices = #map}, {transform_indices = #map1}, {transform_indices = #map1}, {transform_indices = #map1}, {transform_indices = #map}, {transform_indices = #map}, {transform_indices = #map}]} {
    %mul3A = arith.constant 3200 : i32
    %mul3A_0 = arith.muli %arg1, %mul3A : i32
    "tpu.region"() ({
      %run_scoped3A = tpu.sem_alloc : memref<!tpu.dma_semaphore, #tpu.memory_space<semaphore_mem>>
      %dma_start3A = arith.constant 0 : i32
      %dma_start3A_16 = tpu.memref_slice %arg9[%mul3A_0, %dma_start3A] : memref<51200x16xf32, #tpu.memory_space<vmem_shared>> -> memref<3200x16xf32, #tpu.memory_space<vmem_shared>>
      %dma_start3A_17 = arith.constant 0 : i32
      %dma_start3A_18 = tpu.memref_slice %arg6[%mul3A_0, %dma_start3A_17] : memref<51200x16xf32, #tpu.memory_space<hbm>> -> memref<3200x16xf32, #tpu.memory_space<hbm>>
      tpu.enqueue_dma source(%dma_start3A_18 : memref<3200x16xf32, #tpu.memory_space<hbm>>) target(%dma_start3A_16 : memref<3200x16xf32, #tpu.memory_space<vmem_shared>>) target_semaphore(%run_scoped3A : memref<!tpu.dma_semaphore, #tpu.memory_space<semaphore_mem>>)
      %dma_wait3A = arith.constant 0 : i32
      %dma_wait3A_19 = tpu.memref_slice %arg9[%mul3A_0, %dma_wait3A] : memref<51200x16xf32, #tpu.memory_space<vmem_shared>> -> memref<3200x16xf32, #tpu.memory_space<vmem_shared>>
      %dma_wait3A_20 = arith.constant 0 : i32
      %dma_wait3A_21 = tpu.memref_slice %arg6[%mul3A_0, %dma_wait3A_20] : memref<51200x16xf32, #tpu.memory_space<hbm>> -> memref<3200x16xf32, #tpu.memory_space<hbm>>
      tpu.wait_dma2 semaphore(%run_scoped3A : memref<!tpu.dma_semaphore, #tpu.memory_space<semaphore_mem>>) src(%dma_wait3A_21 : memref<3200x16xf32, #tpu.memory_space<hbm>>) dst(%dma_wait3A_19 : memref<3200x16xf32, #tpu.memory_space<vmem_shared>>)
      tpu.yield
    }) : () -> ()
    %barrier3A = arith.constant 0 : index
    tpu.barrier barrier_id(%barrier3A)
    %mul3A_1 = arith.constant 200704 : i32
    %mul3A_2 = arith.muli %arg1, %mul3A_1 : i32
    %scan3A = arith.constant 0 : i32
    %scan3A_3 = arith.constant 0 : i32
    %scan3A_4 = arith.constant 98 : i32
    %scan3A_5 = arith.addi %scan3A_3, %scan3A_4 : i32
    %scan3A_6 = arith.constant 1 : i32
    scf.for %scan3A_16 = %scan3A_3 to %scan3A_5 step %scan3A_6  : i32 {
      %mul3A_17 = arith.constant 2 : i32
      %mul3A_18 = arith.muli %scan3A_16, %mul3A_17 : i32
      %mul3A_19 = arith.constant 1024 : i32
      %mul3A_20 = arith.muli %mul3A_18, %mul3A_19 : i32
      %add3A = arith.addi %mul3A_2, %mul3A_20 : i32
      %eq3A_21 = arith.constant 0 : i32
      %eq3A_22 = arith.cmpi eq, %arg0, %eq3A_21 : i32
      %convert_element_type3A_23 = arith.extui %eq3A_22 : i1 to i32
      %cond3A_24 = arith.constant 0 : i32
      %cond3A_25 = arith.cmpi ne, %convert_element_type3A_23, %cond3A_24 : i32
      scf.if %cond3A_25 {
        "tpu.region"() ({
          %run_scoped3A = tpu.sem_alloc : memref<!tpu.dma_semaphore, #tpu.memory_space<semaphore_mem>>
          %dma_start3A_65 = tpu.memref_slice %arg3[%add3A] : memref<3211264xi32, #tpu.memory_space<hbm>> -> memref<1024xi32, #tpu.memory_space<hbm>>
          %dma_start3A_66 = tpu.memref_slice %arg3[%add3A] : memref<3211264xi32, #tpu.memory_space<hbm>> -> memref<1024xi32, #tpu.memory_space<hbm>>
          tpu.enqueue_dma source(%dma_start3A_66 : memref<1024xi32, #tpu.memory_space<hbm>>) target(%arg10 : memref<1024xi32, #tpu.memory_space<vmem>>) target_semaphore(%run_scoped3A : memref<!tpu.dma_semaphore, #tpu.memory_space<semaphore_mem>>)
          %dma_wait3A_67 = tpu.memref_slice %arg3[%add3A] : memref<3211264xi32, #tpu.memory_space<hbm>> -> memref<1024xi32, #tpu.memory_space<hbm>>
          %dma_wait3A_68 = tpu.memref_slice %arg3[%add3A] : memref<3211264xi32, #tpu.memory_space<hbm>> -> memref<1024xi32, #tpu.memory_space<hbm>>
          tpu.wait_dma2 semaphore(%run_scoped3A : memref<!tpu.dma_semaphore, #tpu.memory_space<semaphore_mem>>) src(%dma_wait3A_68 : memref<1024xi32, #tpu.memory_space<hbm>>) dst(%arg10 : memref<1024xi32, #tpu.memory_space<vmem>>)
          tpu.yield
        }) : () -> ()
      } else {
      }
      %eq3A_26 = arith.constant 1 : i32
      %eq3A_27 = arith.cmpi eq, %arg0, %eq3A_26 : i32
      %convert_element_type3A_28 = arith.extui %eq3A_27 : i1 to i32
      %cond3A_29 = arith.constant 0 : i32
      %cond3A_30 = arith.cmpi ne, %convert_element_type3A_28, %cond3A_29 : i32
      scf.if %cond3A_30 {
        "tpu.region"() ({
          %run_scoped3A = tpu.sem_alloc : memref<!tpu.dma_semaphore, #tpu.memory_space<semaphore_mem>>
          %dma_start3A_65 = tpu.memref_slice %arg4[%add3A] : memref<3211264xi32, #tpu.memory_space<hbm>> -> memref<1024xi32, #tpu.memory_space<hbm>>
          %dma_start3A_66 = tpu.memref_slice %arg4[%add3A] : memref<3211264xi32, #tpu.memory_space<hbm>> -> memref<1024xi32, #tpu.memory_space<hbm>>
          tpu.enqueue_dma source(%dma_start3A_66 : memref<1024xi32, #tpu.memory_space<hbm>>) target(%arg10 : memref<1024xi32, #tpu.memory_space<vmem>>) target_semaphore(%run_scoped3A : memref<!tpu.dma_semaphore, #tpu.memory_space<semaphore_mem>>)
          %dma_wait3A_67 = tpu.memref_slice %arg4[%add3A] : memref<3211264xi32, #tpu.memory_space<hbm>> -> memref<1024xi32, #tpu.memory_space<hbm>>
          %dma_wait3A_68 = tpu.memref_slice %arg4[%add3A] : memref<3211264xi32, #tpu.memory_space<hbm>> -> memref<1024xi32, #tpu.memory_space<hbm>>
          tpu.wait_dma2 semaphore(%run_scoped3A : memref<!tpu.dma_semaphore, #tpu.memory_space<semaphore_mem>>) src(%dma_wait3A_68 : memref<1024xi32, #tpu.memory_space<hbm>>) dst(%arg10 : memref<1024xi32, #tpu.memory_space<vmem>>)
          tpu.yield
        }) : () -> ()
      } else {
      }
      "tpu.region"() ({
        %run_scoped3A = tpu.sem_alloc : memref<!tpu.dma_semaphore, #tpu.memory_space<semaphore_mem>>
        %dma_start3A_65 = tpu.memref_slice %arg5[%add3A] : memref<3211264xi32, #tpu.memory_space<hbm>> -> memref<1024xi32, #tpu.memory_space<hbm>>
        %dma_start3A_66 = tpu.memref_slice %arg5[%add3A] : memref<3211264xi32, #tpu.memory_space<hbm>> -> memref<1024xi32, #tpu.memory_space<hbm>>
        tpu.enqueue_dma source(%dma_start3A_66 : memref<1024xi32, #tpu.memory_space<hbm>>) target(%arg12 : memref<1024xi32, #tpu.memory_space<vmem>>) target_semaphore(%run_scoped3A : memref<!tpu.dma_semaphore, #tpu.memory_space<semaphore_mem>>)
        %dma_wait3A_67 = tpu.memref_slice %arg5[%add3A] : memref<3211264xi32, #tpu.memory_space<hbm>> -> memref<1024xi32, #tpu.memory_space<hbm>>
        %dma_wait3A_68 = tpu.memref_slice %arg5[%add3A] : memref<3211264xi32, #tpu.memory_space<hbm>> -> memref<1024xi32, #tpu.memory_space<hbm>>
        tpu.wait_dma2 semaphore(%run_scoped3A : memref<!tpu.dma_semaphore, #tpu.memory_space<semaphore_mem>>) src(%dma_wait3A_68 : memref<1024xi32, #tpu.memory_space<hbm>>) dst(%arg12 : memref<1024xi32, #tpu.memory_space<vmem>>)
        tpu.yield
      }) : () -> ()
      %dma_start3A = arith.constant 0 : i32
      %dma_start3A_31 = arith.constant 0 : i32
      %dma_start3A_32 = tpu.memref_slice %arg2[%dma_start3A, %dma_start3A_31] : memref<102400x16xf32, #tpu.memory_space<hbm>> -> memref<102400x16xf32, #tpu.memory_space<hbm>>
      tpu.enqueue_indirect_dma source(%dma_start3A_32 : memref<102400x16xf32, #tpu.memory_space<hbm>>) target(%arg14 : memref<1024x16xf32, #tpu.memory_space<vmem>>) offsets(%arg10 : memref<1024xi32, #tpu.memory_space<vmem>>) semaphore(%arg16 : memref<!tpu.dma_semaphore, #tpu.memory_space<semaphore_mem>>)
      %add3A_33 = arith.constant 1024 : i32
      %add3A_34 = arith.addi %add3A, %add3A_33 : i32
      %eq3A_35 = arith.constant 0 : i32
      %eq3A_36 = arith.cmpi eq, %arg0, %eq3A_35 : i32
      %convert_element_type3A_37 = arith.extui %eq3A_36 : i1 to i32
      %cond3A_38 = arith.constant 0 : i32
      %cond3A_39 = arith.cmpi ne, %convert_element_type3A_37, %cond3A_38 : i32
      scf.if %cond3A_39 {
        "tpu.region"() ({
          %run_scoped3A = tpu.sem_alloc : memref<!tpu.dma_semaphore, #tpu.memory_space<semaphore_mem>>
          %dma_start3A_65 = tpu.memref_slice %arg3[%add3A_34] : memref<3211264xi32, #tpu.memory_space<hbm>> -> memref<1024xi32, #tpu.memory_space<hbm>>
          %dma_start3A_66 = tpu.memref_slice %arg3[%add3A_34] : memref<3211264xi32, #tpu.memory_space<hbm>> -> memref<1024xi32, #tpu.memory_space<hbm>>
          tpu.enqueue_dma source(%dma_start3A_66 : memref<1024xi32, #tpu.memory_space<hbm>>) target(%arg11 : memref<1024xi32, #tpu.memory_space<vmem>>) target_semaphore(%run_scoped3A : memref<!tpu.dma_semaphore, #tpu.memory_space<semaphore_mem>>)
          %dma_wait3A_67 = tpu.memref_slice %arg3[%add3A_34] : memref<3211264xi32, #tpu.memory_space<hbm>> -> memref<1024xi32, #tpu.memory_space<hbm>>
          %dma_wait3A_68 = tpu.memref_slice %arg3[%add3A_34] : memref<3211264xi32, #tpu.memory_space<hbm>> -> memref<1024xi32, #tpu.memory_space<hbm>>
          tpu.wait_dma2 semaphore(%run_scoped3A : memref<!tpu.dma_semaphore, #tpu.memory_space<semaphore_mem>>) src(%dma_wait3A_68 : memref<1024xi32, #tpu.memory_space<hbm>>) dst(%arg11 : memref<1024xi32, #tpu.memory_space<vmem>>)
          tpu.yield
        }) : () -> ()
      } else {
      }
      %eq3A_40 = arith.constant 1 : i32
      %eq3A_41 = arith.cmpi eq, %arg0, %eq3A_40 : i32
      %convert_element_type3A_42 = arith.extui %eq3A_41 : i1 to i32
      %cond3A_43 = arith.constant 0 : i32
      %cond3A_44 = arith.cmpi ne, %convert_element_type3A_42, %cond3A_43 : i32
      scf.if %cond3A_44 {
        "tpu.region"() ({
          %run_scoped3A = tpu.sem_alloc : memref<!tpu.dma_semaphore, #tpu.memory_space<semaphore_mem>>
          %dma_start3A_65 = tpu.memref_slice %arg4[%add3A_34] : memref<3211264xi32, #tpu.memory_space<hbm>> -> memref<1024xi32, #tpu.memory_space<hbm>>
          %dma_start3A_66 = tpu.memref_slice %arg4[%add3A_34] : memref<3211264xi32, #tpu.memory_space<hbm>> -> memref<1024xi32, #tpu.memory_space<hbm>>
          tpu.enqueue_dma source(%dma_start3A_66 : memref<1024xi32, #tpu.memory_space<hbm>>) target(%arg11 : memref<1024xi32, #tpu.memory_space<vmem>>) target_semaphore(%run_scoped3A : memref<!tpu.dma_semaphore, #tpu.memory_space<semaphore_mem>>)
          %dma_wait3A_67 = tpu.memref_slice %arg4[%add3A_34] : memref<3211264xi32, #tpu.memory_space<hbm>> -> memref<1024xi32, #tpu.memory_space<hbm>>
          %dma_wait3A_68 = tpu.memref_slice %arg4[%add3A_34] : memref<3211264xi32, #tpu.memory_space<hbm>> -> memref<1024xi32, #tpu.memory_space<hbm>>
          tpu.wait_dma2 semaphore(%run_scoped3A : memref<!tpu.dma_semaphore, #tpu.memory_space<semaphore_mem>>) src(%dma_wait3A_68 : memref<1024xi32, #tpu.memory_space<hbm>>) dst(%arg11 : memref<1024xi32, #tpu.memory_space<vmem>>)
          tpu.yield
        }) : () -> ()
      } else {
      }
      "tpu.region"() ({
        %run_scoped3A = tpu.sem_alloc : memref<!tpu.dma_semaphore, #tpu.memory_space<semaphore_mem>>
        %dma_start3A_65 = tpu.memref_slice %arg5[%add3A_34] : memref<3211264xi32, #tpu.memory_space<hbm>> -> memref<1024xi32, #tpu.memory_space<hbm>>
        %dma_start3A_66 = tpu.memref_slice %arg5[%add3A_34] : memref<3211264xi32, #tpu.memory_space<hbm>> -> memref<1024xi32, #tpu.memory_space<hbm>>
        tpu.enqueue_dma source(%dma_start3A_66 : memref<1024xi32, #tpu.memory_space<hbm>>) target(%arg13 : memref<1024xi32, #tpu.memory_space<vmem>>) target_semaphore(%run_scoped3A : memref<!tpu.dma_semaphore, #tpu.memory_space<semaphore_mem>>)
        %dma_wait3A_67 = tpu.memref_slice %arg5[%add3A_34] : memref<3211264xi32, #tpu.memory_space<hbm>> -> memref<1024xi32, #tpu.memory_space<hbm>>
        %dma_wait3A_68 = tpu.memref_slice %arg5[%add3A_34] : memref<3211264xi32, #tpu.memory_space<hbm>> -> memref<1024xi32, #tpu.memory_space<hbm>>
        tpu.wait_dma2 semaphore(%run_scoped3A : memref<!tpu.dma_semaphore, #tpu.memory_space<semaphore_mem>>) src(%dma_wait3A_68 : memref<1024xi32, #tpu.memory_space<hbm>>) dst(%arg13 : memref<1024xi32, #tpu.memory_space<vmem>>)
        tpu.yield
      }) : () -> ()
      %dma_start3A_45 = arith.constant 0 : i32
      %dma_start3A_46 = arith.constant 0 : i32
      %dma_start3A_47 = tpu.memref_slice %arg2[%dma_start3A_45, %dma_start3A_46] : memref<102400x16xf32, #tpu.memory_space<hbm>> -> memref<102400x16xf32, #tpu.memory_space<hbm>>
      tpu.enqueue_indirect_dma source(%dma_start3A_47 : memref<102400x16xf32, #tpu.memory_space<hbm>>) target(%arg15 : memref<1024x16xf32, #tpu.memory_space<vmem>>) offsets(%arg11 : memref<1024xi32, #tpu.memory_space<vmem>>) semaphore(%arg17 : memref<!tpu.dma_semaphore, #tpu.memory_space<semaphore_mem>>)
      %dma_wait3A = arith.constant 0 : i32
      %dma_wait3A_48 = arith.constant 0 : i32
      %dma_wait3A_49 = tpu.memref_slice %arg2[%dma_wait3A, %dma_wait3A_48] : memref<102400x16xf32, #tpu.memory_space<hbm>> -> memref<102400x16xf32, #tpu.memory_space<hbm>>
      tpu.wait_indirect_dma semaphore(%arg16 : memref<!tpu.dma_semaphore, #tpu.memory_space<semaphore_mem>>) src(%dma_wait3A_49 : memref<102400x16xf32, #tpu.memory_space<hbm>>) dst(%arg14 : memref<1024x16xf32, #tpu.memory_space<vmem>>)
      %dma_start3A_50 = arith.constant 0 : i32
      %dma_start3A_51 = arith.constant 0 : i32
      %dma_start3A_52 = tpu.memref_slice %arg9[%dma_start3A_50, %dma_start3A_51] : memref<51200x16xf32, #tpu.memory_space<vmem_shared>> -> memref<51200x16xf32, #tpu.memory_space<vmem_shared>>
      tpu.enqueue_indirect_dma source(%arg14 : memref<1024x16xf32, #tpu.memory_space<vmem>>) target(%dma_start3A_52 : memref<51200x16xf32, #tpu.memory_space<vmem_shared>>) offsets(%arg12 : memref<1024xi32, #tpu.memory_space<vmem>>) semaphore(%arg18 : memref<!tpu.dma_semaphore, #tpu.memory_space<semaphore_mem>>) {add = true}
      %dma_wait3A_53 = arith.constant 0 : i32
      %dma_wait3A_54 = arith.constant 0 : i32
      %dma_wait3A_55 = tpu.memref_slice %arg2[%dma_wait3A_53, %dma_wait3A_54] : memref<102400x16xf32, #tpu.memory_space<hbm>> -> memref<102400x16xf32, #tpu.memory_space<hbm>>
      tpu.wait_indirect_dma semaphore(%arg17 : memref<!tpu.dma_semaphore, #tpu.memory_space<semaphore_mem>>) src(%dma_wait3A_55 : memref<102400x16xf32, #tpu.memory_space<hbm>>) dst(%arg15 : memref<1024x16xf32, #tpu.memory_space<vmem>>)
      %dma_start3A_56 = arith.constant 0 : i32
      %dma_start3A_57 = arith.constant 0 : i32
      %dma_start3A_58 = tpu.memref_slice %arg9[%dma_start3A_56, %dma_start3A_57] : memref<51200x16xf32, #tpu.memory_space<vmem_shared>> -> memref<51200x16xf32, #tpu.memory_space<vmem_shared>>
      tpu.enqueue_indirect_dma source(%arg15 : memref<1024x16xf32, #tpu.memory_space<vmem>>) target(%dma_start3A_58 : memref<51200x16xf32, #tpu.memory_space<vmem_shared>>) offsets(%arg13 : memref<1024xi32, #tpu.memory_space<vmem>>) semaphore(%arg19 : memref<!tpu.dma_semaphore, #tpu.memory_space<semaphore_mem>>) {add = true}
      %dma_wait3A_59 = arith.constant 0 : i32
      %dma_wait3A_60 = arith.constant 0 : i32
      %dma_wait3A_61 = tpu.memref_slice %arg9[%dma_wait3A_59, %dma_wait3A_60] : memref<51200x16xf32, #tpu.memory_space<vmem_shared>> -> memref<51200x16xf32, #tpu.memory_space<vmem_shared>>
      tpu.wait_indirect_dma semaphore(%arg18 : memref<!tpu.dma_semaphore, #tpu.memory_space<semaphore_mem>>) src(%arg14 : memref<1024x16xf32, #tpu.memory_space<vmem>>) dst(%dma_wait3A_61 : memref<51200x16xf32, #tpu.memory_space<vmem_shared>>)
      %dma_wait3A_62 = arith.constant 0 : i32
      %dma_wait3A_63 = arith.constant 0 : i32
      %dma_wait3A_64 = tpu.memref_slice %arg9[%dma_wait3A_62, %dma_wait3A_63] : memref<51200x16xf32, #tpu.memory_space<vmem_shared>> -> memref<51200x16xf32, #tpu.memory_space<vmem_shared>>
      tpu.wait_indirect_dma semaphore(%arg19 : memref<!tpu.dma_semaphore, #tpu.memory_space<semaphore_mem>>) src(%arg15 : memref<1024x16xf32, #tpu.memory_space<vmem>>) dst(%dma_wait3A_64 : memref<51200x16xf32, #tpu.memory_space<vmem_shared>>)
    }
    %scan3A_7 = arith.constant 98 : i32
    %barrier3A_8 = arith.constant 0 : index
    tpu.barrier barrier_id(%barrier3A_8)
    %eq3A = arith.constant 0 : i32
    %eq3A_9 = arith.cmpi eq, %arg0, %eq3A : i32
    %convert_element_type3A = arith.extui %eq3A_9 : i1 to i32
    %cond3A = arith.constant 0 : i32
    %cond3A_10 = arith.cmpi ne, %convert_element_type3A, %cond3A : i32
    scf.if %cond3A_10 {
      "tpu.region"() ({
        %run_scoped3A = tpu.sem_alloc : memref<!tpu.dma_semaphore, #tpu.memory_space<semaphore_mem>>
        %dma_start3A = arith.constant 0 : i32
        %dma_start3A_16 = tpu.memref_slice %arg7[%mul3A_0, %dma_start3A] : memref<51200x16xf32, #tpu.memory_space<hbm>> -> memref<3200x16xf32, #tpu.memory_space<hbm>>
        %dma_start3A_17 = arith.constant 0 : i32
        %dma_start3A_18 = tpu.memref_slice %arg9[%mul3A_0, %dma_start3A_17] : memref<51200x16xf32, #tpu.memory_space<vmem_shared>> -> memref<3200x16xf32, #tpu.memory_space<vmem_shared>>
        tpu.enqueue_dma source(%dma_start3A_18 : memref<3200x16xf32, #tpu.memory_space<vmem_shared>>) target(%dma_start3A_16 : memref<3200x16xf32, #tpu.memory_space<hbm>>) target_semaphore(%run_scoped3A : memref<!tpu.dma_semaphore, #tpu.memory_space<semaphore_mem>>)
        %dma_wait3A = arith.constant 0 : i32
        %dma_wait3A_19 = tpu.memref_slice %arg7[%mul3A_0, %dma_wait3A] : memref<51200x16xf32, #tpu.memory_space<hbm>> -> memref<3200x16xf32, #tpu.memory_space<hbm>>
        %dma_wait3A_20 = arith.constant 0 : i32
        %dma_wait3A_21 = tpu.memref_slice %arg9[%mul3A_0, %dma_wait3A_20] : memref<51200x16xf32, #tpu.memory_space<vmem_shared>> -> memref<3200x16xf32, #tpu.memory_space<vmem_shared>>
        tpu.wait_dma2 semaphore(%run_scoped3A : memref<!tpu.dma_semaphore, #tpu.memory_space<semaphore_mem>>) src(%dma_wait3A_21 : memref<3200x16xf32, #tpu.memory_space<vmem_shared>>) dst(%dma_wait3A_19 : memref<3200x16xf32, #tpu.memory_space<hbm>>)
        tpu.yield
      }) : () -> ()
    } else {
    }
    %eq3A_11 = arith.constant 1 : i32
    %eq3A_12 = arith.cmpi eq, %arg0, %eq3A_11 : i32
    %convert_element_type3A_13 = arith.extui %eq3A_12 : i1 to i32
    %cond3A_14 = arith.constant 0 : i32
    %cond3A_15 = arith.cmpi ne, %convert_element_type3A_13, %cond3A_14 : i32
    scf.if %cond3A_15 {
      "tpu.region"() ({
        %run_scoped3A = tpu.sem_alloc : memref<!tpu.dma_semaphore, #tpu.memory_space<semaphore_mem>>
        %dma_start3A = arith.constant 0 : i32
        %dma_start3A_16 = tpu.memref_slice %arg8[%mul3A_0, %dma_start3A] : memref<51200x16xf32, #tpu.memory_space<hbm>> -> memref<3200x16xf32, #tpu.memory_space<hbm>>
        %dma_start3A_17 = arith.constant 0 : i32
        %dma_start3A_18 = tpu.memref_slice %arg9[%mul3A_0, %dma_start3A_17] : memref<51200x16xf32, #tpu.memory_space<vmem_shared>> -> memref<3200x16xf32, #tpu.memory_space<vmem_shared>>
        tpu.enqueue_dma source(%dma_start3A_18 : memref<3200x16xf32, #tpu.memory_space<vmem_shared>>) target(%dma_start3A_16 : memref<3200x16xf32, #tpu.memory_space<hbm>>) target_semaphore(%run_scoped3A : memref<!tpu.dma_semaphore, #tpu.memory_space<semaphore_mem>>)
        %dma_wait3A = arith.constant 0 : i32
        %dma_wait3A_19 = tpu.memref_slice %arg8[%mul3A_0, %dma_wait3A] : memref<51200x16xf32, #tpu.memory_space<hbm>> -> memref<3200x16xf32, #tpu.memory_space<hbm>>
        %dma_wait3A_20 = arith.constant 0 : i32
        %dma_wait3A_21 = tpu.memref_slice %arg9[%mul3A_0, %dma_wait3A_20] : memref<51200x16xf32, #tpu.memory_space<vmem_shared>> -> memref<3200x16xf32, #tpu.memory_space<vmem_shared>>
        tpu.wait_dma2 semaphore(%run_scoped3A : memref<!tpu.dma_semaphore, #tpu.memory_space<semaphore_mem>>) src(%dma_wait3A_21 : memref<3200x16xf32, #tpu.memory_space<vmem_shared>>) dst(%dma_wait3A_19 : memref<3200x16xf32, #tpu.memory_space<hbm>>)
        tpu.yield
      }) : () -> ()
    } else {
    }
    return
  }
}

#map = affine_map<(d0, d1) -> (0)>
#map1 = affine_map<(d0, d1) -> (0, 0)>
module attributes {stable_mosaic.version = 14 : i64} {
  func.func @deg_kernel(%arg0: i32, %arg1: i32, %arg2: memref<3211264xi32, #tpu.memory_space<hbm>>, %arg3: memref<51200x16xf32, #tpu.memory_space<hbm>>, %arg4: memref<1024x16xf32, #tpu.memory_space<hbm>>, %arg5: memref<51200x16xf32, #tpu.memory_space<hbm>>, %arg6: memref<51200x16xf32, #tpu.memory_space<hbm>>, %arg7: memref<51200x16xf32, #tpu.memory_space<vmem_shared>>, %arg8: memref<1024xi32, #tpu.memory_space<vmem>>, %arg9: memref<1024xi32, #tpu.memory_space<vmem>>, %arg10: memref<1024x16xf32, #tpu.memory_space<vmem>>, %arg11: memref<!tpu.dma_semaphore, #tpu.memory_space<semaphore_mem>>, %arg12: memref<!tpu.dma_semaphore, #tpu.memory_space<semaphore_mem>>) attributes {dimension_semantics = [#tpu.dimension_semantics<core_parallel>, #tpu.dimension_semantics<subcore_parallel>], iteration_bounds = array<i64: 2, 16>, scalar_prefetch = 0 : i64, scratch_operands = 6 : i64, tpu.core_type = #tpu.core_type<sc_vector_subcore>, window_params = [{transform_indices = #map}, {transform_indices = #map1}, {transform_indices = #map1}, {transform_indices = #map1}, {transform_indices = #map1}]} {
    %mul3A = arith.constant 3200 : i32
    %mul3A_0 = arith.muli %arg1, %mul3A : i32
    "tpu.region"() ({
      %run_scoped3A = tpu.sem_alloc : memref<!tpu.dma_semaphore, #tpu.memory_space<semaphore_mem>>
      %dma_start3A = arith.constant 0 : i32
      %dma_start3A_18 = tpu.memref_slice %arg7[%mul3A_0, %dma_start3A] : memref<51200x16xf32, #tpu.memory_space<vmem_shared>> -> memref<3200x16xf32, #tpu.memory_space<vmem_shared>>
      %dma_start3A_19 = arith.constant 0 : i32
      %dma_start3A_20 = tpu.memref_slice %arg3[%mul3A_0, %dma_start3A_19] : memref<51200x16xf32, #tpu.memory_space<hbm>> -> memref<3200x16xf32, #tpu.memory_space<hbm>>
      tpu.enqueue_dma source(%dma_start3A_20 : memref<3200x16xf32, #tpu.memory_space<hbm>>) target(%dma_start3A_18 : memref<3200x16xf32, #tpu.memory_space<vmem_shared>>) target_semaphore(%run_scoped3A : memref<!tpu.dma_semaphore, #tpu.memory_space<semaphore_mem>>)
      %dma_wait3A = arith.constant 0 : i32
      %dma_wait3A_21 = tpu.memref_slice %arg7[%mul3A_0, %dma_wait3A] : memref<51200x16xf32, #tpu.memory_space<vmem_shared>> -> memref<3200x16xf32, #tpu.memory_space<vmem_shared>>
      %dma_wait3A_22 = arith.constant 0 : i32
      %dma_wait3A_23 = tpu.memref_slice %arg3[%mul3A_0, %dma_wait3A_22] : memref<51200x16xf32, #tpu.memory_space<hbm>> -> memref<3200x16xf32, #tpu.memory_space<hbm>>
      tpu.wait_dma2 semaphore(%run_scoped3A : memref<!tpu.dma_semaphore, #tpu.memory_space<semaphore_mem>>) src(%dma_wait3A_23 : memref<3200x16xf32, #tpu.memory_space<hbm>>) dst(%dma_wait3A_21 : memref<3200x16xf32, #tpu.memory_space<vmem_shared>>)
      tpu.yield
    }) : () -> ()
    "tpu.region"() ({
      %run_scoped3A = tpu.sem_alloc : memref<!tpu.dma_semaphore, #tpu.memory_space<semaphore_mem>>
      tpu.enqueue_dma source(%arg4 : memref<1024x16xf32, #tpu.memory_space<hbm>>) target(%arg10 : memref<1024x16xf32, #tpu.memory_space<vmem>>) target_semaphore(%run_scoped3A : memref<!tpu.dma_semaphore, #tpu.memory_space<semaphore_mem>>)
      tpu.wait_dma2 semaphore(%run_scoped3A : memref<!tpu.dma_semaphore, #tpu.memory_space<semaphore_mem>>) src(%arg4 : memref<1024x16xf32, #tpu.memory_space<hbm>>) dst(%arg10 : memref<1024x16xf32, #tpu.memory_space<vmem>>)
      tpu.yield
    }) : () -> ()
    %barrier3A = arith.constant 0 : index
    tpu.barrier barrier_id(%barrier3A)
    %mul3A_1 = arith.constant 16 : i32
    %mul3A_2 = arith.muli %arg0, %mul3A_1 : i32
    %add3A = arith.addi %mul3A_2, %arg1 : i32
    %mul3A_3 = arith.constant 100352 : i32
    %mul3A_4 = arith.muli %add3A, %mul3A_3 : i32
    %scan3A = arith.constant 0 : i32
    %scan3A_5 = arith.constant 0 : i32
    %scan3A_6 = arith.constant 49 : i32
    %scan3A_7 = arith.addi %scan3A_5, %scan3A_6 : i32
    %scan3A_8 = arith.constant 1 : i32
    scf.for %scan3A_18 = %scan3A_5 to %scan3A_7 step %scan3A_8  : i32 {
      %mul3A_19 = arith.constant 2 : i32
      %mul3A_20 = arith.muli %scan3A_18, %mul3A_19 : i32
      %mul3A_21 = arith.constant 1024 : i32
      %mul3A_22 = arith.muli %mul3A_20, %mul3A_21 : i32
      %add3A_23 = arith.addi %mul3A_4, %mul3A_22 : i32
      "tpu.region"() ({
        %run_scoped3A = tpu.sem_alloc : memref<!tpu.dma_semaphore, #tpu.memory_space<semaphore_mem>>
        %dma_start3A_36 = tpu.memref_slice %arg2[%add3A_23] : memref<3211264xi32, #tpu.memory_space<hbm>> -> memref<1024xi32, #tpu.memory_space<hbm>>
        %dma_start3A_37 = tpu.memref_slice %arg2[%add3A_23] : memref<3211264xi32, #tpu.memory_space<hbm>> -> memref<1024xi32, #tpu.memory_space<hbm>>
        tpu.enqueue_dma source(%dma_start3A_37 : memref<1024xi32, #tpu.memory_space<hbm>>) target(%arg8 : memref<1024xi32, #tpu.memory_space<vmem>>) target_semaphore(%run_scoped3A : memref<!tpu.dma_semaphore, #tpu.memory_space<semaphore_mem>>)
        %dma_wait3A_38 = tpu.memref_slice %arg2[%add3A_23] : memref<3211264xi32, #tpu.memory_space<hbm>> -> memref<1024xi32, #tpu.memory_space<hbm>>
        %dma_wait3A_39 = tpu.memref_slice %arg2[%add3A_23] : memref<3211264xi32, #tpu.memory_space<hbm>> -> memref<1024xi32, #tpu.memory_space<hbm>>
        tpu.wait_dma2 semaphore(%run_scoped3A : memref<!tpu.dma_semaphore, #tpu.memory_space<semaphore_mem>>) src(%dma_wait3A_39 : memref<1024xi32, #tpu.memory_space<hbm>>) dst(%arg8 : memref<1024xi32, #tpu.memory_space<vmem>>)
        tpu.yield
      }) : () -> ()
      %dma_start3A = arith.constant 0 : i32
      %dma_start3A_24 = arith.constant 0 : i32
      %dma_start3A_25 = tpu.memref_slice %arg7[%dma_start3A, %dma_start3A_24] : memref<51200x16xf32, #tpu.memory_space<vmem_shared>> -> memref<51200x16xf32, #tpu.memory_space<vmem_shared>>
      tpu.enqueue_indirect_dma source(%arg10 : memref<1024x16xf32, #tpu.memory_space<vmem>>) target(%dma_start3A_25 : memref<51200x16xf32, #tpu.memory_space<vmem_shared>>) offsets(%arg8 : memref<1024xi32, #tpu.memory_space<vmem>>) semaphore(%arg11 : memref<!tpu.dma_semaphore, #tpu.memory_space<semaphore_mem>>) {add = true}
      %add3A_26 = arith.constant 1024 : i32
      %add3A_27 = arith.addi %add3A_23, %add3A_26 : i32
      "tpu.region"() ({
        %run_scoped3A = tpu.sem_alloc : memref<!tpu.dma_semaphore, #tpu.memory_space<semaphore_mem>>
        %dma_start3A_36 = tpu.memref_slice %arg2[%add3A_27] : memref<3211264xi32, #tpu.memory_space<hbm>> -> memref<1024xi32, #tpu.memory_space<hbm>>
        %dma_start3A_37 = tpu.memref_slice %arg2[%add3A_27] : memref<3211264xi32, #tpu.memory_space<hbm>> -> memref<1024xi32, #tpu.memory_space<hbm>>
        tpu.enqueue_dma source(%dma_start3A_37 : memref<1024xi32, #tpu.memory_space<hbm>>) target(%arg9 : memref<1024xi32, #tpu.memory_space<vmem>>) target_semaphore(%run_scoped3A : memref<!tpu.dma_semaphore, #tpu.memory_space<semaphore_mem>>)
        %dma_wait3A_38 = tpu.memref_slice %arg2[%add3A_27] : memref<3211264xi32, #tpu.memory_space<hbm>> -> memref<1024xi32, #tpu.memory_space<hbm>>
        %dma_wait3A_39 = tpu.memref_slice %arg2[%add3A_27] : memref<3211264xi32, #tpu.memory_space<hbm>> -> memref<1024xi32, #tpu.memory_space<hbm>>
        tpu.wait_dma2 semaphore(%run_scoped3A : memref<!tpu.dma_semaphore, #tpu.memory_space<semaphore_mem>>) src(%dma_wait3A_39 : memref<1024xi32, #tpu.memory_space<hbm>>) dst(%arg9 : memref<1024xi32, #tpu.memory_space<vmem>>)
        tpu.yield
      }) : () -> ()
      %dma_start3A_28 = arith.constant 0 : i32
      %dma_start3A_29 = arith.constant 0 : i32
      %dma_start3A_30 = tpu.memref_slice %arg7[%dma_start3A_28, %dma_start3A_29] : memref<51200x16xf32, #tpu.memory_space<vmem_shared>> -> memref<51200x16xf32, #tpu.memory_space<vmem_shared>>
      tpu.enqueue_indirect_dma source(%arg10 : memref<1024x16xf32, #tpu.memory_space<vmem>>) target(%dma_start3A_30 : memref<51200x16xf32, #tpu.memory_space<vmem_shared>>) offsets(%arg9 : memref<1024xi32, #tpu.memory_space<vmem>>) semaphore(%arg12 : memref<!tpu.dma_semaphore, #tpu.memory_space<semaphore_mem>>) {add = true}
      %dma_wait3A = arith.constant 0 : i32
      %dma_wait3A_31 = arith.constant 0 : i32
      %dma_wait3A_32 = tpu.memref_slice %arg7[%dma_wait3A, %dma_wait3A_31] : memref<51200x16xf32, #tpu.memory_space<vmem_shared>> -> memref<51200x16xf32, #tpu.memory_space<vmem_shared>>
      tpu.wait_indirect_dma semaphore(%arg11 : memref<!tpu.dma_semaphore, #tpu.memory_space<semaphore_mem>>) src(%arg10 : memref<1024x16xf32, #tpu.memory_space<vmem>>) dst(%dma_wait3A_32 : memref<51200x16xf32, #tpu.memory_space<vmem_shared>>)
      %dma_wait3A_33 = arith.constant 0 : i32
      %dma_wait3A_34 = arith.constant 0 : i32
      %dma_wait3A_35 = tpu.memref_slice %arg7[%dma_wait3A_33, %dma_wait3A_34] : memref<51200x16xf32, #tpu.memory_space<vmem_shared>> -> memref<51200x16xf32, #tpu.memory_space<vmem_shared>>
      tpu.wait_indirect_dma semaphore(%arg12 : memref<!tpu.dma_semaphore, #tpu.memory_space<semaphore_mem>>) src(%arg10 : memref<1024x16xf32, #tpu.memory_space<vmem>>) dst(%dma_wait3A_35 : memref<51200x16xf32, #tpu.memory_space<vmem_shared>>)
    }
    %scan3A_9 = arith.constant 49 : i32
    %barrier3A_10 = arith.constant 0 : index
    tpu.barrier barrier_id(%barrier3A_10)
    %eq3A = arith.constant 0 : i32
    %eq3A_11 = arith.cmpi eq, %arg0, %eq3A : i32
    %convert_element_type3A = arith.extui %eq3A_11 : i1 to i32
    %cond3A = arith.constant 0 : i32
    %cond3A_12 = arith.cmpi ne, %convert_element_type3A, %cond3A : i32
    scf.if %cond3A_12 {
      "tpu.region"() ({
        %run_scoped3A = tpu.sem_alloc : memref<!tpu.dma_semaphore, #tpu.memory_space<semaphore_mem>>
        %dma_start3A = arith.constant 0 : i32
        %dma_start3A_18 = tpu.memref_slice %arg5[%mul3A_0, %dma_start3A] : memref<51200x16xf32, #tpu.memory_space<hbm>> -> memref<3200x16xf32, #tpu.memory_space<hbm>>
        %dma_start3A_19 = arith.constant 0 : i32
        %dma_start3A_20 = tpu.memref_slice %arg7[%mul3A_0, %dma_start3A_19] : memref<51200x16xf32, #tpu.memory_space<vmem_shared>> -> memref<3200x16xf32, #tpu.memory_space<vmem_shared>>
        tpu.enqueue_dma source(%dma_start3A_20 : memref<3200x16xf32, #tpu.memory_space<vmem_shared>>) target(%dma_start3A_18 : memref<3200x16xf32, #tpu.memory_space<hbm>>) target_semaphore(%run_scoped3A : memref<!tpu.dma_semaphore, #tpu.memory_space<semaphore_mem>>)
        %dma_wait3A = arith.constant 0 : i32
        %dma_wait3A_21 = tpu.memref_slice %arg5[%mul3A_0, %dma_wait3A] : memref<51200x16xf32, #tpu.memory_space<hbm>> -> memref<3200x16xf32, #tpu.memory_space<hbm>>
        %dma_wait3A_22 = arith.constant 0 : i32
        %dma_wait3A_23 = tpu.memref_slice %arg7[%mul3A_0, %dma_wait3A_22] : memref<51200x16xf32, #tpu.memory_space<vmem_shared>> -> memref<3200x16xf32, #tpu.memory_space<vmem_shared>>
        tpu.wait_dma2 semaphore(%run_scoped3A : memref<!tpu.dma_semaphore, #tpu.memory_space<semaphore_mem>>) src(%dma_wait3A_23 : memref<3200x16xf32, #tpu.memory_space<vmem_shared>>) dst(%dma_wait3A_21 : memref<3200x16xf32, #tpu.memory_space<hbm>>)
        tpu.yield
      }) : () -> ()
    } else {
    }
    %eq3A_13 = arith.constant 1 : i32
    %eq3A_14 = arith.cmpi eq, %arg0, %eq3A_13 : i32
    %convert_element_type3A_15 = arith.extui %eq3A_14 : i1 to i32
    %cond3A_16 = arith.constant 0 : i32
    %cond3A_17 = arith.cmpi ne, %convert_element_type3A_15, %cond3A_16 : i32
    scf.if %cond3A_17 {
      "tpu.region"() ({
        %run_scoped3A = tpu.sem_alloc : memref<!tpu.dma_semaphore, #tpu.memory_space<semaphore_mem>>
        %dma_start3A = arith.constant 0 : i32
        %dma_start3A_18 = tpu.memref_slice %arg6[%mul3A_0, %dma_start3A] : memref<51200x16xf32, #tpu.memory_space<hbm>> -> memref<3200x16xf32, #tpu.memory_space<hbm>>
        %dma_start3A_19 = arith.constant 0 : i32
        %dma_start3A_20 = tpu.memref_slice %arg7[%mul3A_0, %dma_start3A_19] : memref<51200x16xf32, #tpu.memory_space<vmem_shared>> -> memref<3200x16xf32, #tpu.memory_space<vmem_shared>>
        tpu.enqueue_dma source(%dma_start3A_20 : memref<3200x16xf32, #tpu.memory_space<vmem_shared>>) target(%dma_start3A_18 : memref<3200x16xf32, #tpu.memory_space<hbm>>) target_semaphore(%run_scoped3A : memref<!tpu.dma_semaphore, #tpu.memory_space<semaphore_mem>>)
        %dma_wait3A = arith.constant 0 : i32
        %dma_wait3A_21 = tpu.memref_slice %arg6[%mul3A_0, %dma_wait3A] : memref<51200x16xf32, #tpu.memory_space<hbm>> -> memref<3200x16xf32, #tpu.memory_space<hbm>>
        %dma_wait3A_22 = arith.constant 0 : i32
        %dma_wait3A_23 = tpu.memref_slice %arg7[%mul3A_0, %dma_wait3A_22] : memref<51200x16xf32, #tpu.memory_space<vmem_shared>> -> memref<3200x16xf32, #tpu.memory_space<vmem_shared>>
        tpu.wait_dma2 semaphore(%run_scoped3A : memref<!tpu.dma_semaphore, #tpu.memory_space<semaphore_mem>>) src(%dma_wait3A_23 : memref<3200x16xf32, #tpu.memory_space<vmem_shared>>) dst(%dma_wait3A_21 : memref<3200x16xf32, #tpu.memory_space<hbm>>)
        tpu.yield
      }) : () -> ()
    } else {
    }
    return
  }
}

#map = affine_map<(d0, d1) -> (0, 0)>
#map1 = affine_map<(d0, d1) -> (0)>
module attributes {stable_mosaic.version = 14 : i64} {
  func.func @prop_kernel(%arg0: i32, %arg1: i32, %arg2: memref<51200x16xf32, #tpu.memory_space<hbm>>, %arg3: memref<3211264xi32, #tpu.memory_space<hbm>>, %arg4: memref<3211264xi32, #tpu.memory_space<hbm>>, %arg5: memref<3211264xi32, #tpu.memory_space<hbm>>, %arg6: memref<51200x16xf32, #tpu.memory_space<hbm>>, %arg7: memref<51200x16xf32, #tpu.memory_space<hbm>>, %arg8: memref<51200x16xf32, #tpu.memory_space<hbm>>, %arg9: memref<51200x16xf32, #tpu.memory_space<vmem_shared>>, %arg10: memref<1024xi32, #tpu.memory_space<vmem>>, %arg11: memref<1024xi32, #tpu.memory_space<vmem>>, %arg12: memref<1024xi32, #tpu.memory_space<vmem>>, %arg13: memref<1024xi32, #tpu.memory_space<vmem>>, %arg14: memref<1024x16xf32, #tpu.memory_space<vmem>>, %arg15: memref<1024x16xf32, #tpu.memory_space<vmem>>, %arg16: memref<!tpu.dma_semaphore, #tpu.memory_space<semaphore_mem>>, %arg17: memref<!tpu.dma_semaphore, #tpu.memory_space<semaphore_mem>>, %arg18: memref<!tpu.dma_semaphore, #tpu.memory_space<semaphore_mem>>, %arg19: memref<!tpu.dma_semaphore, #tpu.memory_space<semaphore_mem>>) attributes {dimension_semantics = [#tpu.dimension_semantics<core_parallel>, #tpu.dimension_semantics<subcore_parallel>], iteration_bounds = array<i64: 2, 16>, scalar_prefetch = 0 : i64, scratch_operands = 11 : i64, tpu.core_type = #tpu.core_type<sc_vector_subcore>, window_params = [{transform_indices = #map}, {transform_indices = #map1}, {transform_indices = #map1}, {transform_indices = #map1}, {transform_indices = #map}, {transform_indices = #map}, {transform_indices = #map}]} {
    %mul3A = arith.constant 3200 : i32
    %mul3A_0 = arith.muli %arg1, %mul3A : i32
    "tpu.region"() ({
      %run_scoped3A = tpu.sem_alloc : memref<!tpu.dma_semaphore, #tpu.memory_space<semaphore_mem>>
      %dma_start3A = arith.constant 0 : i32
      %dma_start3A_18 = tpu.memref_slice %arg9[%mul3A_0, %dma_start3A] : memref<51200x16xf32, #tpu.memory_space<vmem_shared>> -> memref<3200x16xf32, #tpu.memory_space<vmem_shared>>
      %dma_start3A_19 = arith.constant 0 : i32
      %dma_start3A_20 = tpu.memref_slice %arg6[%mul3A_0, %dma_start3A_19] : memref<51200x16xf32, #tpu.memory_space<hbm>> -> memref<3200x16xf32, #tpu.memory_space<hbm>>
      tpu.enqueue_dma source(%dma_start3A_20 : memref<3200x16xf32, #tpu.memory_space<hbm>>) target(%dma_start3A_18 : memref<3200x16xf32, #tpu.memory_space<vmem_shared>>) target_semaphore(%run_scoped3A : memref<!tpu.dma_semaphore, #tpu.memory_space<semaphore_mem>>)
      %dma_wait3A = arith.constant 0 : i32
      %dma_wait3A_21 = tpu.memref_slice %arg9[%mul3A_0, %dma_wait3A] : memref<51200x16xf32, #tpu.memory_space<vmem_shared>> -> memref<3200x16xf32, #tpu.memory_space<vmem_shared>>
      %dma_wait3A_22 = arith.constant 0 : i32
      %dma_wait3A_23 = tpu.memref_slice %arg6[%mul3A_0, %dma_wait3A_22] : memref<51200x16xf32, #tpu.memory_space<hbm>> -> memref<3200x16xf32, #tpu.memory_space<hbm>>
      tpu.wait_dma2 semaphore(%run_scoped3A : memref<!tpu.dma_semaphore, #tpu.memory_space<semaphore_mem>>) src(%dma_wait3A_23 : memref<3200x16xf32, #tpu.memory_space<hbm>>) dst(%dma_wait3A_21 : memref<3200x16xf32, #tpu.memory_space<vmem_shared>>)
      tpu.yield
    }) : () -> ()
    %barrier3A = arith.constant 0 : index
    tpu.barrier barrier_id(%barrier3A)
    %mul3A_1 = arith.constant 16 : i32
    %mul3A_2 = arith.muli %arg0, %mul3A_1 : i32
    %add3A = arith.addi %mul3A_2, %arg1 : i32
    %mul3A_3 = arith.constant 100352 : i32
    %mul3A_4 = arith.muli %add3A, %mul3A_3 : i32
    %scan3A = arith.constant 0 : i32
    %scan3A_5 = arith.constant 0 : i32
    %scan3A_6 = arith.constant 49 : i32
    %scan3A_7 = arith.addi %scan3A_5, %scan3A_6 : i32
    %scan3A_8 = arith.constant 1 : i32
    scf.for %scan3A_18 = %scan3A_5 to %scan3A_7 step %scan3A_8  : i32 {
      %mul3A_19 = arith.constant 2 : i32
      %mul3A_20 = arith.muli %scan3A_18, %mul3A_19 : i32
      %mul3A_21 = arith.constant 1024 : i32
      %mul3A_22 = arith.muli %mul3A_20, %mul3A_21 : i32
      %add3A_23 = arith.addi %mul3A_4, %mul3A_22 : i32
      %eq3A_24 = arith.constant 0 : i32
      %eq3A_25 = arith.cmpi eq, %arg0, %eq3A_24 : i32
      %convert_element_type3A_26 = arith.extui %eq3A_25 : i1 to i32
      %cond3A_27 = arith.constant 0 : i32
      %cond3A_28 = arith.cmpi ne, %convert_element_type3A_26, %cond3A_27 : i32
      scf.if %cond3A_28 {
        "tpu.region"() ({
          %run_scoped3A = tpu.sem_alloc : memref<!tpu.dma_semaphore, #tpu.memory_space<semaphore_mem>>
          %dma_start3A_68 = tpu.memref_slice %arg3[%add3A_23] : memref<3211264xi32, #tpu.memory_space<hbm>> -> memref<1024xi32, #tpu.memory_space<hbm>>
          %dma_start3A_69 = tpu.memref_slice %arg3[%add3A_23] : memref<3211264xi32, #tpu.memory_space<hbm>> -> memref<1024xi32, #tpu.memory_space<hbm>>
          tpu.enqueue_dma source(%dma_start3A_69 : memref<1024xi32, #tpu.memory_space<hbm>>) target(%arg10 : memref<1024xi32, #tpu.memory_space<vmem>>) target_semaphore(%run_scoped3A : memref<!tpu.dma_semaphore, #tpu.memory_space<semaphore_mem>>)
          %dma_wait3A_70 = tpu.memref_slice %arg3[%add3A_23] : memref<3211264xi32, #tpu.memory_space<hbm>> -> memref<1024xi32, #tpu.memory_space<hbm>>
          %dma_wait3A_71 = tpu.memref_slice %arg3[%add3A_23] : memref<3211264xi32, #tpu.memory_space<hbm>> -> memref<1024xi32, #tpu.memory_space<hbm>>
          tpu.wait_dma2 semaphore(%run_scoped3A : memref<!tpu.dma_semaphore, #tpu.memory_space<semaphore_mem>>) src(%dma_wait3A_71 : memref<1024xi32, #tpu.memory_space<hbm>>) dst(%arg10 : memref<1024xi32, #tpu.memory_space<vmem>>)
          tpu.yield
        }) : () -> ()
      } else {
      }
      %eq3A_29 = arith.constant 1 : i32
      %eq3A_30 = arith.cmpi eq, %arg0, %eq3A_29 : i32
      %convert_element_type3A_31 = arith.extui %eq3A_30 : i1 to i32
      %cond3A_32 = arith.constant 0 : i32
      %cond3A_33 = arith.cmpi ne, %convert_element_type3A_31, %cond3A_32 : i32
      scf.if %cond3A_33 {
        "tpu.region"() ({
          %run_scoped3A = tpu.sem_alloc : memref<!tpu.dma_semaphore, #tpu.memory_space<semaphore_mem>>
          %dma_start3A_68 = tpu.memref_slice %arg4[%add3A_23] : memref<3211264xi32, #tpu.memory_space<hbm>> -> memref<1024xi32, #tpu.memory_space<hbm>>
          %dma_start3A_69 = tpu.memref_slice %arg4[%add3A_23] : memref<3211264xi32, #tpu.memory_space<hbm>> -> memref<1024xi32, #tpu.memory_space<hbm>>
          tpu.enqueue_dma source(%dma_start3A_69 : memref<1024xi32, #tpu.memory_space<hbm>>) target(%arg10 : memref<1024xi32, #tpu.memory_space<vmem>>) target_semaphore(%run_scoped3A : memref<!tpu.dma_semaphore, #tpu.memory_space<semaphore_mem>>)
          %dma_wait3A_70 = tpu.memref_slice %arg4[%add3A_23] : memref<3211264xi32, #tpu.memory_space<hbm>> -> memref<1024xi32, #tpu.memory_space<hbm>>
          %dma_wait3A_71 = tpu.memref_slice %arg4[%add3A_23] : memref<3211264xi32, #tpu.memory_space<hbm>> -> memref<1024xi32, #tpu.memory_space<hbm>>
          tpu.wait_dma2 semaphore(%run_scoped3A : memref<!tpu.dma_semaphore, #tpu.memory_space<semaphore_mem>>) src(%dma_wait3A_71 : memref<1024xi32, #tpu.memory_space<hbm>>) dst(%arg10 : memref<1024xi32, #tpu.memory_space<vmem>>)
          tpu.yield
        }) : () -> ()
      } else {
      }
      "tpu.region"() ({
        %run_scoped3A = tpu.sem_alloc : memref<!tpu.dma_semaphore, #tpu.memory_space<semaphore_mem>>
        %dma_start3A_68 = tpu.memref_slice %arg5[%add3A_23] : memref<3211264xi32, #tpu.memory_space<hbm>> -> memref<1024xi32, #tpu.memory_space<hbm>>
        %dma_start3A_69 = tpu.memref_slice %arg5[%add3A_23] : memref<3211264xi32, #tpu.memory_space<hbm>> -> memref<1024xi32, #tpu.memory_space<hbm>>
        tpu.enqueue_dma source(%dma_start3A_69 : memref<1024xi32, #tpu.memory_space<hbm>>) target(%arg12 : memref<1024xi32, #tpu.memory_space<vmem>>) target_semaphore(%run_scoped3A : memref<!tpu.dma_semaphore, #tpu.memory_space<semaphore_mem>>)
        %dma_wait3A_70 = tpu.memref_slice %arg5[%add3A_23] : memref<3211264xi32, #tpu.memory_space<hbm>> -> memref<1024xi32, #tpu.memory_space<hbm>>
        %dma_wait3A_71 = tpu.memref_slice %arg5[%add3A_23] : memref<3211264xi32, #tpu.memory_space<hbm>> -> memref<1024xi32, #tpu.memory_space<hbm>>
        tpu.wait_dma2 semaphore(%run_scoped3A : memref<!tpu.dma_semaphore, #tpu.memory_space<semaphore_mem>>) src(%dma_wait3A_71 : memref<1024xi32, #tpu.memory_space<hbm>>) dst(%arg12 : memref<1024xi32, #tpu.memory_space<vmem>>)
        tpu.yield
      }) : () -> ()
      %dma_start3A = arith.constant 0 : i32
      %dma_start3A_34 = arith.constant 0 : i32
      %dma_start3A_35 = tpu.memref_slice %arg2[%dma_start3A, %dma_start3A_34] : memref<51200x16xf32, #tpu.memory_space<hbm>> -> memref<51200x16xf32, #tpu.memory_space<hbm>>
      tpu.enqueue_indirect_dma source(%dma_start3A_35 : memref<51200x16xf32, #tpu.memory_space<hbm>>) target(%arg14 : memref<1024x16xf32, #tpu.memory_space<vmem>>) offsets(%arg10 : memref<1024xi32, #tpu.memory_space<vmem>>) semaphore(%arg16 : memref<!tpu.dma_semaphore, #tpu.memory_space<semaphore_mem>>)
      %add3A_36 = arith.constant 1024 : i32
      %add3A_37 = arith.addi %add3A_23, %add3A_36 : i32
      %eq3A_38 = arith.constant 0 : i32
      %eq3A_39 = arith.cmpi eq, %arg0, %eq3A_38 : i32
      %convert_element_type3A_40 = arith.extui %eq3A_39 : i1 to i32
      %cond3A_41 = arith.constant 0 : i32
      %cond3A_42 = arith.cmpi ne, %convert_element_type3A_40, %cond3A_41 : i32
      scf.if %cond3A_42 {
        "tpu.region"() ({
          %run_scoped3A = tpu.sem_alloc : memref<!tpu.dma_semaphore, #tpu.memory_space<semaphore_mem>>
          %dma_start3A_68 = tpu.memref_slice %arg3[%add3A_37] : memref<3211264xi32, #tpu.memory_space<hbm>> -> memref<1024xi32, #tpu.memory_space<hbm>>
          %dma_start3A_69 = tpu.memref_slice %arg3[%add3A_37] : memref<3211264xi32, #tpu.memory_space<hbm>> -> memref<1024xi32, #tpu.memory_space<hbm>>
          tpu.enqueue_dma source(%dma_start3A_69 : memref<1024xi32, #tpu.memory_space<hbm>>) target(%arg11 : memref<1024xi32, #tpu.memory_space<vmem>>) target_semaphore(%run_scoped3A : memref<!tpu.dma_semaphore, #tpu.memory_space<semaphore_mem>>)
          %dma_wait3A_70 = tpu.memref_slice %arg3[%add3A_37] : memref<3211264xi32, #tpu.memory_space<hbm>> -> memref<1024xi32, #tpu.memory_space<hbm>>
          %dma_wait3A_71 = tpu.memref_slice %arg3[%add3A_37] : memref<3211264xi32, #tpu.memory_space<hbm>> -> memref<1024xi32, #tpu.memory_space<hbm>>
          tpu.wait_dma2 semaphore(%run_scoped3A : memref<!tpu.dma_semaphore, #tpu.memory_space<semaphore_mem>>) src(%dma_wait3A_71 : memref<1024xi32, #tpu.memory_space<hbm>>) dst(%arg11 : memref<1024xi32, #tpu.memory_space<vmem>>)
          tpu.yield
        }) : () -> ()
      } else {
      }
      %eq3A_43 = arith.constant 1 : i32
      %eq3A_44 = arith.cmpi eq, %arg0, %eq3A_43 : i32
      %convert_element_type3A_45 = arith.extui %eq3A_44 : i1 to i32
      %cond3A_46 = arith.constant 0 : i32
      %cond3A_47 = arith.cmpi ne, %convert_element_type3A_45, %cond3A_46 : i32
      scf.if %cond3A_47 {
        "tpu.region"() ({
          %run_scoped3A = tpu.sem_alloc : memref<!tpu.dma_semaphore, #tpu.memory_space<semaphore_mem>>
          %dma_start3A_68 = tpu.memref_slice %arg4[%add3A_37] : memref<3211264xi32, #tpu.memory_space<hbm>> -> memref<1024xi32, #tpu.memory_space<hbm>>
          %dma_start3A_69 = tpu.memref_slice %arg4[%add3A_37] : memref<3211264xi32, #tpu.memory_space<hbm>> -> memref<1024xi32, #tpu.memory_space<hbm>>
          tpu.enqueue_dma source(%dma_start3A_69 : memref<1024xi32, #tpu.memory_space<hbm>>) target(%arg11 : memref<1024xi32, #tpu.memory_space<vmem>>) target_semaphore(%run_scoped3A : memref<!tpu.dma_semaphore, #tpu.memory_space<semaphore_mem>>)
          %dma_wait3A_70 = tpu.memref_slice %arg4[%add3A_37] : memref<3211264xi32, #tpu.memory_space<hbm>> -> memref<1024xi32, #tpu.memory_space<hbm>>
          %dma_wait3A_71 = tpu.memref_slice %arg4[%add3A_37] : memref<3211264xi32, #tpu.memory_space<hbm>> -> memref<1024xi32, #tpu.memory_space<hbm>>
          tpu.wait_dma2 semaphore(%run_scoped3A : memref<!tpu.dma_semaphore, #tpu.memory_space<semaphore_mem>>) src(%dma_wait3A_71 : memref<1024xi32, #tpu.memory_space<hbm>>) dst(%arg11 : memref<1024xi32, #tpu.memory_space<vmem>>)
          tpu.yield
        }) : () -> ()
      } else {
      }
      "tpu.region"() ({
        %run_scoped3A = tpu.sem_alloc : memref<!tpu.dma_semaphore, #tpu.memory_space<semaphore_mem>>
        %dma_start3A_68 = tpu.memref_slice %arg5[%add3A_37] : memref<3211264xi32, #tpu.memory_space<hbm>> -> memref<1024xi32, #tpu.memory_space<hbm>>
        %dma_start3A_69 = tpu.memref_slice %arg5[%add3A_37] : memref<3211264xi32, #tpu.memory_space<hbm>> -> memref<1024xi32, #tpu.memory_space<hbm>>
        tpu.enqueue_dma source(%dma_start3A_69 : memref<1024xi32, #tpu.memory_space<hbm>>) target(%arg13 : memref<1024xi32, #tpu.memory_space<vmem>>) target_semaphore(%run_scoped3A : memref<!tpu.dma_semaphore, #tpu.memory_space<semaphore_mem>>)
        %dma_wait3A_70 = tpu.memref_slice %arg5[%add3A_37] : memref<3211264xi32, #tpu.memory_space<hbm>> -> memref<1024xi32, #tpu.memory_space<hbm>>
        %dma_wait3A_71 = tpu.memref_slice %arg5[%add3A_37] : memref<3211264xi32, #tpu.memory_space<hbm>> -> memref<1024xi32, #tpu.memory_space<hbm>>
        tpu.wait_dma2 semaphore(%run_scoped3A : memref<!tpu.dma_semaphore, #tpu.memory_space<semaphore_mem>>) src(%dma_wait3A_71 : memref<1024xi32, #tpu.memory_space<hbm>>) dst(%arg13 : memref<1024xi32, #tpu.memory_space<vmem>>)
        tpu.yield
      }) : () -> ()
      %dma_start3A_48 = arith.constant 0 : i32
      %dma_start3A_49 = arith.constant 0 : i32
      %dma_start3A_50 = tpu.memref_slice %arg2[%dma_start3A_48, %dma_start3A_49] : memref<51200x16xf32, #tpu.memory_space<hbm>> -> memref<51200x16xf32, #tpu.memory_space<hbm>>
      tpu.enqueue_indirect_dma source(%dma_start3A_50 : memref<51200x16xf32, #tpu.memory_space<hbm>>) target(%arg15 : memref<1024x16xf32, #tpu.memory_space<vmem>>) offsets(%arg11 : memref<1024xi32, #tpu.memory_space<vmem>>) semaphore(%arg17 : memref<!tpu.dma_semaphore, #tpu.memory_space<semaphore_mem>>)
      %dma_wait3A = arith.constant 0 : i32
      %dma_wait3A_51 = arith.constant 0 : i32
      %dma_wait3A_52 = tpu.memref_slice %arg2[%dma_wait3A, %dma_wait3A_51] : memref<51200x16xf32, #tpu.memory_space<hbm>> -> memref<51200x16xf32, #tpu.memory_space<hbm>>
      tpu.wait_indirect_dma semaphore(%arg16 : memref<!tpu.dma_semaphore, #tpu.memory_space<semaphore_mem>>) src(%dma_wait3A_52 : memref<51200x16xf32, #tpu.memory_space<hbm>>) dst(%arg14 : memref<1024x16xf32, #tpu.memory_space<vmem>>)
      %dma_start3A_53 = arith.constant 0 : i32
      %dma_start3A_54 = arith.constant 0 : i32
      %dma_start3A_55 = tpu.memref_slice %arg9[%dma_start3A_53, %dma_start3A_54] : memref<51200x16xf32, #tpu.memory_space<vmem_shared>> -> memref<51200x16xf32, #tpu.memory_space<vmem_shared>>
      tpu.enqueue_indirect_dma source(%arg14 : memref<1024x16xf32, #tpu.memory_space<vmem>>) target(%dma_start3A_55 : memref<51200x16xf32, #tpu.memory_space<vmem_shared>>) offsets(%arg12 : memref<1024xi32, #tpu.memory_space<vmem>>) semaphore(%arg18 : memref<!tpu.dma_semaphore, #tpu.memory_space<semaphore_mem>>) {add = true}
      %dma_wait3A_56 = arith.constant 0 : i32
      %dma_wait3A_57 = arith.constant 0 : i32
      %dma_wait3A_58 = tpu.memref_slice %arg2[%dma_wait3A_56, %dma_wait3A_57] : memref<51200x16xf32, #tpu.memory_space<hbm>> -> memref<51200x16xf32, #tpu.memory_space<hbm>>
      tpu.wait_indirect_dma semaphore(%arg17 : memref<!tpu.dma_semaphore, #tpu.memory_space<semaphore_mem>>) src(%dma_wait3A_58 : memref<51200x16xf32, #tpu.memory_space<hbm>>) dst(%arg15 : memref<1024x16xf32, #tpu.memory_space<vmem>>)
      %dma_start3A_59 = arith.constant 0 : i32
      %dma_start3A_60 = arith.constant 0 : i32
      %dma_start3A_61 = tpu.memref_slice %arg9[%dma_start3A_59, %dma_start3A_60] : memref<51200x16xf32, #tpu.memory_space<vmem_shared>> -> memref<51200x16xf32, #tpu.memory_space<vmem_shared>>
      tpu.enqueue_indirect_dma source(%arg15 : memref<1024x16xf32, #tpu.memory_space<vmem>>) target(%dma_start3A_61 : memref<51200x16xf32, #tpu.memory_space<vmem_shared>>) offsets(%arg13 : memref<1024xi32, #tpu.memory_space<vmem>>) semaphore(%arg19 : memref<!tpu.dma_semaphore, #tpu.memory_space<semaphore_mem>>) {add = true}
      %dma_wait3A_62 = arith.constant 0 : i32
      %dma_wait3A_63 = arith.constant 0 : i32
      %dma_wait3A_64 = tpu.memref_slice %arg9[%dma_wait3A_62, %dma_wait3A_63] : memref<51200x16xf32, #tpu.memory_space<vmem_shared>> -> memref<51200x16xf32, #tpu.memory_space<vmem_shared>>
      tpu.wait_indirect_dma semaphore(%arg18 : memref<!tpu.dma_semaphore, #tpu.memory_space<semaphore_mem>>) src(%arg14 : memref<1024x16xf32, #tpu.memory_space<vmem>>) dst(%dma_wait3A_64 : memref<51200x16xf32, #tpu.memory_space<vmem_shared>>)
      %dma_wait3A_65 = arith.constant 0 : i32
      %dma_wait3A_66 = arith.constant 0 : i32
      %dma_wait3A_67 = tpu.memref_slice %arg9[%dma_wait3A_65, %dma_wait3A_66] : memref<51200x16xf32, #tpu.memory_space<vmem_shared>> -> memref<51200x16xf32, #tpu.memory_space<vmem_shared>>
      tpu.wait_indirect_dma semaphore(%arg19 : memref<!tpu.dma_semaphore, #tpu.memory_space<semaphore_mem>>) src(%arg15 : memref<1024x16xf32, #tpu.memory_space<vmem>>) dst(%dma_wait3A_67 : memref<51200x16xf32, #tpu.memory_space<vmem_shared>>)
    }
    %scan3A_9 = arith.constant 49 : i32
    %barrier3A_10 = arith.constant 0 : index
    tpu.barrier barrier_id(%barrier3A_10)
    %eq3A = arith.constant 0 : i32
    %eq3A_11 = arith.cmpi eq, %arg0, %eq3A : i32
    %convert_element_type3A = arith.extui %eq3A_11 : i1 to i32
    %cond3A = arith.constant 0 : i32
    %cond3A_12 = arith.cmpi ne, %convert_element_type3A, %cond3A : i32
    scf.if %cond3A_12 {
      "tpu.region"() ({
        %run_scoped3A = tpu.sem_alloc : memref<!tpu.dma_semaphore, #tpu.memory_space<semaphore_mem>>
        %dma_start3A = arith.constant 0 : i32
        %dma_start3A_18 = tpu.memref_slice %arg7[%mul3A_0, %dma_start3A] : memref<51200x16xf32, #tpu.memory_space<hbm>> -> memref<3200x16xf32, #tpu.memory_space<hbm>>
        %dma_start3A_19 = arith.constant 0 : i32
        %dma_start3A_20 = tpu.memref_slice %arg9[%mul3A_0, %dma_start3A_19] : memref<51200x16xf32, #tpu.memory_space<vmem_shared>> -> memref<3200x16xf32, #tpu.memory_space<vmem_shared>>
        tpu.enqueue_dma source(%dma_start3A_20 : memref<3200x16xf32, #tpu.memory_space<vmem_shared>>) target(%dma_start3A_18 : memref<3200x16xf32, #tpu.memory_space<hbm>>) target_semaphore(%run_scoped3A : memref<!tpu.dma_semaphore, #tpu.memory_space<semaphore_mem>>)
        %dma_wait3A = arith.constant 0 : i32
        %dma_wait3A_21 = tpu.memref_slice %arg7[%mul3A_0, %dma_wait3A] : memref<51200x16xf32, #tpu.memory_space<hbm>> -> memref<3200x16xf32, #tpu.memory_space<hbm>>
        %dma_wait3A_22 = arith.constant 0 : i32
        %dma_wait3A_23 = tpu.memref_slice %arg9[%mul3A_0, %dma_wait3A_22] : memref<51200x16xf32, #tpu.memory_space<vmem_shared>> -> memref<3200x16xf32, #tpu.memory_space<vmem_shared>>
        tpu.wait_dma2 semaphore(%run_scoped3A : memref<!tpu.dma_semaphore, #tpu.memory_space<semaphore_mem>>) src(%dma_wait3A_23 : memref<3200x16xf32, #tpu.memory_space<vmem_shared>>) dst(%dma_wait3A_21 : memref<3200x16xf32, #tpu.memory_space<hbm>>)
        tpu.yield
      }) : () -> ()
    } else {
    }
    %eq3A_13 = arith.constant 1 : i32
    %eq3A_14 = arith.cmpi eq, %arg0, %eq3A_13 : i32
    %convert_element_type3A_15 = arith.extui %eq3A_14 : i1 to i32
    %cond3A_16 = arith.constant 0 : i32
    %cond3A_17 = arith.cmpi ne, %convert_element_type3A_15, %cond3A_16 : i32
    scf.if %cond3A_17 {
      "tpu.region"() ({
        %run_scoped3A = tpu.sem_alloc : memref<!tpu.dma_semaphore, #tpu.memory_space<semaphore_mem>>
        %dma_start3A = arith.constant 0 : i32
        %dma_start3A_18 = tpu.memref_slice %arg8[%mul3A_0, %dma_start3A] : memref<51200x16xf32, #tpu.memory_space<hbm>> -> memref<3200x16xf32, #tpu.memory_space<hbm>>
        %dma_start3A_19 = arith.constant 0 : i32
        %dma_start3A_20 = tpu.memref_slice %arg9[%mul3A_0, %dma_start3A_19] : memref<51200x16xf32, #tpu.memory_space<vmem_shared>> -> memref<3200x16xf32, #tpu.memory_space<vmem_shared>>
        tpu.enqueue_dma source(%dma_start3A_20 : memref<3200x16xf32, #tpu.memory_space<vmem_shared>>) target(%dma_start3A_18 : memref<3200x16xf32, #tpu.memory_space<hbm>>) target_semaphore(%run_scoped3A : memref<!tpu.dma_semaphore, #tpu.memory_space<semaphore_mem>>)
        %dma_wait3A = arith.constant 0 : i32
        %dma_wait3A_21 = tpu.memref_slice %arg8[%mul3A_0, %dma_wait3A] : memref<51200x16xf32, #tpu.memory_space<hbm>> -> memref<3200x16xf32, #tpu.memory_space<hbm>>
        %dma_wait3A_22 = arith.constant 0 : i32
        %dma_wait3A_23 = tpu.memref_slice %arg9[%mul3A_0, %dma_wait3A_22] : memref<51200x16xf32, #tpu.memory_space<vmem_shared>> -> memref<3200x16xf32, #tpu.memory_space<vmem_shared>>
        tpu.wait_dma2 semaphore(%run_scoped3A : memref<!tpu.dma_semaphore, #tpu.memory_space<semaphore_mem>>) src(%dma_wait3A_23 : memref<3200x16xf32, #tpu.memory_space<vmem_shared>>) dst(%dma_wait3A_21 : memref<3200x16xf32, #tpu.memory_space<hbm>>)
        tpu.yield
      }) : () -> ()
    } else {
    }
    return
  }
}

module attributes {stable_mosaic.version = 14 : i64} {
  func.func @_stage_a(%arg0: i32, %arg1: memref<1600x16xf32, #tpu.memory_space<vmem>>, %arg2: memref<1600x16xf32, #tpu.memory_space<vmem>>, %arg3: memref<1600x16xf32, #tpu.memory_space<vmem>>, %arg4: memref<16x16xf32, #tpu.memory_space<vmem>>, %arg5: memref<1600x16xf32, #tpu.memory_space<vmem>>) attributes {dimension_semantics = [#tpu.dimension_semantics<arbitrary>], iteration_bounds = array<i64: 32>, scalar_prefetch = 0 : i64, scratch_operands = 0 : i64, tpu.core_type = #tpu.core_type<tc>, window_params = [{transform_indices = @transform_0, window_bounds = array<i64: 1600, 16>}, {transform_indices = @transform_1, window_bounds = array<i64: 1600, 16>}, {transform_indices = @transform_2, window_bounds = array<i64: 1600, 16>}, {pipeline_mode = #tpu.pipeline_mode<synchronous>, transform_indices = @transform_3, window_bounds = array<i64: 16, 16>}, {transform_indices = @transform_4, window_bounds = array<i64: 1600, 16>}]} {
    %get3A = arith.constant 0 : index
    %get3A_0 = arith.constant 0 : index
    %get3A_1 = vector.load %arg1[%get3A, %get3A_0] : memref<1600x16xf32, #tpu.memory_space<vmem>>, vector<1600x1xf32>
    %get3A_2 = arith.constant 0 : index
    %get3A_3 = arith.constant 0 : index
    %get3A_4 = vector.load %arg2[%get3A_2, %get3A_3] : memref<1600x16xf32, #tpu.memory_space<vmem>>, vector<1600x1xf32>
    %add3A = arith.addf %get3A_1, %get3A_4 : vector<1600x1xf32>
    %add3A_5 = arith.constant 1.000000e+00 : f32
    %add3A_6 = vector.broadcast %add3A_5 : f32 to vector<1600x1xf32>
    %add3A_7 = arith.addf %add3A, %add3A_6 : vector<1600x1xf32>
    %rsqrt3A = math.rsqrt %add3A_7 : vector<1600x1xf32>
    %get3A_8 = arith.constant 0 : index
    %get3A_9 = arith.constant 0 : index
    %get3A_10 = vector.load %arg3[%get3A_8, %get3A_9] : memref<1600x16xf32, #tpu.memory_space<vmem>>, vector<1600x16xf32>
    %get3A_11 = arith.constant 0 : index
    %get3A_12 = arith.constant 0 : index
    %get3A_13 = vector.load %arg4[%get3A_11, %get3A_12] : memref<16x16xf32, #tpu.memory_space<vmem>>, vector<16x16xf32>
    %dot_general3A = arith.constant dense<0.000000e+00> : vector<1600x16xf32>
    %dot_general3A_14 = tpu.matmul %get3A_10, %get3A_13, %dot_general3A {dimension_numbers = #tpu.dot_dimension_numbers<[1], [0], [0], [1], [0, 0, 1, 1], [], []>, transpose_lhs_hint = false} : vector<1600x16xf32>, vector<16x16xf32>, vector<1600x16xf32> -> vector<1600x16xf32>
    %mul3A = vector.broadcast %rsqrt3A : vector<1600x1xf32> to vector<1600x16xf32>
    %mul3A_15 = arith.mulf %mul3A, %dot_general3A_14 : vector<1600x16xf32>
    %swap3A = arith.constant 0 : index
    %swap3A_16 = arith.constant 0 : index
    %swap3A_17 = vector.load %arg5[%swap3A, %swap3A_16] : memref<1600x16xf32, #tpu.memory_space<vmem>>, vector<1600x16xf32>
    tpu.vector_store %arg5[%swap3A, %swap3A_16], %mul3A_15 {strides = array<i32>} : memref<1600x16xf32, #tpu.memory_space<vmem>>, vector<1600x16xf32>,
    return
  }
  func.func @transform_0(%arg0: i32) -> (i32, i32) {
    %c0_i32 = arith.constant 0 : i32
    %c0_i32_0 = arith.constant 0 : i32
    return %arg0, %c0_i32 : i32, i32
  }
  func.func @transform_1(%arg0: i32) -> (i32, i32) {
    %c0_i32 = arith.constant 0 : i32
    %c0_i32_0 = arith.constant 0 : i32
    return %arg0, %c0_i32 : i32, i32
  }
  func.func @transform_2(%arg0: i32) -> (i32, i32) {
    %c0_i32 = arith.constant 0 : i32
    %c0_i32_0 = arith.constant 0 : i32
    return %arg0, %c0_i32 : i32, i32
  }
  func.func @transform_3(%arg0: i32) -> (i32, i32) {
    %c0_i32 = arith.constant 0 : i32
    %c0_i32_0 = arith.constant 0 : i32
    %c0_i32_1 = arith.constant 0 : i32
    return %c0_i32, %c0_i32_0 : i32, i32
  }
  func.func @transform_4(%arg0: i32) -> (i32, i32) {
    %c0_i32 = arith.constant 0 : i32
    %c0_i32_0 = arith.constant 0 : i32
    return %arg0, %c0_i32 : i32, i32
  }
}

module attributes {stable_mosaic.version = 14 : i64} {
  func.func @_stage_b1_body(%arg0: i32, %arg1: memref<1600x16xf32, #tpu.memory_space<vmem>>, %arg2: memref<1600x16xf32, #tpu.memory_space<vmem>>, %arg3: memref<1600x16xf32, #tpu.memory_space<vmem>>, %arg4: memref<1600x16xf32, #tpu.memory_space<vmem>>, %arg5: memref<1600x16xf32, #tpu.memory_space<vmem>>, %arg6: memref<1x16xf32, #tpu.memory_space<vmem>>, %arg7: memref<16x32xf32, #tpu.memory_space<vmem>>, %arg8: memref<1600x16xf32, #tpu.memory_space<vmem>>, %arg9: memref<1600x16xf32, #tpu.memory_space<vmem>>) attributes {dimension_semantics = [#tpu.dimension_semantics<arbitrary>], iteration_bounds = array<i64: 32>, scalar_prefetch = 0 : i64, scratch_operands = 0 : i64, tpu.core_type = #tpu.core_type<tc>, window_params = [{transform_indices = @transform_0, window_bounds = array<i64: 1600, 16>}, {transform_indices = @transform_1, window_bounds = array<i64: 1600, 16>}, {transform_indices = @transform_2, window_bounds = array<i64: 1600, 16>}, {transform_indices = @transform_3, window_bounds = array<i64: 1600, 16>}, {transform_indices = @transform_4, window_bounds = array<i64: 1600, 16>}, {pipeline_mode = #tpu.pipeline_mode<synchronous>, transform_indices = @transform_5, window_bounds = array<i64: 1, 16>}, {pipeline_mode = #tpu.pipeline_mode<synchronous>, transform_indices = @transform_6, window_bounds = array<i64: 16, 32>}, {transform_indices = @transform_7, window_bounds = array<i64: 1600, 16>}, {transform_indices = @transform_8, window_bounds = array<i64: 1600, 16>}]} {
    %get3A = arith.constant 0 : index
    %get3A_0 = arith.constant 0 : index
    %get3A_1 = vector.load %arg4[%get3A, %get3A_0] : memref<1600x16xf32, #tpu.memory_space<vmem>>, vector<1600x1xf32>
    %get3A_2 = arith.constant 0 : index
    %get3A_3 = arith.constant 0 : index
    %get3A_4 = vector.load %arg5[%get3A_2, %get3A_3] : memref<1600x16xf32, #tpu.memory_space<vmem>>, vector<1600x1xf32>
    %add3A = arith.addf %get3A_1, %get3A_4 : vector<1600x1xf32>
    %add3A_5 = arith.constant 1.000000e+00 : f32
    %add3A_6 = vector.broadcast %add3A_5 : f32 to vector<1600x1xf32>
    %add3A_7 = arith.addf %add3A, %add3A_6 : vector<1600x1xf32>
    %rsqrt3A = math.rsqrt %add3A_7 : vector<1600x1xf32>
    %get3A_8 = arith.constant 0 : index
    %get3A_9 = arith.constant 0 : index
    %get3A_10 = vector.load %arg1[%get3A_8, %get3A_9] : memref<1600x16xf32, #tpu.memory_space<vmem>>, vector<1600x16xf32>
    %get3A_11 = arith.constant 0 : index
    %get3A_12 = arith.constant 0 : index
    %get3A_13 = vector.load %arg2[%get3A_11, %get3A_12] : memref<1600x16xf32, #tpu.memory_space<vmem>>, vector<1600x16xf32>
    %add3A_14 = arith.addf %get3A_10, %get3A_13 : vector<1600x16xf32>
    %get3A_15 = arith.constant 0 : index
    %get3A_16 = arith.constant 0 : index
    %get3A_17 = vector.load %arg3[%get3A_15, %get3A_16] : memref<1600x16xf32, #tpu.memory_space<vmem>>, vector<1600x16xf32>
    %add3A_18 = arith.addf %add3A_14, %get3A_17 : vector<1600x16xf32>
    %mul3A = vector.broadcast %rsqrt3A : vector<1600x1xf32> to vector<1600x16xf32>
    %mul3A_19 = arith.mulf %mul3A, %add3A_18 : vector<1600x16xf32>
    %get3A_20 = arith.constant 0 : index
    %get3A_21 = arith.constant 0 : index
    %get3A_22 = vector.load %arg6[%get3A_20, %get3A_21] : memref<1x16xf32, #tpu.memory_space<vmem>>, vector<1x16xf32>
    %add3A_23 = vector.broadcast %get3A_22 : vector<1x16xf32> to vector<1600x16xf32>
    %add3A_24 = arith.addf %mul3A_19, %add3A_23 : vector<1600x16xf32>
    %max3A = arith.constant 0.000000e+00 : f32
    %max3A_25 = vector.broadcast %max3A : f32 to vector<1600x16xf32>
    %max3A_26 = arith.maximumf %add3A_24, %max3A_25 : vector<1600x16xf32>
    %get3A_27 = arith.constant 0 : index
    %get3A_28 = arith.constant 0 : index
    %get3A_29 = vector.load %arg7[%get3A_27, %get3A_28] : memref<16x32xf32, #tpu.memory_space<vmem>>, vector<16x32xf32>
    %dot_general3A = arith.constant dense<0.000000e+00> : vector<1600x32xf32>
    %dot_general3A_30 = tpu.matmul %max3A_26, %get3A_29, %dot_general3A {dimension_numbers = #tpu.dot_dimension_numbers<[1], [0], [0], [1], [0, 0, 1, 1], [], []>, transpose_lhs_hint = false} : vector<1600x16xf32>, vector<16x32xf32>, vector<1600x32xf32> -> vector<1600x32xf32>
    %mul3A_31 = vector.broadcast %rsqrt3A : vector<1600x1xf32> to vector<1600x32xf32>
    %mul3A_32 = arith.mulf %mul3A_31, %dot_general3A_30 : vector<1600x32xf32>
    %slice3A = vector.extract_strided_slice %mul3A_32 {offsets = [0, 0], sizes = [1600, 16], strides = [1, 1]} : vector<1600x32xf32> to vector<1600x16xf32>
    %swap3A = arith.constant 0 : index
    %swap3A_33 = arith.constant 0 : index
    %swap3A_34 = vector.load %arg8[%swap3A, %swap3A_33] : memref<1600x16xf32, #tpu.memory_space<vmem>>, vector<1600x16xf32>
    tpu.vector_store %arg8[%swap3A, %swap3A_33], %slice3A {strides = array<i32>} : memref<1600x16xf32, #tpu.memory_space<vmem>>, vector<1600x16xf32>,
    %slice3A_35 = vector.extract_strided_slice %mul3A_32 {offsets = [0, 16], sizes = [1600, 16], strides = [1, 1]} : vector<1600x32xf32> to vector<1600x16xf32>
    %swap3A_36 = arith.constant 0 : index
    %swap3A_37 = arith.constant 0 : index
    %swap3A_38 = vector.load %arg9[%swap3A_36, %swap3A_37] : memref<1600x16xf32, #tpu.memory_space<vmem>>, vector<1600x16xf32>
    tpu.vector_store %arg9[%swap3A_36, %swap3A_37], %slice3A_35 {strides = array<i32>} : memref<1600x16xf32, #tpu.memory_space<vmem>>, vector<1600x16xf32>,
    return
  }
  func.func @transform_0(%arg0: i32) -> (i32, i32) {
    %c0_i32 = arith.constant 0 : i32
    %c0_i32_0 = arith.constant 0 : i32
    return %arg0, %c0_i32 : i32, i32
  }
  func.func @transform_1(%arg0: i32) -> (i32, i32) {
    %c0_i32 = arith.constant 0 : i32
    %c0_i32_0 = arith.constant 0 : i32
    return %arg0, %c0_i32 : i32, i32
  }
  func.func @transform_2(%arg0: i32) -> (i32, i32) {
    %c0_i32 = arith.constant 0 : i32
    %c0_i32_0 = arith.constant 0 : i32
    return %arg0, %c0_i32 : i32, i32
  }
  func.func @transform_3(%arg0: i32) -> (i32, i32) {
    %c0_i32 = arith.constant 0 : i32
    %c0_i32_0 = arith.constant 0 : i32
    return %arg0, %c0_i32 : i32, i32
  }
  func.func @transform_4(%arg0: i32) -> (i32, i32) {
    %c0_i32 = arith.constant 0 : i32
    %c0_i32_0 = arith.constant 0 : i32
    return %arg0, %c0_i32 : i32, i32
  }
  func.func @transform_5(%arg0: i32) -> (i32, i32) {
    %c0_i32 = arith.constant 0 : i32
    %c0_i32_0 = arith.constant 0 : i32
    %c0_i32_1 = arith.constant 0 : i32
    return %c0_i32, %c0_i32_0 : i32, i32
  }
  func.func @transform_6(%arg0: i32) -> (i32, i32) {
    %c0_i32 = arith.constant 0 : i32
    %c0_i32_0 = arith.constant 0 : i32
    %c0_i32_1 = arith.constant 0 : i32
    return %c0_i32, %c0_i32_0 : i32, i32
  }
  func.func @transform_7(%arg0: i32) -> (i32, i32) {
    %c0_i32 = arith.constant 0 : i32
    %c0_i32_0 = arith.constant 0 : i32
    return %arg0, %c0_i32 : i32, i32
  }
  func.func @transform_8(%arg0: i32) -> (i32, i32) {
    %c0_i32 = arith.constant 0 : i32
    %c0_i32_0 = arith.constant 0 : i32
    return %arg0, %c0_i32 : i32, i32
  }
}

module attributes {stable_mosaic.version = 14 : i64} {
  func.func @_stage_b2(%arg0: i32, %arg1: memref<1600x16xf32, #tpu.memory_space<vmem>>, %arg2: memref<1600x16xf32, #tpu.memory_space<vmem>>, %arg3: memref<1600x16xf32, #tpu.memory_space<vmem>>, %arg4: memref<1600x16xf32, #tpu.memory_space<vmem>>, %arg5: memref<1600x16xf32, #tpu.memory_space<vmem>>, %arg6: memref<1600x16xf32, #tpu.memory_space<vmem>>, %arg7: memref<1x32xf32, #tpu.memory_space<vmem>>, %arg8: memref<32x16xf32, #tpu.memory_space<vmem>>, %arg9: memref<1600x16xf32, #tpu.memory_space<vmem>>) attributes {dimension_semantics = [#tpu.dimension_semantics<arbitrary>], iteration_bounds = array<i64: 32>, scalar_prefetch = 0 : i64, scratch_operands = 0 : i64, tpu.core_type = #tpu.core_type<tc>, window_params = [{transform_indices = @transform_0, window_bounds = array<i64: 1600, 16>}, {transform_indices = @transform_1, window_bounds = array<i64: 1600, 16>}, {transform_indices = @transform_2, window_bounds = array<i64: 1600, 16>}, {transform_indices = @transform_3, window_bounds = array<i64: 1600, 16>}, {transform_indices = @transform_4, window_bounds = array<i64: 1600, 16>}, {transform_indices = @transform_5, window_bounds = array<i64: 1600, 16>}, {pipeline_mode = #tpu.pipeline_mode<synchronous>, transform_indices = @transform_6, window_bounds = array<i64: 1, 32>}, {pipeline_mode = #tpu.pipeline_mode<synchronous>, transform_indices = @transform_7, window_bounds = array<i64: 32, 16>}, {transform_indices = @transform_8, window_bounds = array<i64: 1600, 16>}]} {
    %get3A = arith.constant 0 : index
    %get3A_0 = arith.constant 0 : index
    %get3A_1 = vector.load %arg5[%get3A, %get3A_0] : memref<1600x16xf32, #tpu.memory_space<vmem>>, vector<1600x1xf32>
    %get3A_2 = arith.constant 0 : index
    %get3A_3 = arith.constant 0 : index
    %get3A_4 = vector.load %arg6[%get3A_2, %get3A_3] : memref<1600x16xf32, #tpu.memory_space<vmem>>, vector<1600x1xf32>
    %add3A = arith.addf %get3A_1, %get3A_4 : vector<1600x1xf32>
    %add3A_5 = arith.constant 1.000000e+00 : f32
    %add3A_6 = vector.broadcast %add3A_5 : f32 to vector<1600x1xf32>
    %add3A_7 = arith.addf %add3A, %add3A_6 : vector<1600x1xf32>
    %rsqrt3A = math.rsqrt %add3A_7 : vector<1600x1xf32>
    %get3A_8 = arith.constant 0 : index
    %get3A_9 = arith.constant 0 : index
    %get3A_10 = vector.load %arg1[%get3A_8, %get3A_9] : memref<1600x16xf32, #tpu.memory_space<vmem>>, vector<1600x16xf32>
    %get3A_11 = arith.constant 0 : index
    %get3A_12 = arith.constant 0 : index
    %get3A_13 = vector.load %arg2[%get3A_11, %get3A_12] : memref<1600x16xf32, #tpu.memory_space<vmem>>, vector<1600x16xf32>
    %concatenate3A = tpu.concatenate %get3A_10, %get3A_13 in 1 : vector<1600x16xf32>, vector<1600x16xf32> -> vector<1600x32xf32>
    %get3A_14 = arith.constant 0 : index
    %get3A_15 = arith.constant 0 : index
    %get3A_16 = vector.load %arg3[%get3A_14, %get3A_15] : memref<1600x16xf32, #tpu.memory_space<vmem>>, vector<1600x16xf32>
    %get3A_17 = arith.constant 0 : index
    %get3A_18 = arith.constant 0 : index
    %get3A_19 = vector.load %arg4[%get3A_17, %get3A_18] : memref<1600x16xf32, #tpu.memory_space<vmem>>, vector<1600x16xf32>
    %concatenate3A_20 = tpu.concatenate %get3A_16, %get3A_19 in 1 : vector<1600x16xf32>, vector<1600x16xf32> -> vector<1600x32xf32>
    %add3A_21 = arith.addf %concatenate3A, %concatenate3A_20 : vector<1600x32xf32>
    %mul3A = vector.broadcast %rsqrt3A : vector<1600x1xf32> to vector<1600x32xf32>
    %mul3A_22 = arith.mulf %mul3A, %add3A_21 : vector<1600x32xf32>
    %get3A_23 = arith.constant 0 : index
    %get3A_24 = arith.constant 0 : index
    %get3A_25 = vector.load %arg7[%get3A_23, %get3A_24] : memref<1x32xf32, #tpu.memory_space<vmem>>, vector<1x32xf32>
    %add3A_26 = vector.broadcast %get3A_25 : vector<1x32xf32> to vector<1600x32xf32>
    %add3A_27 = arith.addf %mul3A_22, %add3A_26 : vector<1600x32xf32>
    %max3A = arith.constant 0.000000e+00 : f32
    %max3A_28 = vector.broadcast %max3A : f32 to vector<1600x32xf32>
    %max3A_29 = arith.maximumf %add3A_27, %max3A_28 : vector<1600x32xf32>
    %get3A_30 = arith.constant 0 : index
    %get3A_31 = arith.constant 0 : index
    %get3A_32 = vector.load %arg8[%get3A_30, %get3A_31] : memref<32x16xf32, #tpu.memory_space<vmem>>, vector<32x16xf32>
    %dot_general3A = arith.constant dense<0.000000e+00> : vector<1600x16xf32>
    %dot_general3A_33 = tpu.matmul %max3A_29, %get3A_32, %dot_general3A {dimension_numbers = #tpu.dot_dimension_numbers<[1], [0], [0], [1], [0, 0, 1, 1], [], []>, transpose_lhs_hint = false} : vector<1600x32xf32>, vector<32x16xf32>, vector<1600x16xf32> -> vector<1600x16xf32>
    %mul3A_34 = vector.broadcast %rsqrt3A : vector<1600x1xf32> to vector<1600x16xf32>
    %mul3A_35 = arith.mulf %mul3A_34, %dot_general3A_33 : vector<1600x16xf32>
    %swap3A = arith.constant 0 : index
    %swap3A_36 = arith.constant 0 : index
    %swap3A_37 = vector.load %arg9[%swap3A, %swap3A_36] : memref<1600x16xf32, #tpu.memory_space<vmem>>, vector<1600x16xf32>
    tpu.vector_store %arg9[%swap3A, %swap3A_36], %mul3A_35 {strides = array<i32>} : memref<1600x16xf32, #tpu.memory_space<vmem>>, vector<1600x16xf32>,
    return
  }
  func.func @transform_0(%arg0: i32) -> (i32, i32) {
    %c0_i32 = arith.constant 0 : i32
    %c0_i32_0 = arith.constant 0 : i32
    return %arg0, %c0_i32 : i32, i32
  }
  func.func @transform_1(%arg0: i32) -> (i32, i32) {
    %c0_i32 = arith.constant 0 : i32
    %c0_i32_0 = arith.constant 0 : i32
    return %arg0, %c0_i32 : i32, i32
  }
  func.func @transform_2(%arg0: i32) -> (i32, i32) {
    %c0_i32 = arith.constant 0 : i32
    %c0_i32_0 = arith.constant 0 : i32
    return %arg0, %c0_i32 : i32, i32
  }
  func.func @transform_3(%arg0: i32) -> (i32, i32) {
    %c0_i32 = arith.constant 0 : i32
    %c0_i32_0 = arith.constant 0 : i32
    return %arg0, %c0_i32 : i32, i32
  }
  func.func @transform_4(%arg0: i32) -> (i32, i32) {
    %c0_i32 = arith.constant 0 : i32
    %c0_i32_0 = arith.constant 0 : i32
    return %arg0, %c0_i32 : i32, i32
  }
  func.func @transform_5(%arg0: i32) -> (i32, i32) {
    %c0_i32 = arith.constant 0 : i32
    %c0_i32_0 = arith.constant 0 : i32
    return %arg0, %c0_i32 : i32, i32
  }
  func.func @transform_6(%arg0: i32) -> (i32, i32) {
    %c0_i32 = arith.constant 0 : i32
    %c0_i32_0 = arith.constant 0 : i32
    %c0_i32_1 = arith.constant 0 : i32
    return %c0_i32, %c0_i32_0 : i32, i32
  }
  func.func @transform_7(%arg0: i32) -> (i32, i32) {
    %c0_i32 = arith.constant 0 : i32
    %c0_i32_0 = arith.constant 0 : i32
    %c0_i32_1 = arith.constant 0 : i32
    return %c0_i32, %c0_i32_0 : i32, i32
  }
  func.func @transform_8(%arg0: i32) -> (i32, i32) {
    %c0_i32 = arith.constant 0 : i32
    %c0_i32_0 = arith.constant 0 : i32
    return %arg0, %c0_i32 : i32, i32
  }
}

module attributes {stable_mosaic.version = 14 : i64} {
  func.func @_stage_b(%arg0: i32, %arg1: memref<1600x16xf32, #tpu.memory_space<vmem>>, %arg2: memref<1600x16xf32, #tpu.memory_space<vmem>>, %arg3: memref<1600x16xf32, #tpu.memory_space<vmem>>, %arg4: memref<1600x16xf32, #tpu.memory_space<vmem>>, %arg5: memref<1600x16xf32, #tpu.memory_space<vmem>>, %arg6: memref<1x16xf32, #tpu.memory_space<vmem>>, %arg7: memref<16x16xf32, #tpu.memory_space<vmem>>, %arg8: memref<1600x16xf32, #tpu.memory_space<vmem>>) attributes {dimension_semantics = [#tpu.dimension_semantics<arbitrary>], iteration_bounds = array<i64: 32>, scalar_prefetch = 0 : i64, scratch_operands = 0 : i64, tpu.core_type = #tpu.core_type<tc>, window_params = [{transform_indices = @transform_0, window_bounds = array<i64: 1600, 16>}, {transform_indices = @transform_1, window_bounds = array<i64: 1600, 16>}, {transform_indices = @transform_2, window_bounds = array<i64: 1600, 16>}, {transform_indices = @transform_3, window_bounds = array<i64: 1600, 16>}, {transform_indices = @transform_4, window_bounds = array<i64: 1600, 16>}, {pipeline_mode = #tpu.pipeline_mode<synchronous>, transform_indices = @transform_5, window_bounds = array<i64: 1, 16>}, {pipeline_mode = #tpu.pipeline_mode<synchronous>, transform_indices = @transform_6, window_bounds = array<i64: 16, 16>}, {transform_indices = @transform_7, window_bounds = array<i64: 1600, 16>}]} {
    %get3A = arith.constant 0 : index
    %get3A_0 = arith.constant 0 : index
    %get3A_1 = vector.load %arg4[%get3A, %get3A_0] : memref<1600x16xf32, #tpu.memory_space<vmem>>, vector<1600x1xf32>
    %get3A_2 = arith.constant 0 : index
    %get3A_3 = arith.constant 0 : index
    %get3A_4 = vector.load %arg5[%get3A_2, %get3A_3] : memref<1600x16xf32, #tpu.memory_space<vmem>>, vector<1600x1xf32>
    %add3A = arith.addf %get3A_1, %get3A_4 : vector<1600x1xf32>
    %add3A_5 = arith.constant 1.000000e+00 : f32
    %add3A_6 = vector.broadcast %add3A_5 : f32 to vector<1600x1xf32>
    %add3A_7 = arith.addf %add3A, %add3A_6 : vector<1600x1xf32>
    %rsqrt3A = math.rsqrt %add3A_7 : vector<1600x1xf32>
    %get3A_8 = arith.constant 0 : index
    %get3A_9 = arith.constant 0 : index
    %get3A_10 = vector.load %arg1[%get3A_8, %get3A_9] : memref<1600x16xf32, #tpu.memory_space<vmem>>, vector<1600x16xf32>
    %get3A_11 = arith.constant 0 : index
    %get3A_12 = arith.constant 0 : index
    %get3A_13 = vector.load %arg2[%get3A_11, %get3A_12] : memref<1600x16xf32, #tpu.memory_space<vmem>>, vector<1600x16xf32>
    %add3A_14 = arith.addf %get3A_10, %get3A_13 : vector<1600x16xf32>
    %get3A_15 = arith.constant 0 : index
    %get3A_16 = arith.constant 0 : index
    %get3A_17 = vector.load %arg3[%get3A_15, %get3A_16] : memref<1600x16xf32, #tpu.memory_space<vmem>>, vector<1600x16xf32>
    %add3A_18 = arith.addf %add3A_14, %get3A_17 : vector<1600x16xf32>
    %mul3A = vector.broadcast %rsqrt3A : vector<1600x1xf32> to vector<1600x16xf32>
    %mul3A_19 = arith.mulf %mul3A, %add3A_18 : vector<1600x16xf32>
    %get3A_20 = arith.constant 0 : index
    %get3A_21 = arith.constant 0 : index
    %get3A_22 = vector.load %arg6[%get3A_20, %get3A_21] : memref<1x16xf32, #tpu.memory_space<vmem>>, vector<1x16xf32>
    %add3A_23 = vector.broadcast %get3A_22 : vector<1x16xf32> to vector<1600x16xf32>
    %add3A_24 = arith.addf %mul3A_19, %add3A_23 : vector<1600x16xf32>
    %max3A = arith.constant 0.000000e+00 : f32
    %max3A_25 = vector.broadcast %max3A : f32 to vector<1600x16xf32>
    %max3A_26 = arith.maximumf %add3A_24, %max3A_25 : vector<1600x16xf32>
    %get3A_27 = arith.constant 0 : index
    %get3A_28 = arith.constant 0 : index
    %get3A_29 = vector.load %arg7[%get3A_27, %get3A_28] : memref<16x16xf32, #tpu.memory_space<vmem>>, vector<16x16xf32>
    %dot_general3A = arith.constant dense<0.000000e+00> : vector<1600x16xf32>
    %dot_general3A_30 = tpu.matmul %max3A_26, %get3A_29, %dot_general3A {dimension_numbers = #tpu.dot_dimension_numbers<[1], [0], [0], [1], [0, 0, 1, 1], [], []>, transpose_lhs_hint = false} : vector<1600x16xf32>, vector<16x16xf32>, vector<1600x16xf32> -> vector<1600x16xf32>
    %mul3A_31 = vector.broadcast %rsqrt3A : vector<1600x1xf32> to vector<1600x16xf32>
    %mul3A_32 = arith.mulf %mul3A_31, %dot_general3A_30 : vector<1600x16xf32>
    %swap3A = arith.constant 0 : index
    %swap3A_33 = arith.constant 0 : index
    %swap3A_34 = vector.load %arg8[%swap3A, %swap3A_33] : memref<1600x16xf32, #tpu.memory_space<vmem>>, vector<1600x16xf32>
    tpu.vector_store %arg8[%swap3A, %swap3A_33], %mul3A_32 {strides = array<i32>} : memref<1600x16xf32, #tpu.memory_space<vmem>>, vector<1600x16xf32>,
    return
  }
  func.func @transform_0(%arg0: i32) -> (i32, i32) {
    %c0_i32 = arith.constant 0 : i32
    %c0_i32_0 = arith.constant 0 : i32
    return %arg0, %c0_i32 : i32, i32
  }
  func.func @transform_1(%arg0: i32) -> (i32, i32) {
    %c0_i32 = arith.constant 0 : i32
    %c0_i32_0 = arith.constant 0 : i32
    return %arg0, %c0_i32 : i32, i32
  }
  func.func @transform_2(%arg0: i32) -> (i32, i32) {
    %c0_i32 = arith.constant 0 : i32
    %c0_i32_0 = arith.constant 0 : i32
    return %arg0, %c0_i32 : i32, i32
  }
  func.func @transform_3(%arg0: i32) -> (i32, i32) {
    %c0_i32 = arith.constant 0 : i32
    %c0_i32_0 = arith.constant 0 : i32
    return %arg0, %c0_i32 : i32, i32
  }
  func.func @transform_4(%arg0: i32) -> (i32, i32) {
    %c0_i32 = arith.constant 0 : i32
    %c0_i32_0 = arith.constant 0 : i32
    return %arg0, %c0_i32 : i32, i32
  }
  func.func @transform_5(%arg0: i32) -> (i32, i32) {
    %c0_i32 = arith.constant 0 : i32
    %c0_i32_0 = arith.constant 0 : i32
    %c0_i32_1 = arith.constant 0 : i32
    return %c0_i32, %c0_i32_0 : i32, i32
  }
  func.func @transform_6(%arg0: i32) -> (i32, i32) {
    %c0_i32 = arith.constant 0 : i32
    %c0_i32_0 = arith.constant 0 : i32
    %c0_i32_1 = arith.constant 0 : i32
    return %c0_i32, %c0_i32_0 : i32, i32
  }
  func.func @transform_7(%arg0: i32) -> (i32, i32) {
    %c0_i32 = arith.constant 0 : i32
    %c0_i32_0 = arith.constant 0 : i32
    return %arg0, %c0_i32 : i32, i32
  }
}

module attributes {stable_mosaic.version = 14 : i64} {
  func.func @_stage_c(%arg0: i32, %arg1: memref<2000x16xf32, #tpu.memory_space<vmem>>, %arg2: memref<2000x16xf32, #tpu.memory_space<vmem>>, %arg3: memref<2000x16xf32, #tpu.memory_space<vmem>>, %arg4: memref<2000x16xf32, #tpu.memory_space<vmem>>, %arg5: memref<2000x16xf32, #tpu.memory_space<vmem>>, %arg6: memref<1x16xf32, #tpu.memory_space<vmem>>, %arg7: memref<2000x11xf32, #tpu.memory_space<vmem>>) attributes {dimension_semantics = [#tpu.dimension_semantics<arbitrary>], iteration_bounds = array<i64: 25>, scalar_prefetch = 0 : i64, scratch_operands = 0 : i64, tpu.core_type = #tpu.core_type<tc>, window_params = [{transform_indices = @transform_0, window_bounds = array<i64: 2000, 16>}, {transform_indices = @transform_1, window_bounds = array<i64: 2000, 16>}, {transform_indices = @transform_2, window_bounds = array<i64: 2000, 16>}, {transform_indices = @transform_3, window_bounds = array<i64: 2000, 16>}, {transform_indices = @transform_4, window_bounds = array<i64: 2000, 16>}, {pipeline_mode = #tpu.pipeline_mode<synchronous>, transform_indices = @transform_5, window_bounds = array<i64: 1, 16>}, {transform_indices = @transform_6, window_bounds = array<i64: 2000, 11>}]} {
    %get3A = arith.constant 0 : index
    %get3A_0 = arith.constant 0 : index
    %get3A_1 = vector.load %arg4[%get3A, %get3A_0] : memref<2000x16xf32, #tpu.memory_space<vmem>>, vector<2000x1xf32>
    %get3A_2 = arith.constant 0 : index
    %get3A_3 = arith.constant 0 : index
    %get3A_4 = vector.load %arg5[%get3A_2, %get3A_3] : memref<2000x16xf32, #tpu.memory_space<vmem>>, vector<2000x1xf32>
    %add3A = arith.addf %get3A_1, %get3A_4 : vector<2000x1xf32>
    %add3A_5 = arith.constant 1.000000e+00 : f32
    %add3A_6 = vector.broadcast %add3A_5 : f32 to vector<2000x1xf32>
    %add3A_7 = arith.addf %add3A, %add3A_6 : vector<2000x1xf32>
    %rsqrt3A = math.rsqrt %add3A_7 : vector<2000x1xf32>
    %get3A_8 = arith.constant 0 : index
    %get3A_9 = arith.constant 0 : index
    %get3A_10 = vector.load %arg1[%get3A_8, %get3A_9] : memref<2000x16xf32, #tpu.memory_space<vmem>>, vector<2000x16xf32>
    %get3A_11 = arith.constant 0 : index
    %get3A_12 = arith.constant 0 : index
    %get3A_13 = vector.load %arg2[%get3A_11, %get3A_12] : memref<2000x16xf32, #tpu.memory_space<vmem>>, vector<2000x16xf32>
    %add3A_14 = arith.addf %get3A_10, %get3A_13 : vector<2000x16xf32>
    %get3A_15 = arith.constant 0 : index
    %get3A_16 = arith.constant 0 : index
    %get3A_17 = vector.load %arg3[%get3A_15, %get3A_16] : memref<2000x16xf32, #tpu.memory_space<vmem>>, vector<2000x16xf32>
    %add3A_18 = arith.addf %add3A_14, %get3A_17 : vector<2000x16xf32>
    %mul3A = vector.broadcast %rsqrt3A : vector<2000x1xf32> to vector<2000x16xf32>
    %mul3A_19 = arith.mulf %mul3A, %add3A_18 : vector<2000x16xf32>
    %get3A_20 = arith.constant 0 : index
    %get3A_21 = arith.constant 0 : index
    %get3A_22 = vector.load %arg6[%get3A_20, %get3A_21] : memref<1x16xf32, #tpu.memory_space<vmem>>, vector<1x16xf32>
    %add3A_23 = vector.broadcast %get3A_22 : vector<1x16xf32> to vector<2000x16xf32>
    %add3A_24 = arith.addf %mul3A_19, %add3A_23 : vector<2000x16xf32>
    %max3A = arith.constant 0.000000e+00 : f32
    %max3A_25 = vector.broadcast %max3A : f32 to vector<2000x16xf32>
    %max3A_26 = arith.maximumf %add3A_24, %max3A_25 : vector<2000x16xf32>
    %slice3A = vector.extract_strided_slice %max3A_26 {offsets = [0, 0], sizes = [2000, 11], strides = [1, 1]} : vector<2000x16xf32> to vector<2000x11xf32>
    %swap3A = arith.constant 0 : index
    %swap3A_27 = arith.constant 0 : index
    %swap3A_28 = vector.load %arg7[%swap3A, %swap3A_27] : memref<2000x11xf32, #tpu.memory_space<vmem>>, vector<2000x11xf32>
    tpu.vector_store %arg7[%swap3A, %swap3A_27], %slice3A {strides = array<i32>} : memref<2000x11xf32, #tpu.memory_space<vmem>>, vector<2000x11xf32>,
    return
  }
  func.func @transform_0(%arg0: i32) -> (i32, i32) {
    %c0_i32 = arith.constant 0 : i32
    %c0_i32_0 = arith.constant 0 : i32
    return %arg0, %c0_i32 : i32, i32
  }
  func.func @transform_1(%arg0: i32) -> (i32, i32) {
    %c0_i32 = arith.constant 0 : i32
    %c0_i32_0 = arith.constant 0 : i32
    return %arg0, %c0_i32 : i32, i32
  }
  func.func @transform_2(%arg0: i32) -> (i32, i32) {
    %c0_i32 = arith.constant 0 : i32
    %c0_i32_0 = arith.constant 0 : i32
    return %arg0, %c0_i32 : i32, i32
  }
  func.func @transform_3(%arg0: i32) -> (i32, i32) {
    %c0_i32 = arith.constant 0 : i32
    %c0_i32_0 = arith.constant 0 : i32
    return %arg0, %c0_i32 : i32, i32
  }
  func.func @transform_4(%arg0: i32) -> (i32, i32) {
    %c0_i32 = arith.constant 0 : i32
    %c0_i32_0 = arith.constant 0 : i32
    return %arg0, %c0_i32 : i32, i32
  }
  func.func @transform_5(%arg0: i32) -> (i32, i32) {
    %c0_i32 = arith.constant 0 : i32
    %c0_i32_0 = arith.constant 0 : i32
    %c0_i32_1 = arith.constant 0 : i32
    return %c0_i32, %c0_i32_0 : i32, i32
  }
  func.func @transform_6(%arg0: i32) -> (i32, i32) {
    %c0_i32 = arith.constant 0 : i32
    %c0_i32_0 = arith.constant 0 : i32
    return %arg0, %c0_i32 : i32, i32
  }
}

</mosaic_0001>

<sc_bundles>
// kernel: kernel.12.cloned.1.call-start
scs
__scs_entry_jumppad:
0x0: {  	(pc) =	sbr.rel $0x88, $3  }
0x1: {  	(tag) =	ssettag $0x0;
	lr =	simm.s32 $0x1  }
0x2: {  	[smem:$0x3F97] =	sst lr;
	_ =	strace $0xD0000000  }
0x3: {  	_ = 	snop  }
0x4: {  	_ = 	snop  }
0x5: {  	_ = 	snop  }
0x6: {  	_ = 	snop  }
0x7: {  	_ = 	snop  }
__scs_overlays_trampoline_lowered:
0x8: {  	[smem:$0x3FA6] =	sst s0  }
0x9: {  	[smem:$0x3FA7] =	sst s1  }
0xa: {  	[smem:$0x3FA8] =	sst s2  }
0xb: {  	[smem:$0x3FA9] =	sst s3  }
0xc: {  	[smem:$0x3FAA] =	sst s4  }
0xd: {  	[smem:$0x3FAB] =	sst s5  }
0xe: {  	[smem:$0x3FAC] =	sst s6  }
0xf: {  	[smem:$0x3FAD] =	sst s7  }
0x10: {  	[smem:$0x3FAE] =	sst s8  }
0x11: {  	[smem:$0x3FAF] =	sst s9;
	s0 =	simm.s32 @!p0 $0x0  }
0x12: {  	s1 =	sld [smem:$0x3F95];
	s0 =	simm.s32 @p0 $0x1  }
0x13: {  	[smem:$0x3FB0] =	sst s0;
	s0 =	simm.s32 @!p1 $0x0  }
0x14: {  	s2 =	sld [smem:$0x3F94];
	s0 =	simm.s32 @p1 $0x1  }
0x15: {  	[smem:$0x3FB1] =	sst s0;
	s0 =	simm.s32 @!p2 $0x0  }
0x16: {  	s3 =	sld [smem:$0x3FDB];
	s0 =	simm.s32 @p2 $0x1  }
0x17: {  	s4 =	simm.s32 $0x1BF5;
	[smem:$0x3FB3] =	sst s0  }
0x18: {  	s0 =	sld [smem:$0x3F96];
	_ =	swait.ge [sflag:s4], $0x0  }
0x19: {  	s7 =	sld [smem:$0x3F97]  }
0x1a: {  	s8 =	sadd.s32 $0xFFFFE003, lr  }
0x1b: {  	s9 =	sadd.s32 $0xFFFFFEF7, lr;
	s5 =	simm.s32 $0xFFFFFFFF;
	p2 =	slt.u32 s8, $0xFFFFF086  }
0x1c: {  	p1 =	slt.u32 s9, $0xF7A;
	s5 =	simm.s32 @!p2 $0x0  }
0x1d: {  	s5 =	simm.s32 @p1 $0x1;
	p0 =	seq.s32 s7, s2  }
0x1e: {  	s7 =	smul.u32 @!p0 $0xF7A, s2;
	p2 =	seq.s32 @!p0 s5, $0x0  }
0x1f: {  	s9 =	smul.u32 $0xF7A, s1;
	s8 =	simm.s32 @!p0 $0x1BF5;
	p2 =	por !p2, p0  }
0x20: {  	[sflag:s8] =	ssyncset.s32 @!p0 $0xFFFFF086;
	s6 =	sadd.s32 @!p0 s3, s7;
	s7 =	simm.s32 @!p0 $0x108  }
0x21: {  	s3 =	sadd.s32 s3, s9;
	s6 =	sadd.s32 @!p0 $0x88, s6;
	s7 =	simm.s32 @p2 $0x1082  }
0x22: {  	[simem:s7], [sflag:s8] =	dma.local @!p0 [hbm:s6], $0xF7A  }
0x23: {  	s9 =	sor.u32 $0xD0000000, s2;
	s6 =	simm.s32 $0x108;
	_ =	swait.ge @!p0 [sflag:s8], $0x0  }
0x24: {  	s3 =	sadd.s32 $0x88, s3;
	s6 =	simm.s32 @!p1 $0x1082;
	[sflag:s4] =	ssyncset.s32 $0xFFFFF086  }
0x25: {  	[simem:s6], [sflag:s4] =	dma.local [hbm:s3], $0xF7A  }
0x26: {  	[smem:$0x3F97] =	sst s1;
	(tag) =	ssettag s2;
	_ =	strace s9  }
0x27: {  	s1 =	sld [smem:$0x3FA7]  }
0x28: {  	s2 =	sld [smem:$0x3FA8]  }
0x29: {  	s4 =	sld [smem:$0x3FAA]  }
0x2a: {  	p0 =	seq.s32 s5, $0x0;
	s5 =	sld [smem:$0x3FAB]  }
0x2b: {  	s6 =	sld [smem:$0x3FAC]  }
0x2c: {  	s7 =	sld [smem:$0x3FAD]  }
0x2d: {  	s3 =	simm.s32 $0x108;
	s8 =	sld [smem:$0x3FAE]  }
0x2e: {  	s3 =	simm.s32 @!p0 $0x1082;
	s9 =	sld [smem:$0x3FAF]  }
0x2f: {  	lr =	sadd.s32 s0, s3;
	s0 =	sld [smem:$0x3FA6]  }
0x30: {  	s3 =	sld [smem:$0x3FA9]  }
0x31: {  	[smem:$0x3FB2] =	sst s10  }
0x32: {  	s10 =	sld [smem:$0x3FB0];
	_ =	sdelay $0x3  }
0x33: {  	p0 =	seq.s32 s10, $0x1;
	s10 =	sld [smem:$0x3FB2];
	_ =	sdelay $0x3  }
0x34: {  	[smem:$0x3FB2] =	sst s10  }
0x35: {  	s10 =	sld [smem:$0x3FB1];
	_ =	sdelay $0x3  }
0x36: {  	p1 =	seq.s32 s10, $0x1;
	s10 =	sld [smem:$0x3FB2];
	_ =	sdelay $0x3  }
0x37: {  	[smem:$0x3FB2] =	sst s10  }
0x38: {  	s10 =	sld [smem:$0x3FB3]  }
0x39: {  	_ = 	snop;
	(pc) =	sbr.ind lr, $3  }
0x3a: {  	_ = 	snop  }
0x3b: {  	_ = 	snop  }
0x3c: {  	p2 =	seq.s32 s10, $0x1;
	s10 =	sld [smem:$0x3FB2]  }
0x3d: {  	_ =	shalt  }
0x3e: {  	_ =	shalt  }
0x3f: {  	_ =	shalt  }
0x40: {  	_ =	shalt  }
0x41: {  	_ =	shalt  }
0x42: {  	_ =	shalt  }
0x43: {  	_ =	shalt  }
0x44: {  	_ =	shalt  }
0x45: {  	_ =	shalt  }
0x46: {  	_ =	shalt  }
0x47: {  	_ =	shalt  }
0x48: {  	_ =	shalt  }
0x49: {  	_ =	shalt  }
0x4a: {  	_ =	shalt  }
0x4b: {  	_ =	shalt  }
0x4c: {  	_ =	shalt  }
0x4d: {  	_ =	shalt  }
0x4e: {  	_ =	shalt  }
0x4f: {  	_ =	shalt  }
0x50: {  	_ =	shalt  }
0x51: {  	_ =	shalt  }
0x52: {  	_ =	shalt  }
0x53: {  	_ =	shalt  }
0x54: {  	_ =	shalt  }
0x55: {  	_ =	shalt  }
0x56: {  	_ =	shalt  }
0x57: {  	_ =	shalt  }
0x58: {  	_ =	shalt  }
0x59: {  	_ =	shalt  }
0x5a: {  	_ =	shalt  }
0x5b: {  	_ =	shalt  }
0x5c: {  	_ =	shalt  }
0x5d: {  	_ =	shalt  }
0x5e: {  	_ =	shalt  }
0x5f: {  	_ =	shalt  }
0x60: {  	_ =	shalt  }
0x61: {  	_ =	shalt  }
0x62: {  	_ =	shalt  }
0x63: {  	_ =	shalt  }
0x64: {  	_ =	shalt  }
0x65: {  	_ =	shalt  }
0x66: {  	_ =	shalt  }
0x67: {  	_ =	shalt  }
0x68: {  	_ =	shalt  }
0x69: {  	_ =	shalt  }
0x6a: {  	_ =	shalt  }
0x6b: {  	_ =	shalt  }
0x6c: {  	_ =	shalt  }
0x6d: {  	_ =	shalt  }
0x6e: {  	_ =	shalt  }
0x6f: {  	_ =	shalt  }
0x70: {  	_ =	shalt  }
0x71: {  	_ =	shalt  }
0x72: {  	_ =	shalt  }
0x73: {  	_ =	shalt  }
0x74: {  	_ =	shalt  }
0x75: {  	_ =	shalt  }
0x76: {  	_ =	shalt  }
0x77: {  	_ =	shalt  }
0x78: {  	_ =	shalt  }
0x79: {  	_ =	shalt  }
0x7a: {  	_ =	shalt  }
0x7b: {  	_ =	shalt  }
0x7c: {  	_ =	shalt  }
0x7d: {  	_ =	shalt  }
0x7e: {  	_ =	shalt  }
0x7f: {  	_ =	shalt  }
0x80: {  	_ =	shalt  }
0x81: {  	_ =	shalt  }
0x82: {  	_ =	shalt  }
0x83: {  	_ =	shalt  }
0x84: {  	_ =	shalt  }
0x85: {  	_ =	shalt  }
0x86: {  	_ =	shalt  }
0x87: {  	_ =	shalt  }
.Lfunc_end0:
.L_simem_size_0:
called_computation_lowered:
.L_overlay_start_0:
0x88: {  	s2 =	sld [smem:$0x3FD9]  }
0x89: {  	s3 =	sld [smem:$0x3FFE];
	_ =	sdelay $0x1  }
0x8a: {  	s1 =	srdreg.scid  }
0x8b: {  	s0 =	sand.u32 $0x1, s1  }
0x8c: {  	s17 =	sshll.u32 s0, $0xA;
	s2 =	sadd.s32 s3, s2  }
0x8d: {  	s2 =	sadd.s32 s2, s17  }
0x8e: {  	[smem:$0x3FBE] =	sst s2  }
0x8f: {  	_ = 	snop  }
0x90: {  	s2 =	sld [smem:$0x3FD0];
	(tm) =	ssettm $0x1  }
0x91: {  	s18 =	sld [smem:$0x3FFB];
	_ =	sdelay $0x3  }
0x92: {  	_ =	strace s18  }
0x93: {  	s3 =	sld [smem:$0x3FFC];
	_ =	sdelay $0x3  }
0x94: {  	_ =	strace s3  }
0x95: {  	s3 =	sld [smem:$0x3FFD];
	_ =	sdelay $0x3  }
0x96: {  	_ =	strace s3  }
0x97: {  	_ =	strace $0x8FFFFFFF  }
0x98: {  	s19 =	sld [smem:$0x3FDB];
	_ =	sdelay $0x1  }
0x99: {  	s4 =	simm.s32 $_scs_section_size  }
0x9a: {  	s5 =	simm.s32 $_size__tile_overlayer_lowered;
	s6 =	simm.s32 $_tile_overlayer_lowered  }
0x9b: {  	s22 =	simm.s32 $0x1BFF;
	s21 =	sshll.u32 s6, $0x1;
	s3 =	sadd.s32 s4, s19  }
0x9c: {  	s7 =	simm.s32 $0x0;
	s20 =	sshll.u32 s5, $0x1;
	s5 =	sadd.s32 s21, s3  }
0x9d: {  	[timem:s7], [sflag:s22] =	dma.local [hbm:s5], s20  }
0x9e: {  	_ =	swait.ge [sflag:s22], s20  }
0x9f: {  	s4 =	ssub.s32 $0x0, s20;
	[sflag:s22] =	ssyncset.done $0x0  }
0xa0: {  	[sflag:s22] =	ssyncadd.s32 s4;
	_ =	sdelay $0x1  }
0xa1: {  	s23 =	simm.s32 $0x1B8B  }
0xa2: {  	_ =	swait.ge [sflag:s23], $0x1  }
0xa3: {  	[sflag:s23] =	ssyncset.done $0x0  }
0xa4: {  	s25 =	simm.s32 $0x1B8E;
	s24 =	sld [smem:$0x3FFE];
	[sflag:s23] =	ssyncadd.s32 $0xFFFFFFFF  }
0xa5: {  	s26 =	simm.s32 $execute0_lowered;
	[smem:$0x3FD2] =	sst s25  }
0xa6: {  	s5 =	sshll.u32 s26, $0x1;
	_ =	strace $0x80000046;
	[dreg:$0x1] =	wrdreg $0xFFFFFFFF  }
0xa7: {  	s28 =	simm.s32 $_size_execute0_lowered;
	s3 =	sadd.s32 s3, s5;
	[dreg:$0x0] =	wrdreg $0x0  }
0xa8: {  	s5 =	sshll.u32 s28, $0x1;
	[dreg:$0x2] =	wrdreg s3  }
0xa9: {  	[dreg:$0x3] =	wrdreg s5  }
0xaa: {  	[dreg:$0x4] =	wrdreg $0xC0  }
0xab: {  	_ =	task [dreg:s7], $0x5FFFF  }
0xac: {  	[dreg:$0x1] =	wrdreg $0xFFFFFFFF  }
0xad: {  	[dreg:$0x0] =	wrdreg $0x60  }
0xae: {  	[dreg:$0x2] =	wrdreg s24  }
0xaf: {  	[dreg:$0x3] =	wrdreg s2  }
0xb0: {  	[dreg:$0x4] =	wrdreg $0x0  }
0xb1: {  	[dreg:$0x5] =	wrdreg $0x9  }
0xb2: {  	_ =	task.clear_ibuf [dreg:s7], $0x6FFFF;
	_ =	strace $0x90000046  }
0xb3: {  	s29 =	simm.s32 $0x9;
	_ =	strace $0x80000048  }
0xb4: {  	_ =	swait.ge [sflag:s29], $0x1  }
0xb5: {  	[sflag:s29] =	ssyncadd.s32 $0xFFFFFFFF  }
0xb6: {  	_ =	strace $0x90000048  }
0xb7: {  	_ =	sfence  }
0xb8: {  	s30 =	sld [smem:$0x0];
	_ =	sdelay $0x2  }
0xb9: {  	s31 =	sshll.u32 s1, $0xD;
	s1 =	sshrl.u32 s1, $0x2  }
0xba: {  	s3 =	sand.u32 $0x4000, s31;
	s1 =	sadd.s32 s1, s30  }
0xbb: {  	s0 =	sor.u32 s3, s0;
	s1 =	sshll.u32 s1, $0x11  }
0xbc: {  	s0 =	sor.u32 s1, s0  }
0xbd: {  	s0 =	sadd.s32 $0x8F2B, s0  }
0xbe: {  	[sflag:s0] =	ssyncadd.remote.s32 $0x1  }
0xbf: {  	_ =	sfence.sel $0xFFFF  }
0xc0: {  	[dreg:$0x0] =	wrdreg $0xFFFFFFFF;
	(pc) =	sbr.abs _section_cstart, $3  }
0xc1: {  	[dreg:$0x1] =	wrdreg $0xFFFFFFFF  }
0xc2: {  	_ =	task.clear_ibuf [dreg:s7], $0x2FFFF;
	_ =	strace $0x9FFFFFFF  }
0xc3: {  	(tm) =	ssettm $0x7FFFFFFF  }
tec
execute0_lowered:
.L_overlay_start_1:
0x0: {  	(tag) =	ssettag $0x1  }
0x1: {  	s5 =	rddreg [dreg:$0x0]  }
0x2: {  	s2 =	rddreg [dreg:$0x1]  }
0x3: {  	s0 =	srdreg.scid;
	s3 =	rddreg [dreg:$0x2]  }
0x4: {  	s1 =	rddreg [dreg:$0x3];
	s4 =	simm.s32 $0x0;
	s13 =	simm.s32 $0xC800  }
0x5: {  	s14 =	simm.s32 $0x400;
	s15 =	simm.s32 $0xCC00;
	s6 =	sand.u32 $0x1, s0  }
0x6: {  	s16 =	simm.s32 $0x1;
	s0 =	stileid.u32;
	s7 =	smul.u32 $0x188000, s6  }
0x7: {  	s17 =	simm.s32 $0x2;
	[smem:$0x7FF] =	sst s4;
	s8 =	smul.u32 $0x18800, s0  }
0x8: {  	s18 =	simm.s32 $0x0;
	s26 =	smul.u32 $0xC800, s0;
	_ =	strace $0x80000047  }
0x9: {  	s9 =	ssub.s32 $0x2, s6;
	s31 =	sshll.u32 s0, $0x6;
	p0 =	seq.s32 s6, $0x1  }
0xa: {  	s11 =	sshrl.u32 s9, $0x1;
	s6 =	sor.u32 $0x1C03, s31;
	s7 =	sadd.s32 s8, s7  }
0xb: {  	s28 =	sshrl.u32 s26, $0x3;
	s29 =	ssub.s32 s9, s11;
	s30 =	sadd.s32 s26, s3  }
0xc: {  	s9 =	simm.s32 $0xE1400;
	s11 =	simm.s32 $0x3;
	s7 =	sshrl.u32 s7, $0x3  }
0xd: {  	s12 =	sadd.s32 s28, s5;
	s9 =	simm.s32 @!p0 $0xFA400;
	s10 =	sadd.s32 s7, s5  }
0xe: {  	s5 =	sadd.s32 $0xC8400, s12;
	s7 =	smax.u32 s29, $0x1;
	s8 =	sadd.s32 s9, s12  }
0xf: {  	s12 =	simm.s32 $0xD000;
	s9 =	sadd.s32 $0x66400, s10;
	s10 =	sshrl.u32 s30, $0x3  }
.LBB2_1:
0x10: {  	[spmem:s10], [sflag:s6] =	dma.local [hbm:s5], $0x1900  }
0x11: {  	_ =	swait.ge [sflag:s11], $0x1900  }
0x12: {  	[sflag:s11] =	ssyncset.done $0x0  }
0x13: {  	[sflag:s11] =	ssyncadd.s32 $0xFFFFE700  }
0x14: {  	[tilespmem:s12], [sflag:$0x3] =	stream.linear.gather [hbm4b:s2+s4], $0x4000, $0x38;
	[tilespmem:$0x11000] =	vst v63  }
0x15: {  	_ =	swait.ge [sflag:s11], $0x4000  }
0x16: {  	[sflag:s11] =	ssyncset.done $0x0  }
0x17: {  	[sflag:s11] =	ssyncadd.s32 $0xFFFFC000  }
0x18: {  	s19 =	sadd.s32 $0x0, s9;
	[bflag:$0x0] =	sbarrier.arrive $0xFFFF  }
0x19: {  	[tilespmem:s13], [sflag:$0x3] =	stream.linear.gather [hbm4b:s19+s4], $0x400, $0x38;
	[tilespmem:$0x11000] =	vst v63  }
0x1a: {  	_ =	swait.ge [sflag:s11], $0x400  }
0x1b: {  	[sflag:s11] =	ssyncset.done $0x0  }
0x1c: {  	[sflag:s11] =	ssyncadd.s32 $0xFFFFFC00  }
0x1d: {  	[spmem:s3] =	stream.indirect.scatter.add.f32 [tilespmem:s12], [sflag:$0x1], $0x10, s13, s14, $0xb8;
	[tilespmem:$0x11000] =	vst v63  }
0x1e: {  	s19 =	sadd.s32 $0x80, s19  }
0x1f: {  	[tilespmem:s15], [sflag:$0x3] =	stream.linear.gather [hbm4b:s19+s4], $0x400, $0x38;
	[tilespmem:$0x11000] =	vst v63  }
0x20: {  	_ =	swait.ge [sflag:s11], $0x400  }
0x21: {  	[sflag:s11] =	ssyncset.done $0x0  }
0x22: {  	[sflag:s11] =	ssyncadd.s32 $0xFFFFFC00  }
0x23: {  	[spmem:s3] =	stream.indirect.scatter.add.f32 [tilespmem:s12], [sflag:$0x2], $0x10, s15, s14, $0xb8;
	[tilespmem:$0x11000] =	vst v63  }
0x24: {  	_ =	swait.ge [sflag:s16], $0x4000  }
0x25: {  	[sflag:s16] =	ssyncset.done $0x0  }
0x26: {  	[sflag:s16] =	ssyncadd.s32 $0xFFFFC000  }
0x27: {  	_ =	swait.ge [sflag:s17], $0x4000  }
0x28: {  	s20 =	simm.s32 $0x200;
	s19 =	simm.s32 $0x100;
	[sflag:s17] =	ssyncset.done $0x0  }
.LBB2_2:
0x29: {  	s21 =	sadd.s32 s19, s9  }
0x2a: {  	[sflag:s17] =	ssyncadd.s32 $0xFFFFC000;
	s19 =	smov.u32 s20;
	s22 =	sadd.s32 $0x100, s20  }
0x2b: {  	[tilespmem:s13], [sflag:$0x3] =	stream.linear.gather [hbm4b:s21+s4], $0x400, $0x38;
	[tilespmem:$0x11000] =	vst v63  }
0x2c: {  	p0 =	sne.s32 s20, $0x3000;
	_ =	swait.ge [sflag:s11], $0x400  }
0x2d: {  	[sflag:s11] =	ssyncset.done $0x0  }
0x2e: {  	[sflag:s11] =	ssyncadd.s32 $0xFFFFFC00  }
0x2f: {  	[spmem:s3] =	stream.indirect.scatter.add.f32 [tilespmem:s12], [sflag:$0x1], $0x10, s13, s14, $0xb8;
	[tilespmem:$0x11000] =	vst v63  }
0x30: {  	s20 =	sadd.s32 $0x80, s21  }
0x31: {  	[tilespmem:s15], [sflag:$0x3] =	stream.linear.gather [hbm4b:s20+s4], $0x400, $0x38;
	[tilespmem:$0x11000] =	vst v63  }
0x32: {  	_ =	swait.ge [sflag:s11], $0x400  }
0x33: {  	[sflag:s11] =	ssyncset.done $0x0  }
0x34: {  	[sflag:s11] =	ssyncadd.s32 $0xFFFFFC00  }
0x35: {  	[spmem:s3] =	stream.indirect.scatter.add.f32 [tilespmem:s12], [sflag:$0x2], $0x10, s15, s14, $0xb8;
	[tilespmem:$0x11000] =	vst v63  }
.Ltmp0:
0x36: {  	_ =	swait.ge [sflag:s16], $0x4000;
	(pc) =	sbr.rel @p0 .LBB2_2-.Ltmp0, $4  }
0x37: {  	[sflag:s16] =	ssyncset.done $0x0  }
0x38: {  	[sflag:s16] =	ssyncadd.s32 $0xFFFFC000  }
0x39: {  	_ =	swait.ge [sflag:s17], $0x4000  }
0x3a: {  	s20 =	smov.u32 s22;
	[sflag:s17] =	ssyncset.done $0x0  }
0x3b: {  	s19 =	sadd.s32 s19, s9;
	[sflag:s17] =	ssyncadd.s32 $0xFFFFC000  }
0x3c: {  	[tilespmem:s13], [sflag:$0x3] =	stream.linear.gather [hbm4b:s19+s4], $0x400, $0x38;
	[tilespmem:$0x11000] =	vst v63  }
0x3d: {  	_ =	swait.ge [sflag:s11], $0x400  }
0x3e: {  	[sflag:s11] =	ssyncset.done $0x0  }
0x3f: {  	[sflag:s11] =	ssyncadd.s32 $0xFFFFFC00  }
0x40: {  	[spmem:s3] =	stream.indirect.scatter.add.f32 [tilespmem:s12], [sflag:$0x1], $0x10, s13, s14, $0xb8;
	[tilespmem:$0x11000] =	vst v63  }
0x41: {  	s19 =	sadd.s32 $0x80, s19  }
0x42: {  	[tilespmem:s15], [sflag:$0x3] =	stream.linear.gather [hbm4b:s19+s4], $0x400, $0x38;
	[tilespmem:$0x11000] =	vst v63  }
0x43: {  	_ =	swait.ge [sflag:s11], $0x400  }
0x44: {  	[sflag:s11] =	ssyncset.done $0x0  }
0x45: {  	[sflag:s11] =	ssyncadd.s32 $0xFFFFFC00  }
0x46: {  	[spmem:s3] =	stream.indirect.scatter.add.f32 [tilespmem:s12], [sflag:$0x2], $0x10, s15, s14, $0xb8;
	[tilespmem:$0x11000] =	vst v63  }
0x47: {  	_ =	swait.ge [sflag:s16], $0x4000  }
0x48: {  	[sflag:s16] =	ssyncset.done $0x0  }
0x49: {  	[sflag:s16] =	ssyncadd.s32 $0xFFFFC000  }
0x4a: {  	_ =	swait.ge [sflag:s17], $0x4000  }
0x4b: {  	s18 =	sadd.s32 $0x1, s18;
	[sflag:s17] =	ssyncset.done $0x0  }
0x4c: {  	p0 =	sne.s32 s18, s7;
	[sflag:s17] =	ssyncadd.s32 $0xFFFFC000  }
.Ltmp1:
0x4d: {  	[bflag:$0x0] =	sbarrier.arrive $0xFFFF;
	(pc) =	sbr.rel @p0 .LBB2_1-.Ltmp1, $4  }
0x4e: {  	[hbm:s8], [sflag:s6] =	dma.local [spmem:s10], $0x1900  }
0x4f: {  	_ =	swait.ge [sflag:s11], $0x1900  }
0x50: {  	[sflag:s11] =	ssyncset.done $0x0  }
0x51: {  	[sflag:s11] =	ssyncadd.s32 $0xFFFFE700  }
0x52: {  	_ =	sfence.sel $0x180000  }
0x53: {  	[bflag:$0x0] =	sbarrier.arrive $0xFFFF  }
0x54: {  	p0 =	sne.s32 s0, $0x0;
	_ =	strace $0x90000047  }
0x55: {  	s0 =	sadd.s32 @!p0 $0x100000, s1;
	[bflag:$0x2] =	sbarrier.arrive $0xFFFF  }
0x56: {  	[sflag:s0] =	ssyncadd.tile.s32 @!p0 $0x1;
	_ =	shalt  }
.Lfunc_end2:
_tile_overlayer_lowered:
.L_overlay_start_2:
0x57: {  	(tag) =	ssettag $0x2  }
0x58: {  	s0 =	rddreg [dreg:$0x0];
	s2 =	stileid.u32  }
0x59: {  	s1 =	rddreg [dreg:$0x1];
	p0 =	sne.s32 s2, $0x0  }
0x5a: {  	s3 =	rddreg [dreg:$0x2];
	[bflag:$0x3] =	sbarrier.arrive $0xFFFF;
	s2 =	simm.s32 @!p0 $0x1C03  }
0x5b: {  	[timem:s3], [sflag:s2] =	dma.local @!p0 [hbm:s0], s1  }
0x5c: {  	s0 =	simm.s32 @!p0 $0x3  }
0x5d: {  	_ =	swait.ge @!p0 [sflag:s0], s1  }
0x5e: {  	s1 =	ssub.s32 @!p0 $0x0, s1;
	[sflag:s0] =	ssyncset.done @!p0 $0x0  }
0x5f: {  	[sflag:s0] =	ssyncadd.s32 @!p0 s1  }
0x60: {  	[bflag:$0x3] =	sbarrier.arrive $0xFFFF  }
0x61: {  	_ =	shalt  }

// kernel: kernel.15.cloned.1.call-start
scs
__scs_entry_jumppad:
0x0: {  	(pc) =	sbr.rel $0x88, $3  }
0x1: {  	(tag) =	ssettag $0x0;
	lr =	simm.s32 $0x1  }
0x2: {  	[smem:$0x3F97] =	sst lr;
	_ =	strace $0xD0000000  }
0x3: {  	_ = 	snop  }
0x4: {  	_ = 	snop  }
0x5: {  	_ = 	snop  }
0x6: {  	_ = 	snop  }
0x7: {  	_ = 	snop  }
__scs_overlays_trampoline_lowered:
0x8: {  	[smem:$0x3FA6] =	sst s0  }
0x9: {  	[smem:$0x3FA7] =	sst s1  }
0xa: {  	[smem:$0x3FA8] =	sst s2  }
0xb: {  	[smem:$0x3FA9] =	sst s3  }
0xc: {  	[smem:$0x3FAA] =	sst s4  }
0xd: {  	[smem:$0x3FAB] =	sst s5  }
0xe: {  	[smem:$0x3FAC] =	sst s6  }
0xf: {  	[smem:$0x3FAD] =	sst s7  }
0x10: {  	[smem:$0x3FAE] =	sst s8  }
0x11: {  	[smem:$0x3FAF] =	sst s9;
	s0 =	simm.s32 @!p0 $0x0  }
0x12: {  	s1 =	sld [smem:$0x3F95];
	s0 =	simm.s32 @p0 $0x1  }
0x13: {  	[smem:$0x3FB0] =	sst s0;
	s0 =	simm.s32 @!p1 $0x0  }
0x14: {  	s2 =	sld [smem:$0x3F94];
	s0 =	simm.s32 @p1 $0x1  }
0x15: {  	[smem:$0x3FB1] =	sst s0;
	s0 =	simm.s32 @!p2 $0x0  }
0x16: {  	s3 =	sld [smem:$0x3FDB];
	s0 =	simm.s32 @p2 $0x1  }
0x17: {  	s4 =	simm.s32 $0x1BF5;
	[smem:$0x3FB3] =	sst s0  }
0x18: {  	s0 =	sld [smem:$0x3F96];
	_ =	swait.ge [sflag:s4], $0x0  }
0x19: {  	s7 =	sld [smem:$0x3F97]  }
0x1a: {  	s8 =	sadd.s32 $0xFFFFE003, lr  }
0x1b: {  	s9 =	sadd.s32 $0xFFFFFEF7, lr;
	s5 =	simm.s32 $0xFFFFFFFF;
	p2 =	slt.u32 s8, $0xFFFFF086  }
0x1c: {  	p1 =	slt.u32 s9, $0xF7A;
	s5 =	simm.s32 @!p2 $0x0  }
0x1d: {  	s5 =	simm.s32 @p1 $0x1;
	p0 =	seq.s32 s7, s2  }
0x1e: {  	s7 =	smul.u32 @!p0 $0xF7A, s2;
	p2 =	seq.s32 @!p0 s5, $0x0  }
0x1f: {  	s9 =	smul.u32 $0xF7A, s1;
	s8 =	simm.s32 @!p0 $0x1BF5;
	p2 =	por !p2, p0  }
0x20: {  	[sflag:s8] =	ssyncset.s32 @!p0 $0xFFFFF086;
	s6 =	sadd.s32 @!p0 s3, s7;
	s7 =	simm.s32 @!p0 $0x108  }
0x21: {  	s3 =	sadd.s32 s3, s9;
	s6 =	sadd.s32 @!p0 $0x88, s6;
	s7 =	simm.s32 @p2 $0x1082  }
0x22: {  	[simem:s7], [sflag:s8] =	dma.local @!p0 [hbm:s6], $0xF7A  }
0x23: {  	s9 =	sor.u32 $0xD0000000, s2;
	s6 =	simm.s32 $0x108;
	_ =	swait.ge @!p0 [sflag:s8], $0x0  }
0x24: {  	s3 =	sadd.s32 $0x88, s3;
	s6 =	simm.s32 @!p1 $0x1082;
	[sflag:s4] =	ssyncset.s32 $0xFFFFF086  }
0x25: {  	[simem:s6], [sflag:s4] =	dma.local [hbm:s3], $0xF7A  }
0x26: {  	[smem:$0x3F97] =	sst s1;
	(tag) =	ssettag s2;
	_ =	strace s9  }
0x27: {  	s1 =	sld [smem:$0x3FA7]  }
0x28: {  	s2 =	sld [smem:$0x3FA8]  }
0x29: {  	s4 =	sld [smem:$0x3FAA]  }
0x2a: {  	p0 =	seq.s32 s5, $0x0;
	s5 =	sld [smem:$0x3FAB]  }
0x2b: {  	s6 =	sld [smem:$0x3FAC]  }
0x2c: {  	s7 =	sld [smem:$0x3FAD]  }
0x2d: {  	s3 =	simm.s32 $0x108;
	s8 =	sld [smem:$0x3FAE]  }
0x2e: {  	s3 =	simm.s32 @!p0 $0x1082;
	s9 =	sld [smem:$0x3FAF]  }
0x2f: {  	lr =	sadd.s32 s0, s3;
	s0 =	sld [smem:$0x3FA6]  }
0x30: {  	s3 =	sld [smem:$0x3FA9]  }
0x31: {  	[smem:$0x3FB2] =	sst s10  }
0x32: {  	s10 =	sld [smem:$0x3FB0];
	_ =	sdelay $0x3  }
0x33: {  	p0 =	seq.s32 s10, $0x1;
	s10 =	sld [smem:$0x3FB2];
	_ =	sdelay $0x3  }
0x34: {  	[smem:$0x3FB2] =	sst s10  }
0x35: {  	s10 =	sld [smem:$0x3FB1];
	_ =	sdelay $0x3  }
0x36: {  	p1 =	seq.s32 s10, $0x1;
	s10 =	sld [smem:$0x3FB2];
	_ =	sdelay $0x3  }
0x37: {  	[smem:$0x3FB2] =	sst s10  }
0x38: {  	s10 =	sld [smem:$0x3FB3]  }
0x39: {  	_ = 	snop;
	(pc) =	sbr.ind lr, $3  }
0x3a: {  	_ = 	snop  }
0x3b: {  	_ = 	snop  }
0x3c: {  	p2 =	seq.s32 s10, $0x1;
	s10 =	sld [smem:$0x3FB2]  }
0x3d: {  	_ =	shalt  }
0x3e: {  	_ =	shalt  }
0x3f: {  	_ =	shalt  }
0x40: {  	_ =	shalt  }
0x41: {  	_ =	shalt  }
0x42: {  	_ =	shalt  }
0x43: {  	_ =	shalt  }
0x44: {  	_ =	shalt  }
0x45: {  	_ =	shalt  }
0x46: {  	_ =	shalt  }
0x47: {  	_ =	shalt  }
0x48: {  	_ =	shalt  }
0x49: {  	_ =	shalt  }
0x4a: {  	_ =	shalt  }
0x4b: {  	_ =	shalt  }
0x4c: {  	_ =	shalt  }
0x4d: {  	_ =	shalt  }
0x4e: {  	_ =	shalt  }
0x4f: {  	_ =	shalt  }
0x50: {  	_ =	shalt  }
0x51: {  	_ =	shalt  }
0x52: {  	_ =	shalt  }
0x53: {  	_ =	shalt  }
0x54: {  	_ =	shalt  }
0x55: {  	_ =	shalt  }
0x56: {  	_ =	shalt  }
0x57: {  	_ =	shalt  }
0x58: {  	_ =	shalt  }
0x59: {  	_ =	shalt  }
0x5a: {  	_ =	shalt  }
0x5b: {  	_ =	shalt  }
0x5c: {  	_ =	shalt  }
0x5d: {  	_ =	shalt  }
0x5e: {  	_ =	shalt  }
0x5f: {  	_ =	shalt  }
0x60: {  	_ =	shalt  }
0x61: {  	_ =	shalt  }
0x62: {  	_ =	shalt  }
0x63: {  	_ =	shalt  }
0x64: {  	_ =	shalt  }
0x65: {  	_ =	shalt  }
0x66: {  	_ =	shalt  }
0x67: {  	_ =	shalt  }
0x68: {  	_ =	shalt  }
0x69: {  	_ =	shalt  }
0x6a: {  	_ =	shalt  }
0x6b: {  	_ =	shalt  }
0x6c: {  	_ =	shalt  }
0x6d: {  	_ =	shalt  }
0x6e: {  	_ =	shalt  }
0x6f: {  	_ =	shalt  }
0x70: {  	_ =	shalt  }
0x71: {  	_ =	shalt  }
0x72: {  	_ =	shalt  }
0x73: {  	_ =	shalt  }
0x74: {  	_ =	shalt  }
0x75: {  	_ =	shalt  }
0x76: {  	_ =	shalt  }
0x77: {  	_ =	shalt  }
0x78: {  	_ =	shalt  }
0x79: {  	_ =	shalt  }
0x7a: {  	_ =	shalt  }
0x7b: {  	_ =	shalt  }
0x7c: {  	_ =	shalt  }
0x7d: {  	_ =	shalt  }
0x7e: {  	_ =	shalt  }
0x7f: {  	_ =	shalt  }
0x80: {  	_ =	shalt  }
0x81: {  	_ =	shalt  }
0x82: {  	_ =	shalt  }
0x83: {  	_ =	shalt  }
0x84: {  	_ =	shalt  }
0x85: {  	_ =	shalt  }
0x86: {  	_ =	shalt  }
0x87: {  	_ =	shalt  }
.Lfunc_end0:
.L_simem_size_0:
called_computation.1_lowered:
.L_overlay_start_0:
0x88: {  	s2 =	sld [smem:$0x3FD9]  }
0x89: {  	s3 =	sld [smem:$0x3FFE];
	_ =	sdelay $0x1  }
0x8a: {  	s1 =	srdreg.scid  }
0x8b: {  	s0 =	sand.u32 $0x1, s1  }
0x8c: {  	s16 =	sshll.u32 s0, $0xA;
	s2 =	sadd.s32 s3, s2  }
0x8d: {  	s2 =	sadd.s32 s2, s16  }
0x8e: {  	[smem:$0x3FBE] =	sst s2  }
0x8f: {  	_ = 	snop  }
0x90: {  	(tm) =	ssettm $0x1  }
0x91: {  	s17 =	sld [smem:$0x3FFB];
	_ =	sdelay $0x3  }
0x92: {  	_ =	strace s17  }
0x93: {  	s2 =	sld [smem:$0x3FFC];
	_ =	sdelay $0x3  }
0x94: {  	_ =	strace s2  }
0x95: {  	s2 =	sld [smem:$0x3FFD];
	_ =	sdelay $0x3  }
0x96: {  	_ =	strace s2  }
0x97: {  	_ =	strace $0x8FFFFFFF  }
0x98: {  	s18 =	sld [smem:$0x3FDB];
	_ =	sdelay $0x1  }
0x99: {  	s19 =	simm.s32 $_scs_section_size  }
0x9a: {  	s4 =	simm.s32 $_size__tile_overlayer_lowered;
	s5 =	simm.s32 $_tile_overlayer_lowered  }
0x9b: {  	s22 =	simm.s32 $0x1BFF;
	s21 =	sshll.u32 s5, $0x1;
	s2 =	sadd.s32 s19, s18  }
0x9c: {  	s6 =	simm.s32 $0x0;
	s20 =	sshll.u32 s4, $0x1;
	s4 =	sadd.s32 s21, s2  }
0x9d: {  	[timem:s6], [sflag:s22] =	dma.local [hbm:s4], s20  }
0x9e: {  	_ =	swait.ge [sflag:s22], s20  }
0x9f: {  	s3 =	ssub.s32 $0x0, s20;
	[sflag:s22] =	ssyncset.done $0x0  }
0xa0: {  	[sflag:s22] =	ssyncadd.s32 s3;
	_ =	sdelay $0x1  }
0xa1: {  	s23 =	simm.s32 $0x1B8B  }
0xa2: {  	_ =	swait.ge [sflag:s23], $0x1  }
0xa3: {  	[sflag:s23] =	ssyncset.done $0x0  }
0xa4: {  	s25 =	simm.s32 $0x1B8E;
	s24 =	sld [smem:$0x3FFE];
	[sflag:s23] =	ssyncadd.s32 $0xFFFFFFFF  }
0xa5: {  	s26 =	simm.s32 $execute0_lowered;
	[smem:$0x3FD2] =	sst s25  }
0xa6: {  	s4 =	sshll.u32 s26, $0x1;
	_ =	strace $0x80000049;
	[dreg:$0x1] =	wrdreg $0xFFFFFFFF  }
0xa7: {  	s28 =	simm.s32 $_size_execute0_lowered;
	s2 =	sadd.s32 s2, s4;
	[dreg:$0x0] =	wrdreg $0x0  }
0xa8: {  	s4 =	sshll.u32 s28, $0x1;
	[dreg:$0x2] =	wrdreg s2  }
0xa9: {  	[dreg:$0x3] =	wrdreg s4  }
0xaa: {  	[dreg:$0x4] =	wrdreg $0xC0  }
0xab: {  	_ =	task [dreg:s6], $0x5FFFF  }
0xac: {  	[dreg:$0x1] =	wrdreg $0xFFFFFFFF  }
0xad: {  	[dreg:$0x0] =	wrdreg $0x60  }
0xae: {  	[dreg:$0x2] =	wrdreg s24  }
0xaf: {  	[dreg:$0x3] =	wrdreg $0x0  }
0xb0: {  	[dreg:$0x4] =	wrdreg $0x9  }
0xb1: {  	_ =	task.clear_ibuf [dreg:s6], $0x5FFFF;
	_ =	strace $0x90000049  }
0xb2: {  	s29 =	simm.s32 $0x9;
	_ =	strace $0x8000004B  }
0xb3: {  	_ =	swait.ge [sflag:s29], $0x1  }
0xb4: {  	[sflag:s29] =	ssyncadd.s32 $0xFFFFFFFF  }
0xb5: {  	_ =	strace $0x9000004B  }
0xb6: {  	_ =	sfence  }
0xb7: {  	s30 =	sld [smem:$0x0];
	_ =	sdelay $0x2  }
0xb8: {  	s31 =	sshll.u32 s1, $0xD;
	s1 =	sshrl.u32 s1, $0x2  }
0xb9: {  	s3 =	sand.u32 $0x4000, s31;
	s1 =	sadd.s32 s1, s30  }
0xba: {  	s0 =	sor.u32 s3, s0;
	s1 =	sshll.u32 s1, $0x11  }
0xbb: {  	s0 =	sor.u32 s1, s0  }
0xbc: {  	s0 =	sadd.s32 $0x8F2B, s0  }
0xbd: {  	[sflag:s0] =	ssyncadd.remote.s32 $0x1  }
0xbe: {  	_ =	sfence.sel $0xFFFF  }
0xbf: {  	[dreg:$0x0] =	wrdreg $0xFFFFFFFF;
	(pc) =	sbr.abs _section_cstart, $3  }
0xc0: {  	[dreg:$0x1] =	wrdreg $0xFFFFFFFF  }
0xc1: {  	_ =	task.clear_ibuf [dreg:s6], $0x2FFFF;
	_ =	strace $0x9FFFFFFF  }
0xc2: {  	(tm) =	ssettm $0x7FFFFFFF  }
0xc3: {  	_ =	shalt  }
tec
execute0_lowered:
.L_overlay_start_1:
0x0: {  	(tag) =	ssettag $0x1  }
0x1: {  	s5 =	rddreg [dreg:$0x0];
	s0 =	srdreg.scid  }
0x2: {  	s2 =	rddreg [dreg:$0x1];
	s1 =	stileid.u32  }
0x3: {  	s3 =	simm.s32 $0x0;
	s13 =	simm.s32 $0xC800;
	s14 =	simm.s32 $0xD000  }
0x4: {  	s15 =	simm.s32 $0x400;
	s16 =	simm.s32 $0xD800;
	s17 =	simm.s32 $0xCC00  }
0x5: {  	s18 =	simm.s32 $0xD400;
	s19 =	simm.s32 $0x11800;
	s20 =	simm.s32 $0x1  }
0x6: {  	s21 =	simm.s32 $0x2;
	s22 =	simm.s32 $0x3;
	s23 =	simm.s32 $0x4  }
0x7: {  	s6 =	sand.u32 $0x1, s0;
	s0 =	rddreg [dreg:$0x2];
	s7 =	smul.u32 $0x18800, s1  }
0x8: {  	s24 =	simm.s32 $0x0;
	[smem:$0x7FF] =	sst s3;
	s8 =	smul.u32 $0xC800, s1  }
0x9: {  	s31 =	sshll.u32 s1, $0x6;
	s4 =	smul.u32 $0x188000, s6;
	_ =	strace $0x8000004A  }
0xa: {  	s9 =	ssub.s32 $0x2, s6;
	p0 =	seq.s32 s6, $0x1;
	s6 =	sor.u32 $0x1C05, s31  }
0xb: {  	s28 =	sshrl.u32 s8, $0x3;
	s11 =	sshrl.u32 s9, $0x1;
	s30 =	sadd.s32 s8, s2  }
0xc: {  	s7 =	sadd.s32 s7, s4;
	s4 =	sadd.s32 $0x4800, s5;
	s12 =	sadd.s32 s28, s5  }
0xd: {  	s29 =	ssub.s32 s9, s11;
	s9 =	simm.s32 $0x1D800;
	s7 =	sshrl.u32 s7, $0x3  }
0xe: {  	s11 =	sshrl.u32 s30, $0x3;
	s9 =	simm.s32 @!p0 $0x36800;
	s10 =	sadd.s32 s7, s5  }
0xf: {  	s5 =	sadd.s32 $0xC8400, s12;
	s7 =	smax.u32 s29, $0x1;
	s8 =	sadd.s32 s9, s12  }
0x10: {  	s12 =	simm.s32 $0x5;
	s9 =	sadd.s32 $0x23D400, s10;
	s10 =	sadd.s32 $0x66400, s10  }
.LBB2_1:
0x11: {  	[spmem:s11], [sflag:s6] =	dma.local [hbm:s5], $0x1900  }
0x12: {  	_ =	swait.ge [sflag:s12], $0x1900  }
0x13: {  	[sflag:s12] =	ssyncset.done $0x0  }
0x14: {  	[sflag:s12] =	ssyncadd.s32 $0xFFFFE700  }
0x15: {  	s25 =	sadd.s32 $0x0, s9;
	[bflag:$0x0] =	sbarrier.arrive $0xFFFF  }
0x16: {  	[tilespmem:s13], [sflag:$0x5] =	stream.linear.gather [hbm4b:s25+s3], $0x400, $0x38;
	[tilespmem:$0x15800] =	vst v63  }
0x17: {  	_ =	swait.ge [sflag:s12], $0x400  }
0x18: {  	[sflag:s12] =	ssyncset.done $0x0  }
0x19: {  	s26 =	sadd.s32 $0x0, s10;
	[sflag:s12] =	ssyncadd.s32 $0xFFFFFC00  }
0x1a: {  	[tilespmem:s14], [sflag:$0x5] =	stream.linear.gather [hbm4b:s26+s3], $0x400, $0x38;
	[tilespmem:$0x15800] =	vst v63  }
0x1b: {  	_ =	swait.ge [sflag:s12], $0x400  }
0x1c: {  	[sflag:s12] =	ssyncset.done $0x0  }
0x1d: {  	[sflag:s12] =	ssyncadd.s32 $0xFFFFFC00  }
0x1e: {  	[tilespmem:s16], [sflag:$0x1] =	stream.indirect.gather [hbm4b:s4+s15], $0x10, s13, s15, $0xb8;
	[tilespmem:$0x15800] =	vst v63  }
0x1f: {  	s25 =	sadd.s32 $0x80, s25  }
0x20: {  	[tilespmem:s17], [sflag:$0x5] =	stream.linear.gather [hbm4b:s25+s3], $0x400, $0x38;
	[tilespmem:$0x15800] =	vst v63  }
0x21: {  	_ =	swait.ge [sflag:s12], $0x400  }
0x22: {  	[sflag:s12] =	ssyncset.done $0x0  }
0x23: {  	s31 =	sadd.s32 $0x80, s26;
	[sflag:s12] =	ssyncadd.s32 $0xFFFFFC00  }
0x24: {  	[tilespmem:s18], [sflag:$0x5] =	stream.linear.gather [hbm4b:s31+s3], $0x400, $0x38;
	[tilespmem:$0x15800] =	vst v63  }
0x25: {  	_ =	swait.ge [sflag:s12], $0x400  }
0x26: {  	[sflag:s12] =	ssyncset.done $0x0  }
0x27: {  	[sflag:s12] =	ssyncadd.s32 $0xFFFFFC00  }
0x28: {  	[tilespmem:s19], [sflag:$0x2] =	stream.indirect.gather [hbm4b:s4+s15], $0x10, s17, s15, $0xb8;
	[tilespmem:$0x15800] =	vst v63  }
0x29: {  	_ =	swait.ge [sflag:s20], $0x4000  }
0x2a: {  	[sflag:s20] =	ssyncset.done $0x0  }
0x2b: {  	[sflag:s20] =	ssyncadd.s32 $0xFFFFC000  }
0x2c: {  	[spmem:s2] =	stream.indirect.scatter.add.f32 [tilespmem:s16], [sflag:$0x3], $0x10, s14, s15, $0xb8;
	[tilespmem:$0x15800] =	vst v63  }
0x2d: {  	_ =	swait.ge [sflag:s21], $0x4000  }
0x2e: {  	[sflag:s21] =	ssyncset.done $0x0  }
0x2f: {  	[sflag:s21] =	ssyncadd.s32 $0xFFFFC000  }
0x30: {  	[spmem:s2] =	stream.indirect.scatter.add.f32 [tilespmem:s19], [sflag:$0x4], $0x10, s18, s15, $0xb8;
	[tilespmem:$0x15800] =	vst v63  }
0x31: {  	_ =	swait.ge [sflag:s22], $0x4000  }
0x32: {  	[sflag:s22] =	ssyncset.done $0x0  }
0x33: {  	[sflag:s22] =	ssyncadd.s32 $0xFFFFC000  }
0x34: {  	_ =	swait.ge [sflag:s23], $0x4000  }
0x35: {  	s28 =	simm.s32 $0x200;
	s25 =	simm.s32 $0x100;
	[sflag:s23] =	ssyncset.done $0x0  }
.LBB2_2:
0x36: {  	s29 =	sadd.s32 s25, s9  }
0x37: {  	[sflag:s23] =	ssyncadd.s32 $0xFFFFC000;
	s30 =	smov.u32 s28;
	s26 =	sadd.s32 $0x100, s28  }
0x38: {  	[tilespmem:s13], [sflag:$0x5] =	stream.linear.gather [hbm4b:s29+s3], $0x400, $0x38;
	[tilespmem:$0x15800] =	vst v63  }
0x39: {  	p0 =	sne.s32 s28, $0x3000;
	_ =	swait.ge [sflag:s12], $0x400  }
0x3a: {  	[sflag:s12] =	ssyncset.done $0x0  }
0x3b: {  	s28 =	sadd.s32 s25, s10;
	s25 =	smov.u32 s30;
	[sflag:s12] =	ssyncadd.s32 $0xFFFFFC00  }
0x3c: {  	[tilespmem:s14], [sflag:$0x5] =	stream.linear.gather [hbm4b:s28+s3], $0x400, $0x38;
	[tilespmem:$0x15800] =	vst v63  }
0x3d: {  	_ =	swait.ge [sflag:s12], $0x400  }
0x3e: {  	[sflag:s12] =	ssyncset.done $0x0  }
0x3f: {  	[sflag:s12] =	ssyncadd.s32 $0xFFFFFC00  }
0x40: {  	[tilespmem:s16], [sflag:$0x1] =	stream.indirect.gather [hbm4b:s4+s15], $0x10, s13, s15, $0xb8;
	[tilespmem:$0x15800] =	vst v63  }
0x41: {  	s29 =	sadd.s32 $0x80, s29  }
0x42: {  	[tilespmem:s17], [sflag:$0x5] =	stream.linear.gather [hbm4b:s29+s3], $0x400, $0x38;
	[tilespmem:$0x15800] =	vst v63  }
0x43: {  	_ =	swait.ge [sflag:s12], $0x400  }
0x44: {  	[sflag:s12] =	ssyncset.done $0x0  }
0x45: {  	s28 =	sadd.s32 $0x80, s28;
	[sflag:s12] =	ssyncadd.s32 $0xFFFFFC00  }
0x46: {  	[tilespmem:s18], [sflag:$0x5] =	stream.linear.gather [hbm4b:s28+s3], $0x400, $0x38;
	[tilespmem:$0x15800] =	vst v63  }
0x47: {  	_ =	swait.ge [sflag:s12], $0x400  }
0x48: {  	[sflag:s12] =	ssyncset.done $0x0  }
0x49: {  	[sflag:s12] =	ssyncadd.s32 $0xFFFFFC00  }
0x4a: {  	[tilespmem:s19], [sflag:$0x2] =	stream.indirect.gather [hbm4b:s4+s15], $0x10, s17, s15, $0xb8;
	[tilespmem:$0x15800] =	vst v63  }
0x4b: {  	_ =	swait.ge [sflag:s20], $0x4000  }
0x4c: {  	[sflag:s20] =	ssyncset.done $0x0  }
0x4d: {  	[sflag:s20] =	ssyncadd.s32 $0xFFFFC000  }
0x4e: {  	[spmem:s2] =	stream.indirect.scatter.add.f32 [tilespmem:s16], [sflag:$0x3], $0x10, s14, s15, $0xb8;
	[tilespmem:$0x15800] =	vst v63  }
0x4f: {  	_ =	swait.ge [sflag:s21], $0x4000  }
0x50: {  	[sflag:s21] =	ssyncset.done $0x0  }
0x51: {  	[sflag:s21] =	ssyncadd.s32 $0xFFFFC000  }
0x52: {  	[spmem:s2] =	stream.indirect.scatter.add.f32 [tilespmem:s19], [sflag:$0x4], $0x10, s18, s15, $0xb8;
	[tilespmem:$0x15800] =	vst v63  }
.Ltmp0:
0x53: {  	_ =	swait.ge [sflag:s22], $0x4000;
	(pc) =	sbr.rel @p0 .LBB2_2-.Ltmp0, $4  }
0x54: {  	[sflag:s22] =	ssyncset.done $0x0  }
0x55: {  	[sflag:s22] =	ssyncadd.s32 $0xFFFFC000  }
0x56: {  	_ =	swait.ge [sflag:s23], $0x4000  }
0x57: {  	s28 =	smov.u32 s26;
	[sflag:s23] =	ssyncset.done $0x0  }
0x58: {  	s26 =	sadd.s32 s25, s9;
	[sflag:s23] =	ssyncadd.s32 $0xFFFFC000  }
0x59: {  	[tilespmem:s13], [sflag:$0x5] =	stream.linear.gather [hbm4b:s26+s3], $0x400, $0x38;
	[tilespmem:$0x15800] =	vst v63  }
0x5a: {  	_ =	swait.ge [sflag:s12], $0x400  }
0x5b: {  	[sflag:s12] =	ssyncset.done $0x0  }
0x5c: {  	s31 =	sadd.s32 s25, s10;
	[sflag:s12] =	ssyncadd.s32 $0xFFFFFC00  }
0x5d: {  	[tilespmem:s14], [sflag:$0x5] =	stream.linear.gather [hbm4b:s31+s3], $0x400, $0x38;
	[tilespmem:$0x15800] =	vst v63  }
0x5e: {  	_ =	swait.ge [sflag:s12], $0x400  }
0x5f: {  	[sflag:s12] =	ssyncset.done $0x0  }
0x60: {  	[sflag:s12] =	ssyncadd.s32 $0xFFFFFC00  }
0x61: {  	[tilespmem:s16], [sflag:$0x1] =	stream.indirect.gather [hbm4b:s4+s15], $0x10, s13, s15, $0xb8;
	[tilespmem:$0x15800] =	vst v63  }
0x62: {  	s26 =	sadd.s32 $0x80, s26  }
0x63: {  	[tilespmem:s17], [sflag:$0x5] =	stream.linear.gather [hbm4b:s26+s3], $0x400, $0x38;
	[tilespmem:$0x15800] =	vst v63  }
0x64: {  	_ =	swait.ge [sflag:s12], $0x400  }
0x65: {  	[sflag:s12] =	ssyncset.done $0x0  }
0x66: {  	s25 =	sadd.s32 $0x80, s31;
	[sflag:s12] =	ssyncadd.s32 $0xFFFFFC00  }
0x67: {  	[tilespmem:s18], [sflag:$0x5] =	stream.linear.gather [hbm4b:s25+s3], $0x400, $0x38;
	[tilespmem:$0x15800] =	vst v63  }
0x68: {  	_ =	swait.ge [sflag:s12], $0x400  }
0x69: {  	[sflag:s12] =	ssyncset.done $0x0  }
0x6a: {  	[sflag:s12] =	ssyncadd.s32 $0xFFFFFC00  }
0x6b: {  	[tilespmem:s19], [sflag:$0x2] =	stream.indirect.gather [hbm4b:s4+s15], $0x10, s17, s15, $0xb8;
	[tilespmem:$0x15800] =	vst v63  }
0x6c: {  	_ =	swait.ge [sflag:s20], $0x4000  }
0x6d: {  	[sflag:s20] =	ssyncset.done $0x0  }
0x6e: {  	[sflag:s20] =	ssyncadd.s32 $0xFFFFC000  }
0x6f: {  	[spmem:s2] =	stream.indirect.scatter.add.f32 [tilespmem:s16], [sflag:$0x3], $0x10, s14, s15, $0xb8;
	[tilespmem:$0x15800] =	vst v63  }
0x70: {  	_ =	swait.ge [sflag:s21], $0x4000  }
0x71: {  	[sflag:s21] =	ssyncset.done $0x0  }
0x72: {  	[sflag:s21] =	ssyncadd.s32 $0xFFFFC000  }
0x73: {  	[spmem:s2] =	stream.indirect.scatter.add.f32 [tilespmem:s19], [sflag:$0x4], $0x10, s18, s15, $0xb8;
	[tilespmem:$0x15800] =	vst v63  }
0x74: {  	_ =	swait.ge [sflag:s22], $0x4000  }
0x75: {  	[sflag:s22] =	ssyncset.done $0x0  }
0x76: {  	[sflag:s22] =	ssyncadd.s32 $0xFFFFC000  }
0x77: {  	_ =	swait.ge [sflag:s23], $0x4000  }
0x78: {  	s24 =	sadd.s32 $0x1, s24;
	[sflag:s23] =	ssyncset.done $0x0  }
0x79: {  	p0 =	sne.s32 s24, s7;
	[sflag:s23] =	ssyncadd.s32 $0xFFFFC000  }
.Ltmp1:
0x7a: {  	[bflag:$0x0] =	sbarrier.arrive $0xFFFF;
	(pc) =	sbr.rel @p0 .LBB2_1-.Ltmp1, $4  }
0x7b: {  	[hbm:s8], [sflag:s6] =	dma.local [spmem:s11], $0x1900  }
0x7c: {  	_ =	swait.ge [sflag:s12], $0x1900  }
0x7d: {  	[sflag:s12] =	ssyncset.done $0x0  }
0x7e: {  	[sflag:s12] =	ssyncadd.s32 $0xFFFFE700  }
0x7f: {  	_ =	sfence.sel $0x180000  }
0x80: {  	[bflag:$0x0] =	sbarrier.arrive $0xFFFF  }
0x81: {  	p0 =	sne.s32 s1, $0x0;
	_ =	strace $0x9000004A  }
0x82: {  	s0 =	sadd.s32 @!p0 $0x100000, s0;
	[bflag:$0x2] =	sbarrier.arrive $0xFFFF  }
0x83: {  	[sflag:s0] =	ssyncadd.tile.s32 @!p0 $0x1;
	_ =	shalt  }
.Lfunc_end2:
_tile_overlayer_lowered:
.L_overlay_start_2:
0x84: {  	(tag) =	ssettag $0x2  }
0x85: {  	s0 =	rddreg [dreg:$0x0];
	s2 =	stileid.u32  }
0x86: {  	s1 =	rddreg [dreg:$0x1];
	p0 =	sne.s32 s2, $0x0  }
0x87: {  	s3 =	rddreg [dreg:$0x2];
	[bflag:$0x3] =	sbarrier.arrive $0xFFFF;
	s2 =	simm.s32 @!p0 $0x1C05  }
0x88: {  	[timem:s3], [sflag:s2] =	dma.local @!p0 [hbm:s0], s1  }
0x89: {  	s0 =	simm.s32 @!p0 $0x5  }
0x8a: {  	_ =	swait.ge @!p0 [sflag:s0], s1  }
0x8b: {  	s1 =	ssub.s32 @!p0 $0x0, s1;
	[sflag:s0] =	ssyncset.done @!p0 $0x0  }
0x8c: {  	[sflag:s0] =	ssyncadd.s32 @!p0 s1  }
0x8d: {  	[bflag:$0x3] =	sbarrier.arrive $0xFFFF  }
0x8e: {  	_ =	shalt  }

// kernel: kernel.18.cloned.1.call-start
scs
__scs_entry_jumppad:
0x0: {  	(pc) =	sbr.rel $0x88, $3  }
0x1: {  	(tag) =	ssettag $0x0;
	lr =	simm.s32 $0x1  }
0x2: {  	[smem:$0x3F97] =	sst lr;
	_ =	strace $0xD0000000  }
0x3: {  	_ = 	snop  }
0x4: {  	_ = 	snop  }
0x5: {  	_ = 	snop  }
0x6: {  	_ = 	snop  }
0x7: {  	_ = 	snop  }
__scs_overlays_trampoline_lowered:
0x8: {  	[smem:$0x3FA6] =	sst s0  }
0x9: {  	[smem:$0x3FA7] =	sst s1  }
0xa: {  	[smem:$0x3FA8] =	sst s2  }
0xb: {  	[smem:$0x3FA9] =	sst s3  }
0xc: {  	[smem:$0x3FAA] =	sst s4  }
0xd: {  	[smem:$0x3FAB] =	sst s5  }
0xe: {  	[smem:$0x3FAC] =	sst s6  }
0xf: {  	[smem:$0x3FAD] =	sst s7  }
0x10: {  	[smem:$0x3FAE] =	sst s8  }
0x11: {  	[smem:$0x3FAF] =	sst s9;
	s0 =	simm.s32 @!p0 $0x0  }
0x12: {  	s1 =	sld [smem:$0x3F95];
	s0 =	simm.s32 @p0 $0x1  }
0x13: {  	[smem:$0x3FB0] =	sst s0;
	s0 =	simm.s32 @!p1 $0x0  }
0x14: {  	s2 =	sld [smem:$0x3F94];
	s0 =	simm.s32 @p1 $0x1  }
0x15: {  	[smem:$0x3FB1] =	sst s0;
	s0 =	simm.s32 @!p2 $0x0  }
0x16: {  	s3 =	sld [smem:$0x3FDB];
	s0 =	simm.s32 @p2 $0x1  }
0x17: {  	s4 =	simm.s32 $0x1BF5;
	[smem:$0x3FB3] =	sst s0  }
0x18: {  	s0 =	sld [smem:$0x3F96];
	_ =	swait.ge [sflag:s4], $0x0  }
0x19: {  	s7 =	sld [smem:$0x3F97]  }
0x1a: {  	s8 =	sadd.s32 $0xFFFFE003, lr  }
0x1b: {  	s9 =	sadd.s32 $0xFFFFFEF7, lr;
	s5 =	simm.s32 $0xFFFFFFFF;
	p2 =	slt.u32 s8, $0xFFFFF086  }
0x1c: {  	p1 =	slt.u32 s9, $0xF7A;
	s5 =	simm.s32 @!p2 $0x0  }
0x1d: {  	s5 =	simm.s32 @p1 $0x1;
	p0 =	seq.s32 s7, s2  }
0x1e: {  	s7 =	smul.u32 @!p0 $0xF7A, s2;
	p2 =	seq.s32 @!p0 s5, $0x0  }
0x1f: {  	s9 =	smul.u32 $0xF7A, s1;
	s8 =	simm.s32 @!p0 $0x1BF5;
	p2 =	por !p2, p0  }
0x20: {  	[sflag:s8] =	ssyncset.s32 @!p0 $0xFFFFF086;
	s6 =	sadd.s32 @!p0 s3, s7;
	s7 =	simm.s32 @!p0 $0x108  }
0x21: {  	s3 =	sadd.s32 s3, s9;
	s6 =	sadd.s32 @!p0 $0x88, s6;
	s7 =	simm.s32 @p2 $0x1082  }
0x22: {  	[simem:s7], [sflag:s8] =	dma.local @!p0 [hbm:s6], $0xF7A  }
0x23: {  	s9 =	sor.u32 $0xD0000000, s2;
	s6 =	simm.s32 $0x108;
	_ =	swait.ge @!p0 [sflag:s8], $0x0  }
0x24: {  	s3 =	sadd.s32 $0x88, s3;
	s6 =	simm.s32 @!p1 $0x1082;
	[sflag:s4] =	ssyncset.s32 $0xFFFFF086  }
0x25: {  	[simem:s6], [sflag:s4] =	dma.local [hbm:s3], $0xF7A  }
0x26: {  	[smem:$0x3F97] =	sst s1;
	(tag) =	ssettag s2;
	_ =	strace s9  }
0x27: {  	s1 =	sld [smem:$0x3FA7]  }
0x28: {  	s2 =	sld [smem:$0x3FA8]  }
0x29: {  	s4 =	sld [smem:$0x3FAA]  }
0x2a: {  	p0 =	seq.s32 s5, $0x0;
	s5 =	sld [smem:$0x3FAB]  }
0x2b: {  	s6 =	sld [smem:$0x3FAC]  }
0x2c: {  	s7 =	sld [smem:$0x3FAD]  }
0x2d: {  	s3 =	simm.s32 $0x108;
	s8 =	sld [smem:$0x3FAE]  }
0x2e: {  	s3 =	simm.s32 @!p0 $0x1082;
	s9 =	sld [smem:$0x3FAF]  }
0x2f: {  	lr =	sadd.s32 s0, s3;
	s0 =	sld [smem:$0x3FA6]  }
0x30: {  	s3 =	sld [smem:$0x3FA9]  }
0x31: {  	[smem:$0x3FB2] =	sst s10  }
0x32: {  	s10 =	sld [smem:$0x3FB0];
	_ =	sdelay $0x3  }
0x33: {  	p0 =	seq.s32 s10, $0x1;
	s10 =	sld [smem:$0x3FB2];
	_ =	sdelay $0x3  }
0x34: {  	[smem:$0x3FB2] =	sst s10  }
0x35: {  	s10 =	sld [smem:$0x3FB1];
	_ =	sdelay $0x3  }
0x36: {  	p1 =	seq.s32 s10, $0x1;
	s10 =	sld [smem:$0x3FB2];
	_ =	sdelay $0x3  }
0x37: {  	[smem:$0x3FB2] =	sst s10  }
0x38: {  	s10 =	sld [smem:$0x3FB3]  }
0x39: {  	_ = 	snop;
	(pc) =	sbr.ind lr, $3  }
0x3a: {  	_ = 	snop  }
0x3b: {  	_ = 	snop  }
0x3c: {  	p2 =	seq.s32 s10, $0x1;
	s10 =	sld [smem:$0x3FB2]  }
0x3d: {  	_ =	shalt  }
0x3e: {  	_ =	shalt  }
0x3f: {  	_ =	shalt  }
0x40: {  	_ =	shalt  }
0x41: {  	_ =	shalt  }
0x42: {  	_ =	shalt  }
0x43: {  	_ =	shalt  }
0x44: {  	_ =	shalt  }
0x45: {  	_ =	shalt  }
0x46: {  	_ =	shalt  }
0x47: {  	_ =	shalt  }
0x48: {  	_ =	shalt  }
0x49: {  	_ =	shalt  }
0x4a: {  	_ =	shalt  }
0x4b: {  	_ =	shalt  }
0x4c: {  	_ =	shalt  }
0x4d: {  	_ =	shalt  }
0x4e: {  	_ =	shalt  }
0x4f: {  	_ =	shalt  }
0x50: {  	_ =	shalt  }
0x51: {  	_ =	shalt  }
0x52: {  	_ =	shalt  }
0x53: {  	_ =	shalt  }
0x54: {  	_ =	shalt  }
0x55: {  	_ =	shalt  }
0x56: {  	_ =	shalt  }
0x57: {  	_ =	shalt  }
0x58: {  	_ =	shalt  }
0x59: {  	_ =	shalt  }
0x5a: {  	_ =	shalt  }
0x5b: {  	_ =	shalt  }
0x5c: {  	_ =	shalt  }
0x5d: {  	_ =	shalt  }
0x5e: {  	_ =	shalt  }
0x5f: {  	_ =	shalt  }
0x60: {  	_ =	shalt  }
0x61: {  	_ =	shalt  }
0x62: {  	_ =	shalt  }
0x63: {  	_ =	shalt  }
0x64: {  	_ =	shalt  }
0x65: {  	_ =	shalt  }
0x66: {  	_ =	shalt  }
0x67: {  	_ =	shalt  }
0x68: {  	_ =	shalt  }
0x69: {  	_ =	shalt  }
0x6a: {  	_ =	shalt  }
0x6b: {  	_ =	shalt  }
0x6c: {  	_ =	shalt  }
0x6d: {  	_ =	shalt  }
0x6e: {  	_ =	shalt  }
0x6f: {  	_ =	shalt  }
0x70: {  	_ =	shalt  }
0x71: {  	_ =	shalt  }
0x72: {  	_ =	shalt  }
0x73: {  	_ =	shalt  }
0x74: {  	_ =	shalt  }
0x75: {  	_ =	shalt  }
0x76: {  	_ =	shalt  }
0x77: {  	_ =	shalt  }
0x78: {  	_ =	shalt  }
0x79: {  	_ =	shalt  }
0x7a: {  	_ =	shalt  }
0x7b: {  	_ =	shalt  }
0x7c: {  	_ =	shalt  }
0x7d: {  	_ =	shalt  }
0x7e: {  	_ =	shalt  }
0x7f: {  	_ =	shalt  }
0x80: {  	_ =	shalt  }
0x81: {  	_ =	shalt  }
0x82: {  	_ =	shalt  }
0x83: {  	_ =	shalt  }
0x84: {  	_ =	shalt  }
0x85: {  	_ =	shalt  }
0x86: {  	_ =	shalt  }
0x87: {  	_ =	shalt  }
.Lfunc_end0:
.L_simem_size_0:
called_computation.2_lowered:
.L_overlay_start_0:
0x88: {  	s2 =	sld [smem:$0x3FD9]  }
0x89: {  	s3 =	sld [smem:$0x3FFE];
	_ =	sdelay $0x1  }
0x8a: {  	s1 =	srdreg.scid  }
0x8b: {  	s0 =	sand.u32 $0x1, s1  }
0x8c: {  	s16 =	sshll.u32 s0, $0xA;
	s2 =	sadd.s32 s3, s2  }
0x8d: {  	s2 =	sadd.s32 s2, s16  }
0x8e: {  	[smem:$0x3FBE] =	sst s2  }
0x8f: {  	_ = 	snop  }
0x90: {  	(tm) =	ssettm $0x1  }
0x91: {  	s17 =	sld [smem:$0x3FFB];
	_ =	sdelay $0x3  }
0x92: {  	_ =	strace s17  }
0x93: {  	s2 =	sld [smem:$0x3FFC];
	_ =	sdelay $0x3  }
0x94: {  	_ =	strace s2  }
0x95: {  	s2 =	sld [smem:$0x3FFD];
	_ =	sdelay $0x3  }
0x96: {  	_ =	strace s2  }
0x97: {  	_ =	strace $0x8FFFFFFF  }
0x98: {  	s18 =	sld [smem:$0x3FDB];
	_ =	sdelay $0x1  }
0x99: {  	s19 =	simm.s32 $_scs_section_size  }
0x9a: {  	s4 =	simm.s32 $_size__tile_overlayer_lowered;
	s5 =	simm.s32 $_tile_overlayer_lowered  }
0x9b: {  	s22 =	simm.s32 $0x1BFF;
	s21 =	sshll.u32 s5, $0x1;
	s2 =	sadd.s32 s19, s18  }
0x9c: {  	s6 =	simm.s32 $0x0;
	s20 =	sshll.u32 s4, $0x1;
	s4 =	sadd.s32 s21, s2  }
0x9d: {  	[timem:s6], [sflag:s22] =	dma.local [hbm:s4], s20  }
0x9e: {  	_ =	swait.ge [sflag:s22], s20  }
0x9f: {  	s3 =	ssub.s32 $0x0, s20;
	[sflag:s22] =	ssyncset.done $0x0  }
0xa0: {  	[sflag:s22] =	ssyncadd.s32 s3;
	_ =	sdelay $0x1  }
0xa1: {  	s23 =	simm.s32 $0x1B8B  }
0xa2: {  	_ =	swait.ge [sflag:s23], $0x1  }
0xa3: {  	[sflag:s23] =	ssyncset.done $0x0  }
0xa4: {  	s25 =	simm.s32 $0x1B8E;
	s24 =	sld [smem:$0x3FFE];
	[sflag:s23] =	ssyncadd.s32 $0xFFFFFFFF  }
0xa5: {  	s26 =	simm.s32 $execute0_lowered;
	[smem:$0x3FD2] =	sst s25  }
0xa6: {  	s4 =	sshll.u32 s26, $0x1;
	_ =	strace $0x8000004C;
	[dreg:$0x1] =	wrdreg $0xFFFFFFFF  }
0xa7: {  	s28 =	simm.s32 $_size_execute0_lowered;
	s2 =	sadd.s32 s2, s4;
	[dreg:$0x0] =	wrdreg $0x0  }
0xa8: {  	s4 =	sshll.u32 s28, $0x1;
	[dreg:$0x2] =	wrdreg s2  }
0xa9: {  	[dreg:$0x3] =	wrdreg s4  }
0xaa: {  	[dreg:$0x4] =	wrdreg $0xC0  }
0xab: {  	_ =	task [dreg:s6], $0x5FFFF  }
0xac: {  	[dreg:$0x1] =	wrdreg $0xFFFFFFFF  }
0xad: {  	[dreg:$0x0] =	wrdreg $0x60  }
0xae: {  	[dreg:$0x2] =	wrdreg s24  }
0xaf: {  	[dreg:$0x3] =	wrdreg $0x0  }
0xb0: {  	[dreg:$0x4] =	wrdreg $0x9  }
0xb1: {  	_ =	task.clear_ibuf [dreg:s6], $0x5FFFF;
	_ =	strace $0x9000004C  }
0xb2: {  	s29 =	simm.s32 $0x9;
	_ =	strace $0x8000004E  }
0xb3: {  	_ =	swait.ge [sflag:s29], $0x1  }
0xb4: {  	[sflag:s29] =	ssyncadd.s32 $0xFFFFFFFF  }
0xb5: {  	_ =	strace $0x9000004E  }
0xb6: {  	_ =	sfence  }
0xb7: {  	s30 =	sld [smem:$0x0];
	_ =	sdelay $0x2  }
0xb8: {  	s31 =	sshll.u32 s1, $0xD;
	s1 =	sshrl.u32 s1, $0x2  }
0xb9: {  	s3 =	sand.u32 $0x4000, s31;
	s1 =	sadd.s32 s1, s30  }
0xba: {  	s0 =	sor.u32 s3, s0;
	s1 =	sshll.u32 s1, $0x11  }
0xbb: {  	s0 =	sor.u32 s1, s0  }
0xbc: {  	s0 =	sadd.s32 $0x8F2B, s0  }
0xbd: {  	[sflag:s0] =	ssyncadd.remote.s32 $0x1  }
0xbe: {  	_ =	sfence.sel $0xFFFF  }
0xbf: {  	[dreg:$0x0] =	wrdreg $0xFFFFFFFF;
	(pc) =	sbr.abs _section_cstart, $3  }
0xc0: {  	[dreg:$0x1] =	wrdreg $0xFFFFFFFF  }
0xc1: {  	_ =	task.clear_ibuf [dreg:s6], $0x2FFFF;
	_ =	strace $0x9FFFFFFF  }
0xc2: {  	(tm) =	ssettm $0x7FFFFFFF  }
0xc3: {  	_ =	shalt  }
tec
execute0_lowered:
.L_overlay_start_1:
0x0: {  	(tag) =	ssettag $0x1  }
0x1: {  	s5 =	rddreg [dreg:$0x0]  }
0x2: {  	s2 =	rddreg [dreg:$0x1]  }
0x3: {  	s0 =	rddreg [dreg:$0x2];
	s1 =	stileid.u32  }
0x4: {  	s3 =	simm.s32 $0x0;
	s4 =	srdreg.scid;
	s13 =	simm.s32 $0x23D400  }
0x5: {  	s14 =	simm.s32 $0xD000;
	s15 =	simm.s32 $0x400;
	s16 =	simm.s32 $0xD800  }
0x6: {  	s17 =	simm.s32 $0xCC00;
	s18 =	simm.s32 $0xD400;
	s19 =	simm.s32 $0x11800  }
0x7: {  	s20 =	simm.s32 $0x1;
	s21 =	simm.s32 $0x2;
	s22 =	simm.s32 $0x3  }
0x8: {  	s23 =	simm.s32 $0x4;
	s24 =	simm.s32 $0x0;
	s6 =	smul.u32 $0x6200, s1  }
0x9: {  	[smem:$0x7FF] =	sst s3;
	s7 =	smul.u32 $0xC800, s1;
	s8 =	sand.u32 $0x1, s4  }
0xa: {  	s4 =	sadd.s32 $0x4800, s5;
	s31 =	sshll.u32 s1, $0x6;
	_ =	strace $0x8000004D  }
0xb: {  	s9 =	ssub.s32 $0x2, s8;
	p0 =	seq.s32 s8, $0x0;
	p1 =	seq.s32 s8, $0x1  }
0xc: {  	s8 =	simm.s32 $0x36800;
	s10 =	sadd.s32 s6, s5;
	s29 =	sshrl.u32 s7, $0x3  }
0xd: {  	s11 =	sshrl.u32 s9, $0x1;
	s30 =	sadd.s32 s7, s2;
	s6 =	sor.u32 $0x1C05, s31  }
0xe: {  	s13 =	simm.s32 @!p0 $0x1DB400;
	s8 =	simm.s32 @!p1 $0xE1400;
	s12 =	sadd.s32 s29, s5  }
0xf: {  	s9 =	ssub.s32 s9, s11;
	s11 =	sshrl.u32 s30, $0x3;
	s5 =	sadd.s32 $0xC8400, s12  }
0x10: {  	s7 =	smax.u32 s9, $0x1;
	s8 =	sadd.s32 s8, s12;
	s9 =	sadd.s32 s13, s10  }
0x11: {  	s10 =	sadd.s32 $0x66400, s10;
	s12 =	simm.s32 $0x5;
	s13 =	simm.s32 $0xC800  }
.LBB2_1:
0x12: {  	[spmem:s11], [sflag:s6] =	dma.local [hbm:s5], $0x1900  }
0x13: {  	_ =	swait.ge [sflag:s12], $0x1900  }
0x14: {  	[sflag:s12] =	ssyncset.done $0x0  }
0x15: {  	[sflag:s12] =	ssyncadd.s32 $0xFFFFE700  }
0x16: {  	s25 =	sadd.s32 $0x0, s9;
	[bflag:$0x0] =	sbarrier.arrive $0xFFFF  }
0x17: {  	[tilespmem:s13], [sflag:$0x5] =	stream.linear.gather [hbm4b:s25+s3], $0x400, $0x38;
	[tilespmem:$0x15800] =	vst v63  }
0x18: {  	_ =	swait.ge [sflag:s12], $0x400  }
0x19: {  	[sflag:s12] =	ssyncset.done $0x0  }
0x1a: {  	s26 =	sadd.s32 $0x0, s10;
	[sflag:s12] =	ssyncadd.s32 $0xFFFFFC00  }
0x1b: {  	[tilespmem:s14], [sflag:$0x5] =	stream.linear.gather [hbm4b:s26+s3], $0x400, $0x38;
	[tilespmem:$0x15800] =	vst v63  }
0x1c: {  	_ =	swait.ge [sflag:s12], $0x400  }
0x1d: {  	[sflag:s12] =	ssyncset.done $0x0  }
0x1e: {  	[sflag:s12] =	ssyncadd.s32 $0xFFFFFC00  }
0x1f: {  	[tilespmem:s16], [sflag:$0x1] =	stream.indirect.gather [hbm4b:s4+s15], $0x10, s13, s15, $0xb8;
	[tilespmem:$0x15800] =	vst v63  }
0x20: {  	s25 =	sadd.s32 $0x80, s25  }
0x21: {  	[tilespmem:s17], [sflag:$0x5] =	stream.linear.gather [hbm4b:s25+s3], $0x400, $0x38;
	[tilespmem:$0x15800] =	vst v63  }
0x22: {  	_ =	swait.ge [sflag:s12], $0x400  }
0x23: {  	[sflag:s12] =	ssyncset.done $0x0  }
0x24: {  	s31 =	sadd.s32 $0x80, s26;
	[sflag:s12] =	ssyncadd.s32 $0xFFFFFC00  }
0x25: {  	[tilespmem:s18], [sflag:$0x5] =	stream.linear.gather [hbm4b:s31+s3], $0x400, $0x38;
	[tilespmem:$0x15800] =	vst v63  }
0x26: {  	_ =	swait.ge [sflag:s12], $0x400  }
0x27: {  	[sflag:s12] =	ssyncset.done $0x0  }
0x28: {  	[sflag:s12] =	ssyncadd.s32 $0xFFFFFC00  }
0x29: {  	[tilespmem:s19], [sflag:$0x2] =	stream.indirect.gather [hbm4b:s4+s15], $0x10, s17, s15, $0xb8;
	[tilespmem:$0x15800] =	vst v63  }
0x2a: {  	_ =	swait.ge [sflag:s20], $0x4000  }
0x2b: {  	[sflag:s20] =	ssyncset.done $0x0  }
0x2c: {  	[sflag:s20] =	ssyncadd.s32 $0xFFFFC000  }
0x2d: {  	[spmem:s2] =	stream.indirect.scatter.add.f32 [tilespmem:s16], [sflag:$0x3], $0x10, s14, s15, $0xb8;
	[tilespmem:$0x15800] =	vst v63  }
0x2e: {  	_ =	swait.ge [sflag:s21], $0x4000  }
0x2f: {  	[sflag:s21] =	ssyncset.done $0x0  }
0x30: {  	[sflag:s21] =	ssyncadd.s32 $0xFFFFC000  }
0x31: {  	[spmem:s2] =	stream.indirect.scatter.add.f32 [tilespmem:s19], [sflag:$0x4], $0x10, s18, s15, $0xb8;
	[tilespmem:$0x15800] =	vst v63  }
0x32: {  	_ =	swait.ge [sflag:s22], $0x4000  }
0x33: {  	[sflag:s22] =	ssyncset.done $0x0  }
0x34: {  	[sflag:s22] =	ssyncadd.s32 $0xFFFFC000  }
0x35: {  	_ =	swait.ge [sflag:s23], $0x4000  }
0x36: {  	s28 =	simm.s32 $0x200;
	s25 =	simm.s32 $0x100;
	[sflag:s23] =	ssyncset.done $0x0  }
.LBB2_2:
0x37: {  	s29 =	sadd.s32 s25, s9  }
0x38: {  	[sflag:s23] =	ssyncadd.s32 $0xFFFFC000;
	s30 =	smov.u32 s28;
	s26 =	sadd.s32 $0x100, s28  }
0x39: {  	[tilespmem:s13], [sflag:$0x5] =	stream.linear.gather [hbm4b:s29+s3], $0x400, $0x38;
	[tilespmem:$0x15800] =	vst v63  }
0x3a: {  	p0 =	sne.s32 s28, $0x6100;
	_ =	swait.ge [sflag:s12], $0x400  }
0x3b: {  	[sflag:s12] =	ssyncset.done $0x0  }
0x3c: {  	s28 =	sadd.s32 s25, s10;
	s25 =	smov.u32 s30;
	[sflag:s12] =	ssyncadd.s32 $0xFFFFFC00  }
0x3d: {  	[tilespmem:s14], [sflag:$0x5] =	stream.linear.gather [hbm4b:s28+s3], $0x400, $0x38;
	[tilespmem:$0x15800] =	vst v63  }
0x3e: {  	_ =	swait.ge [sflag:s12], $0x400  }
0x3f: {  	[sflag:s12] =	ssyncset.done $0x0  }
0x40: {  	[sflag:s12] =	ssyncadd.s32 $0xFFFFFC00  }
0x41: {  	[tilespmem:s16], [sflag:$0x1] =	stream.indirect.gather [hbm4b:s4+s15], $0x10, s13, s15, $0xb8;
	[tilespmem:$0x15800] =	vst v63  }
0x42: {  	s29 =	sadd.s32 $0x80, s29  }
0x43: {  	[tilespmem:s17], [sflag:$0x5] =	stream.linear.gather [hbm4b:s29+s3], $0x400, $0x38;
	[tilespmem:$0x15800] =	vst v63  }
0x44: {  	_ =	swait.ge [sflag:s12], $0x400  }
0x45: {  	[sflag:s12] =	ssyncset.done $0x0  }
0x46: {  	s28 =	sadd.s32 $0x80, s28;
	[sflag:s12] =	ssyncadd.s32 $0xFFFFFC00  }
0x47: {  	[tilespmem:s18], [sflag:$0x5] =	stream.linear.gather [hbm4b:s28+s3], $0x400, $0x38;
	[tilespmem:$0x15800] =	vst v63  }
0x48: {  	_ =	swait.ge [sflag:s12], $0x400  }
0x49: {  	[sflag:s12] =	ssyncset.done $0x0  }
0x4a: {  	[sflag:s12] =	ssyncadd.s32 $0xFFFFFC00  }
0x4b: {  	[tilespmem:s19], [sflag:$0x2] =	stream.indirect.gather [hbm4b:s4+s15], $0x10, s17, s15, $0xb8;
	[tilespmem:$0x15800] =	vst v63  }
0x4c: {  	_ =	swait.ge [sflag:s20], $0x4000  }
0x4d: {  	[sflag:s20] =	ssyncset.done $0x0  }
0x4e: {  	[sflag:s20] =	ssyncadd.s32 $0xFFFFC000  }
0x4f: {  	[spmem:s2] =	stream.indirect.scatter.add.f32 [tilespmem:s16], [sflag:$0x3], $0x10, s14, s15, $0xb8;
	[tilespmem:$0x15800] =	vst v63  }
0x50: {  	_ =	swait.ge [sflag:s21], $0x4000  }
0x51: {  	[sflag:s21] =	ssyncset.done $0x0  }
0x52: {  	[sflag:s21] =	ssyncadd.s32 $0xFFFFC000  }
0x53: {  	[spmem:s2] =	stream.indirect.scatter.add.f32 [tilespmem:s19], [sflag:$0x4], $0x10, s18, s15, $0xb8;
	[tilespmem:$0x15800] =	vst v63  }
.Ltmp0:
0x54: {  	_ =	swait.ge [sflag:s22], $0x4000;
	(pc) =	sbr.rel @p0 .LBB2_2-.Ltmp0, $4  }
0x55: {  	[sflag:s22] =	ssyncset.done $0x0  }
0x56: {  	[sflag:s22] =	ssyncadd.s32 $0xFFFFC000  }
0x57: {  	_ =	swait.ge [sflag:s23], $0x4000  }
0x58: {  	s28 =	smov.u32 s26;
	[sflag:s23] =	ssyncset.done $0x0  }
0x59: {  	s26 =	sadd.s32 s25, s9;
	[sflag:s23] =	ssyncadd.s32 $0xFFFFC000  }
0x5a: {  	[tilespmem:s13], [sflag:$0x5] =	stream.linear.gather [hbm4b:s26+s3], $0x400, $0x38;
	[tilespmem:$0x15800] =	vst v63  }
0x5b: {  	_ =	swait.ge [sflag:s12], $0x400  }
0x5c: {  	[sflag:s12] =	ssyncset.done $0x0  }
0x5d: {  	s31 =	sadd.s32 s25, s10;
	[sflag:s12] =	ssyncadd.s32 $0xFFFFFC00  }
0x5e: {  	[tilespmem:s14], [sflag:$0x5] =	stream.linear.gather [hbm4b:s31+s3], $0x400, $0x38;
	[tilespmem:$0x15800] =	vst v63  }
0x5f: {  	_ =	swait.ge [sflag:s12], $0x400  }
0x60: {  	[sflag:s12] =	ssyncset.done $0x0  }
0x61: {  	[sflag:s12] =	ssyncadd.s32 $0xFFFFFC00  }
0x62: {  	[tilespmem:s16], [sflag:$0x1] =	stream.indirect.gather [hbm4b:s4+s15], $0x10, s13, s15, $0xb8;
	[tilespmem:$0x15800] =	vst v63  }
0x63: {  	s26 =	sadd.s32 $0x80, s26  }
0x64: {  	[tilespmem:s17], [sflag:$0x5] =	stream.linear.gather [hbm4b:s26+s3], $0x400, $0x38;
	[tilespmem:$0x15800] =	vst v63  }
0x65: {  	_ =	swait.ge [sflag:s12], $0x400  }
0x66: {  	[sflag:s12] =	ssyncset.done $0x0  }
0x67: {  	s25 =	sadd.s32 $0x80, s31;
	[sflag:s12] =	ssyncadd.s32 $0xFFFFFC00  }
0x68: {  	[tilespmem:s18], [sflag:$0x5] =	stream.linear.gather [hbm4b:s25+s3], $0x400, $0x38;
	[tilespmem:$0x15800] =	vst v63  }
0x69: {  	_ =	swait.ge [sflag:s12], $0x400  }
0x6a: {  	[sflag:s12] =	ssyncset.done $0x0  }
0x6b: {  	[sflag:s12] =	ssyncadd.s32 $0xFFFFFC00  }
0x6c: {  	[tilespmem:s19], [sflag:$0x2] =	stream.indirect.gather [hbm4b:s4+s15], $0x10, s17, s15, $0xb8;
	[tilespmem:$0x15800] =	vst v63  }
0x6d: {  	_ =	swait.ge [sflag:s20], $0x4000  }
0x6e: {  	[sflag:s20] =	ssyncset.done $0x0  }
0x6f: {  	[sflag:s20] =	ssyncadd.s32 $0xFFFFC000  }
0x70: {  	[spmem:s2] =	stream.indirect.scatter.add.f32 [tilespmem:s16], [sflag:$0x3], $0x10, s14, s15, $0xb8;
	[tilespmem:$0x15800] =	vst v63  }
0x71: {  	_ =	swait.ge [sflag:s21], $0x4000  }
0x72: {  	[sflag:s21] =	ssyncset.done $0x0  }
0x73: {  	[sflag:s21] =	ssyncadd.s32 $0xFFFFC000  }
0x74: {  	[spmem:s2] =	stream.indirect.scatter.add.f32 [tilespmem:s19], [sflag:$0x4], $0x10, s18, s15, $0xb8;
	[tilespmem:$0x15800] =	vst v63  }
0x75: {  	_ =	swait.ge [sflag:s22], $0x4000  }
0x76: {  	[sflag:s22] =	ssyncset.done $0x0  }
0x77: {  	[sflag:s22] =	ssyncadd.s32 $0xFFFFC000  }
0x78: {  	_ =	swait.ge [sflag:s23], $0x4000  }
0x79: {  	s24 =	sadd.s32 $0x1, s24;
	[sflag:s23] =	ssyncset.done $0x0  }
0x7a: {  	p0 =	sne.s32 s24, s7;
	[sflag:s23] =	ssyncadd.s32 $0xFFFFC000  }
.Ltmp1:
0x7b: {  	[bflag:$0x0] =	sbarrier.arrive $0xFFFF;
	(pc) =	sbr.rel @p0 .LBB2_1-.Ltmp1, $4  }
0x7c: {  	[hbm:s8], [sflag:s6] =	dma.local [spmem:s11], $0x1900  }
0x7d: {  	_ =	swait.ge [sflag:s12], $0x1900  }
0x7e: {  	[sflag:s12] =	ssyncset.done $0x0  }
0x7f: {  	[sflag:s12] =	ssyncadd.s32 $0xFFFFE700  }
0x80: {  	_ =	sfence.sel $0x180000  }
0x81: {  	[bflag:$0x0] =	sbarrier.arrive $0xFFFF  }
0x82: {  	p0 =	sne.s32 s1, $0x0;
	_ =	strace $0x9000004D  }
0x83: {  	s0 =	sadd.s32 @!p0 $0x100000, s0;
	[bflag:$0x2] =	sbarrier.arrive $0xFFFF  }
0x84: {  	[sflag:s0] =	ssyncadd.tile.s32 @!p0 $0x1;
	_ =	shalt  }
.Lfunc_end2:
_tile_overlayer_lowered:
.L_overlay_start_2:
0x85: {  	(tag) =	ssettag $0x2  }
0x86: {  	s0 =	rddreg [dreg:$0x0];
	s2 =	stileid.u32  }
0x87: {  	s1 =	rddreg [dreg:$0x1];
	p0 =	sne.s32 s2, $0x0  }
0x88: {  	s3 =	rddreg [dreg:$0x2];
	[bflag:$0x3] =	sbarrier.arrive $0xFFFF;
	s2 =	simm.s32 @!p0 $0x1C05  }
0x89: {  	[timem:s3], [sflag:s2] =	dma.local @!p0 [hbm:s0], s1  }
0x8a: {  	s0 =	simm.s32 @!p0 $0x5  }
0x8b: {  	_ =	swait.ge @!p0 [sflag:s0], s1  }
0x8c: {  	s1 =	ssub.s32 @!p0 $0x0, s1;
	[sflag:s0] =	ssyncset.done @!p0 $0x0  }
0x8d: {  	[sflag:s0] =	ssyncadd.s32 @!p0 s1  }
0x8e: {  	[bflag:$0x3] =	sbarrier.arrive $0xFFFF  }
0x8f: {  	_ =	shalt  }

// kernel: kernel.21.cloned.1.call-start
scs
__scs_entry_jumppad:
0x0: {  	(pc) =	sbr.rel $0x88, $3  }
0x1: {  	(tag) =	ssettag $0x0;
	lr =	simm.s32 $0x1  }
0x2: {  	[smem:$0x3F97] =	sst lr;
	_ =	strace $0xD0000000  }
0x3: {  	_ = 	snop  }
0x4: {  	_ = 	snop  }
0x5: {  	_ = 	snop  }
0x6: {  	_ = 	snop  }
0x7: {  	_ = 	snop  }
__scs_overlays_trampoline_lowered:
0x8: {  	[smem:$0x3FA6] =	sst s0  }
0x9: {  	[smem:$0x3FA7] =	sst s1  }
0xa: {  	[smem:$0x3FA8] =	sst s2  }
0xb: {  	[smem:$0x3FA9] =	sst s3  }
0xc: {  	[smem:$0x3FAA] =	sst s4  }
0xd: {  	[smem:$0x3FAB] =	sst s5  }
0xe: {  	[smem:$0x3FAC] =	sst s6  }
0xf: {  	[smem:$0x3FAD] =	sst s7  }
0x10: {  	[smem:$0x3FAE] =	sst s8  }
0x11: {  	[smem:$0x3FAF] =	sst s9;
	s0 =	simm.s32 @!p0 $0x0  }
0x12: {  	s1 =	sld [smem:$0x3F95];
	s0 =	simm.s32 @p0 $0x1  }
0x13: {  	[smem:$0x3FB0] =	sst s0;
	s0 =	simm.s32 @!p1 $0x0  }
0x14: {  	s2 =	sld [smem:$0x3F94];
	s0 =	simm.s32 @p1 $0x1  }
0x15: {  	[smem:$0x3FB1] =	sst s0;
	s0 =	simm.s32 @!p2 $0x0  }
0x16: {  	s3 =	sld [smem:$0x3FDB];
	s0 =	simm.s32 @p2 $0x1  }
0x17: {  	s4 =	simm.s32 $0x1BF5;
	[smem:$0x3FB3] =	sst s0  }
0x18: {  	s0 =	sld [smem:$0x3F96];
	_ =	swait.ge [sflag:s4], $0x0  }
0x19: {  	s7 =	sld [smem:$0x3F97]  }
0x1a: {  	s8 =	sadd.s32 $0xFFFFE003, lr  }
0x1b: {  	s9 =	sadd.s32 $0xFFFFFEF7, lr;
	s5 =	simm.s32 $0xFFFFFFFF;
	p2 =	slt.u32 s8, $0xFFFFF086  }
0x1c: {  	p1 =	slt.u32 s9, $0xF7A;
	s5 =	simm.s32 @!p2 $0x0  }
0x1d: {  	s5 =	simm.s32 @p1 $0x1;
	p0 =	seq.s32 s7, s2  }
0x1e: {  	s7 =	smul.u32 @!p0 $0xF7A, s2;
	p2 =	seq.s32 @!p0 s5, $0x0  }
0x1f: {  	s9 =	smul.u32 $0xF7A, s1;
	s8 =	simm.s32 @!p0 $0x1BF5;
	p2 =	por !p2, p0  }
0x20: {  	[sflag:s8] =	ssyncset.s32 @!p0 $0xFFFFF086;
	s6 =	sadd.s32 @!p0 s3, s7;
	s7 =	simm.s32 @!p0 $0x108  }
0x21: {  	s3 =	sadd.s32 s3, s9;
	s6 =	sadd.s32 @!p0 $0x88, s6;
	s7 =	simm.s32 @p2 $0x1082  }
0x22: {  	[simem:s7], [sflag:s8] =	dma.local @!p0 [hbm:s6], $0xF7A  }
0x23: {  	s9 =	sor.u32 $0xD0000000, s2;
	s6 =	simm.s32 $0x108;
	_ =	swait.ge @!p0 [sflag:s8], $0x0  }
0x24: {  	s3 =	sadd.s32 $0x88, s3;
	s6 =	simm.s32 @!p1 $0x1082;
	[sflag:s4] =	ssyncset.s32 $0xFFFFF086  }
0x25: {  	[simem:s6], [sflag:s4] =	dma.local [hbm:s3], $0xF7A  }
0x26: {  	[smem:$0x3F97] =	sst s1;
	(tag) =	ssettag s2;
	_ =	strace s9  }
0x27: {  	s1 =	sld [smem:$0x3FA7]  }
0x28: {  	s2 =	sld [smem:$0x3FA8]  }
0x29: {  	s4 =	sld [smem:$0x3FAA]  }
0x2a: {  	p0 =	seq.s32 s5, $0x0;
	s5 =	sld [smem:$0x3FAB]  }
0x2b: {  	s6 =	sld [smem:$0x3FAC]  }
0x2c: {  	s7 =	sld [smem:$0x3FAD]  }
0x2d: {  	s3 =	simm.s32 $0x108;
	s8 =	sld [smem:$0x3FAE]  }
0x2e: {  	s3 =	simm.s32 @!p0 $0x1082;
	s9 =	sld [smem:$0x3FAF]  }
0x2f: {  	lr =	sadd.s32 s0, s3;
	s0 =	sld [smem:$0x3FA6]  }
0x30: {  	s3 =	sld [smem:$0x3FA9]  }
0x31: {  	[smem:$0x3FB2] =	sst s10  }
0x32: {  	s10 =	sld [smem:$0x3FB0];
	_ =	sdelay $0x3  }
0x33: {  	p0 =	seq.s32 s10, $0x1;
	s10 =	sld [smem:$0x3FB2];
	_ =	sdelay $0x3  }
0x34: {  	[smem:$0x3FB2] =	sst s10  }
0x35: {  	s10 =	sld [smem:$0x3FB1];
	_ =	sdelay $0x3  }
0x36: {  	p1 =	seq.s32 s10, $0x1;
	s10 =	sld [smem:$0x3FB2];
	_ =	sdelay $0x3  }
0x37: {  	[smem:$0x3FB2] =	sst s10  }
0x38: {  	s10 =	sld [smem:$0x3FB3]  }
0x39: {  	_ = 	snop;
	(pc) =	sbr.ind lr, $3  }
0x3a: {  	_ = 	snop  }
0x3b: {  	_ = 	snop  }
0x3c: {  	p2 =	seq.s32 s10, $0x1;
	s10 =	sld [smem:$0x3FB2]  }
0x3d: {  	_ =	shalt  }
0x3e: {  	_ =	shalt  }
0x3f: {  	_ =	shalt  }
0x40: {  	_ =	shalt  }
0x41: {  	_ =	shalt  }
0x42: {  	_ =	shalt  }
0x43: {  	_ =	shalt  }
0x44: {  	_ =	shalt  }
0x45: {  	_ =	shalt  }
0x46: {  	_ =	shalt  }
0x47: {  	_ =	shalt  }
0x48: {  	_ =	shalt  }
0x49: {  	_ =	shalt  }
0x4a: {  	_ =	shalt  }
0x4b: {  	_ =	shalt  }
0x4c: {  	_ =	shalt  }
0x4d: {  	_ =	shalt  }
0x4e: {  	_ =	shalt  }
0x4f: {  	_ =	shalt  }
0x50: {  	_ =	shalt  }
0x51: {  	_ =	shalt  }
0x52: {  	_ =	shalt  }
0x53: {  	_ =	shalt  }
0x54: {  	_ =	shalt  }
0x55: {  	_ =	shalt  }
0x56: {  	_ =	shalt  }
0x57: {  	_ =	shalt  }
0x58: {  	_ =	shalt  }
0x59: {  	_ =	shalt  }
0x5a: {  	_ =	shalt  }
0x5b: {  	_ =	shalt  }
0x5c: {  	_ =	shalt  }
0x5d: {  	_ =	shalt  }
0x5e: {  	_ =	shalt  }
0x5f: {  	_ =	shalt  }
0x60: {  	_ =	shalt  }
0x61: {  	_ =	shalt  }
0x62: {  	_ =	shalt  }
0x63: {  	_ =	shalt  }
0x64: {  	_ =	shalt  }
0x65: {  	_ =	shalt  }
0x66: {  	_ =	shalt  }
0x67: {  	_ =	shalt  }
0x68: {  	_ =	shalt  }
0x69: {  	_ =	shalt  }
0x6a: {  	_ =	shalt  }
0x6b: {  	_ =	shalt  }
0x6c: {  	_ =	shalt  }
0x6d: {  	_ =	shalt  }
0x6e: {  	_ =	shalt  }
0x6f: {  	_ =	shalt  }
0x70: {  	_ =	shalt  }
0x71: {  	_ =	shalt  }
0x72: {  	_ =	shalt  }
0x73: {  	_ =	shalt  }
0x74: {  	_ =	shalt  }
0x75: {  	_ =	shalt  }
0x76: {  	_ =	shalt  }
0x77: {  	_ =	shalt  }
0x78: {  	_ =	shalt  }
0x79: {  	_ =	shalt  }
0x7a: {  	_ =	shalt  }
0x7b: {  	_ =	shalt  }
0x7c: {  	_ =	shalt  }
0x7d: {  	_ =	shalt  }
0x7e: {  	_ =	shalt  }
0x7f: {  	_ =	shalt  }
0x80: {  	_ =	shalt  }
0x81: {  	_ =	shalt  }
0x82: {  	_ =	shalt  }
0x83: {  	_ =	shalt  }
0x84: {  	_ =	shalt  }
0x85: {  	_ =	shalt  }
0x86: {  	_ =	shalt  }
0x87: {  	_ =	shalt  }
.Lfunc_end0:
.L_simem_size_0:
called_computation.3_lowered:
.L_overlay_start_0:
0x88: {  	s2 =	sld [smem:$0x3FD9]  }
0x89: {  	s3 =	sld [smem:$0x3FFE];
	_ =	sdelay $0x1  }
0x8a: {  	s1 =	srdreg.scid  }
0x8b: {  	s0 =	sand.u32 $0x1, s1  }
0x8c: {  	s16 =	sshll.u32 s0, $0xA;
	s2 =	sadd.s32 s3, s2  }
0x8d: {  	s2 =	sadd.s32 s2, s16  }
0x8e: {  	[smem:$0x3FBE] =	sst s2  }
0x8f: {  	_ = 	snop  }
0x90: {  	(tm) =	ssettm $0x1  }
0x91: {  	s17 =	sld [smem:$0x3FFB];
	_ =	sdelay $0x3  }
0x92: {  	_ =	strace s17  }
0x93: {  	s2 =	sld [smem:$0x3FFC];
	_ =	sdelay $0x3  }
0x94: {  	_ =	strace s2  }
0x95: {  	s2 =	sld [smem:$0x3FFD];
	_ =	sdelay $0x3  }
0x96: {  	_ =	strace s2  }
0x97: {  	_ =	strace $0x8FFFFFFF  }
0x98: {  	s18 =	sld [smem:$0x3FDB];
	_ =	sdelay $0x1  }
0x99: {  	s19 =	simm.s32 $_scs_section_size  }
0x9a: {  	s4 =	simm.s32 $_size__tile_overlayer_lowered;
	s5 =	simm.s32 $_tile_overlayer_lowered  }
0x9b: {  	s22 =	simm.s32 $0x1BFF;
	s21 =	sshll.u32 s5, $0x1;
	s2 =	sadd.s32 s19, s18  }
0x9c: {  	s6 =	simm.s32 $0x0;
	s20 =	sshll.u32 s4, $0x1;
	s4 =	sadd.s32 s21, s2  }
0x9d: {  	[timem:s6], [sflag:s22] =	dma.local [hbm:s4], s20  }
0x9e: {  	_ =	swait.ge [sflag:s22], s20  }
0x9f: {  	s3 =	ssub.s32 $0x0, s20;
	[sflag:s22] =	ssyncset.done $0x0  }
0xa0: {  	[sflag:s22] =	ssyncadd.s32 s3;
	_ =	sdelay $0x1  }
0xa1: {  	s23 =	simm.s32 $0x1B8B  }
0xa2: {  	_ =	swait.ge [sflag:s23], $0x1  }
0xa3: {  	[sflag:s23] =	ssyncset.done $0x0  }
0xa4: {  	s25 =	simm.s32 $0x1B8E;
	s24 =	sld [smem:$0x3FFE];
	[sflag:s23] =	ssyncadd.s32 $0xFFFFFFFF  }
0xa5: {  	s26 =	simm.s32 $execute0_lowered;
	[smem:$0x3FD2] =	sst s25  }
0xa6: {  	s4 =	sshll.u32 s26, $0x1;
	_ =	strace $0x8000004F;
	[dreg:$0x1] =	wrdreg $0xFFFFFFFF  }
0xa7: {  	s28 =	simm.s32 $_size_execute0_lowered;
	s2 =	sadd.s32 s2, s4;
	[dreg:$0x0] =	wrdreg $0x0  }
0xa8: {  	s4 =	sshll.u32 s28, $0x1;
	[dreg:$0x2] =	wrdreg s2  }
0xa9: {  	[dreg:$0x3] =	wrdreg s4  }
0xaa: {  	[dreg:$0x4] =	wrdreg $0xC0  }
0xab: {  	_ =	task [dreg:s6], $0x5FFFF  }
0xac: {  	[dreg:$0x1] =	wrdreg $0xFFFFFFFF  }
0xad: {  	[dreg:$0x0] =	wrdreg $0x60  }
0xae: {  	[dreg:$0x2] =	wrdreg s24  }
0xaf: {  	[dreg:$0x3] =	wrdreg $0x0  }
0xb0: {  	[dreg:$0x4] =	wrdreg $0x9  }
0xb1: {  	_ =	task.clear_ibuf [dreg:s6], $0x5FFFF;
	_ =	strace $0x9000004F  }
0xb2: {  	s29 =	simm.s32 $0x9;
	_ =	strace $0x80000051  }
0xb3: {  	_ =	swait.ge [sflag:s29], $0x1  }
0xb4: {  	[sflag:s29] =	ssyncadd.s32 $0xFFFFFFFF  }
0xb5: {  	_ =	strace $0x90000051  }
0xb6: {  	_ =	sfence  }
0xb7: {  	s30 =	sld [smem:$0x0];
	_ =	sdelay $0x2  }
0xb8: {  	s31 =	sshll.u32 s1, $0xD;
	s1 =	sshrl.u32 s1, $0x2  }
0xb9: {  	s3 =	sand.u32 $0x4000, s31;
	s1 =	sadd.s32 s1, s30  }
0xba: {  	s0 =	sor.u32 s3, s0;
	s1 =	sshll.u32 s1, $0x11  }
0xbb: {  	s0 =	sor.u32 s1, s0  }
0xbc: {  	s0 =	sadd.s32 $0x8F2B, s0  }
0xbd: {  	[sflag:s0] =	ssyncadd.remote.s32 $0x1  }
0xbe: {  	_ =	sfence.sel $0xFFFF  }
0xbf: {  	[dreg:$0x0] =	wrdreg $0xFFFFFFFF;
	(pc) =	sbr.abs _section_cstart, $3  }
0xc0: {  	[dreg:$0x1] =	wrdreg $0xFFFFFFFF  }
0xc1: {  	_ =	task.clear_ibuf [dreg:s6], $0x2FFFF;
	_ =	strace $0x9FFFFFFF  }
0xc2: {  	(tm) =	ssettm $0x7FFFFFFF  }
0xc3: {  	_ =	shalt  }
tec
execute0_lowered:
.L_overlay_start_1:
0x0: {  	(tag) =	ssettag $0x1  }
0x1: {  	s5 =	rddreg [dreg:$0x0];
	s0 =	srdreg.scid  }
0x2: {  	s2 =	rddreg [dreg:$0x1];
	s1 =	stileid.u32  }
0x3: {  	s3 =	simm.s32 $0x0;
	s13 =	simm.s32 $0xC800;
	s14 =	simm.s32 $0xD000  }
0x4: {  	s15 =	simm.s32 $0x400;
	s16 =	simm.s32 $0xD800;
	s17 =	simm.s32 $0xCC00  }
0x5: {  	s18 =	simm.s32 $0xD400;
	s19 =	simm.s32 $0x11800;
	s20 =	simm.s32 $0x1  }
0x6: {  	s21 =	simm.s32 $0x2;
	s22 =	simm.s32 $0x3;
	s23 =	simm.s32 $0x4  }
0x7: {  	s6 =	sand.u32 $0x1, s0;
	s0 =	rddreg [dreg:$0x2];
	s7 =	smul.u32 $0x18800, s1  }
0x8: {  	s24 =	simm.s32 $0x0;
	[smem:$0x7FF] =	sst s3;
	s8 =	smul.u32 $0xC800, s1  }
0x9: {  	s31 =	sshll.u32 s1, $0x6;
	s4 =	smul.u32 $0x188000, s6;
	_ =	strace $0x80000050  }
0xa: {  	s9 =	ssub.s32 $0x2, s6;
	p0 =	seq.s32 s6, $0x1;
	s6 =	sor.u32 $0x1C05, s31  }
0xb: {  	s28 =	sshrl.u32 s8, $0x3;
	s11 =	sshrl.u32 s9, $0x1;
	s30 =	sadd.s32 s8, s2  }
0xc: {  	s7 =	sadd.s32 s7, s4;
	s4 =	sadd.s32 $0x4800, s5;
	s12 =	sadd.s32 s28, s5  }
0xd: {  	s29 =	ssub.s32 s9, s11;
	s9 =	simm.s32 $0x1D800;
	s7 =	sshrl.u32 s7, $0x3  }
0xe: {  	s11 =	sshrl.u32 s30, $0x3;
	s9 =	simm.s32 @!p0 $0x36800;
	s10 =	sadd.s32 s7, s5  }
0xf: {  	s5 =	sadd.s32 $0xC8400, s12;
	s7 =	smax.u32 s29, $0x1;
	s8 =	sadd.s32 s9, s12  }
0x10: {  	s12 =	simm.s32 $0x5;
	s9 =	sadd.s32 $0x23D400, s10;
	s10 =	sadd.s32 $0x66400, s10  }
.LBB2_1:
0x11: {  	[spmem:s11], [sflag:s6] =	dma.local [hbm:s5], $0x1900  }
0x12: {  	_ =	swait.ge [sflag:s12], $0x1900  }
0x13: {  	[sflag:s12] =	ssyncset.done $0x0  }
0x14: {  	[sflag:s12] =	ssyncadd.s32 $0xFFFFE700  }
0x15: {  	s25 =	sadd.s32 $0x0, s9;
	[bflag:$0x0] =	sbarrier.arrive $0xFFFF  }
0x16: {  	[tilespmem:s13], [sflag:$0x5] =	stream.linear.gather [hbm4b:s25+s3], $0x400, $0x38;
	[tilespmem:$0x15800] =	vst v63  }
0x17: {  	_ =	swait.ge [sflag:s12], $0x400  }
0x18: {  	[sflag:s12] =	ssyncset.done $0x0  }
0x19: {  	s26 =	sadd.s32 $0x0, s10;
	[sflag:s12] =	ssyncadd.s32 $0xFFFFFC00  }
0x1a: {  	[tilespmem:s14], [sflag:$0x5] =	stream.linear.gather [hbm4b:s26+s3], $0x400, $0x38;
	[tilespmem:$0x15800] =	vst v63  }
0x1b: {  	_ =	swait.ge [sflag:s12], $0x400  }
0x1c: {  	[sflag:s12] =	ssyncset.done $0x0  }
0x1d: {  	[sflag:s12] =	ssyncadd.s32 $0xFFFFFC00  }
0x1e: {  	[tilespmem:s16], [sflag:$0x1] =	stream.indirect.gather [hbm4b:s4+s15], $0x10, s13, s15, $0xb8;
	[tilespmem:$0x15800] =	vst v63  }
0x1f: {  	s25 =	sadd.s32 $0x80, s25  }
0x20: {  	[tilespmem:s17], [sflag:$0x5] =	stream.linear.gather [hbm4b:s25+s3], $0x400, $0x38;
	[tilespmem:$0x15800] =	vst v63  }
0x21: {  	_ =	swait.ge [sflag:s12], $0x400  }
0x22: {  	[sflag:s12] =	ssyncset.done $0x0  }
0x23: {  	s31 =	sadd.s32 $0x80, s26;
	[sflag:s12] =	ssyncadd.s32 $0xFFFFFC00  }
0x24: {  	[tilespmem:s18], [sflag:$0x5] =	stream.linear.gather [hbm4b:s31+s3], $0x400, $0x38;
	[tilespmem:$0x15800] =	vst v63  }
0x25: {  	_ =	swait.ge [sflag:s12], $0x400  }
0x26: {  	[sflag:s12] =	ssyncset.done $0x0  }
0x27: {  	[sflag:s12] =	ssyncadd.s32 $0xFFFFFC00  }
0x28: {  	[tilespmem:s19], [sflag:$0x2] =	stream.indirect.gather [hbm4b:s4+s15], $0x10, s17, s15, $0xb8;
	[tilespmem:$0x15800] =	vst v63  }
0x29: {  	_ =	swait.ge [sflag:s20], $0x4000  }
0x2a: {  	[sflag:s20] =	ssyncset.done $0x0  }
0x2b: {  	[sflag:s20] =	ssyncadd.s32 $0xFFFFC000  }
0x2c: {  	[spmem:s2] =	stream.indirect.scatter.add.f32 [tilespmem:s16], [sflag:$0x3], $0x10, s14, s15, $0xb8;
	[tilespmem:$0x15800] =	vst v63  }
0x2d: {  	_ =	swait.ge [sflag:s21], $0x4000  }
0x2e: {  	[sflag:s21] =	ssyncset.done $0x0  }
0x2f: {  	[sflag:s21] =	ssyncadd.s32 $0xFFFFC000  }
0x30: {  	[spmem:s2] =	stream.indirect.scatter.add.f32 [tilespmem:s19], [sflag:$0x4], $0x10, s18, s15, $0xb8;
	[tilespmem:$0x15800] =	vst v63  }
0x31: {  	_ =	swait.ge [sflag:s22], $0x4000  }
0x32: {  	[sflag:s22] =	ssyncset.done $0x0  }
0x33: {  	[sflag:s22] =	ssyncadd.s32 $0xFFFFC000  }
0x34: {  	_ =	swait.ge [sflag:s23], $0x4000  }
0x35: {  	s28 =	simm.s32 $0x200;
	s25 =	simm.s32 $0x100;
	[sflag:s23] =	ssyncset.done $0x0  }
.LBB2_2:
0x36: {  	s29 =	sadd.s32 s25, s9  }
0x37: {  	[sflag:s23] =	ssyncadd.s32 $0xFFFFC000;
	s30 =	smov.u32 s28;
	s26 =	sadd.s32 $0x100, s28  }
0x38: {  	[tilespmem:s13], [sflag:$0x5] =	stream.linear.gather [hbm4b:s29+s3], $0x400, $0x38;
	[tilespmem:$0x15800] =	vst v63  }
0x39: {  	p0 =	sne.s32 s28, $0x3000;
	_ =	swait.ge [sflag:s12], $0x400  }
0x3a: {  	[sflag:s12] =	ssyncset.done $0x0  }
0x3b: {  	s28 =	sadd.s32 s25, s10;
	s25 =	smov.u32 s30;
	[sflag:s12] =	ssyncadd.s32 $0xFFFFFC00  }
0x3c: {  	[tilespmem:s14], [sflag:$0x5] =	stream.linear.gather [hbm4b:s28+s3], $0x400, $0x38;
	[tilespmem:$0x15800] =	vst v63  }
0x3d: {  	_ =	swait.ge [sflag:s12], $0x400  }
0x3e: {  	[sflag:s12] =	ssyncset.done $0x0  }
0x3f: {  	[sflag:s12] =	ssyncadd.s32 $0xFFFFFC00  }
0x40: {  	[tilespmem:s16], [sflag:$0x1] =	stream.indirect.gather [hbm4b:s4+s15], $0x10, s13, s15, $0xb8;
	[tilespmem:$0x15800] =	vst v63  }
0x41: {  	s29 =	sadd.s32 $0x80, s29  }
0x42: {  	[tilespmem:s17], [sflag:$0x5] =	stream.linear.gather [hbm4b:s29+s3], $0x400, $0x38;
	[tilespmem:$0x15800] =	vst v63  }
0x43: {  	_ =	swait.ge [sflag:s12], $0x400  }
0x44: {  	[sflag:s12] =	ssyncset.done $0x0  }
0x45: {  	s28 =	sadd.s32 $0x80, s28;
	[sflag:s12] =	ssyncadd.s32 $0xFFFFFC00  }
0x46: {  	[tilespmem:s18], [sflag:$0x5] =	stream.linear.gather [hbm4b:s28+s3], $0x400, $0x38;
	[tilespmem:$0x15800] =	vst v63  }
0x47: {  	_ =	swait.ge [sflag:s12], $0x400  }
0x48: {  	[sflag:s12] =	ssyncset.done $0x0  }
0x49: {  	[sflag:s12] =	ssyncadd.s32 $0xFFFFFC00  }
0x4a: {  	[tilespmem:s19], [sflag:$0x2] =	stream.indirect.gather [hbm4b:s4+s15], $0x10, s17, s15, $0xb8;
	[tilespmem:$0x15800] =	vst v63  }
0x4b: {  	_ =	swait.ge [sflag:s20], $0x4000  }
0x4c: {  	[sflag:s20] =	ssyncset.done $0x0  }
0x4d: {  	[sflag:s20] =	ssyncadd.s32 $0xFFFFC000  }
0x4e: {  	[spmem:s2] =	stream.indirect.scatter.add.f32 [tilespmem:s16], [sflag:$0x3], $0x10, s14, s15, $0xb8;
	[tilespmem:$0x15800] =	vst v63  }
0x4f: {  	_ =	swait.ge [sflag:s21], $0x4000  }
0x50: {  	[sflag:s21] =	ssyncset.done $0x0  }
0x51: {  	[sflag:s21] =	ssyncadd.s32 $0xFFFFC000  }
0x52: {  	[spmem:s2] =	stream.indirect.scatter.add.f32 [tilespmem:s19], [sflag:$0x4], $0x10, s18, s15, $0xb8;
	[tilespmem:$0x15800] =	vst v63  }
.Ltmp0:
0x53: {  	_ =	swait.ge [sflag:s22], $0x4000;
	(pc) =	sbr.rel @p0 .LBB2_2-.Ltmp0, $4  }
0x54: {  	[sflag:s22] =	ssyncset.done $0x0  }
0x55: {  	[sflag:s22] =	ssyncadd.s32 $0xFFFFC000  }
0x56: {  	_ =	swait.ge [sflag:s23], $0x4000  }
0x57: {  	s28 =	smov.u32 s26;
	[sflag:s23] =	ssyncset.done $0x0  }
0x58: {  	s26 =	sadd.s32 s25, s9;
	[sflag:s23] =	ssyncadd.s32 $0xFFFFC000  }
0x59: {  	[tilespmem:s13], [sflag:$0x5] =	stream.linear.gather [hbm4b:s26+s3], $0x400, $0x38;
	[tilespmem:$0x15800] =	vst v63  }
0x5a: {  	_ =	swait.ge [sflag:s12], $0x400  }
0x5b: {  	[sflag:s12] =	ssyncset.done $0x0  }
0x5c: {  	s31 =	sadd.s32 s25, s10;
	[sflag:s12] =	ssyncadd.s32 $0xFFFFFC00  }
0x5d: {  	[tilespmem:s14], [sflag:$0x5] =	stream.linear.gather [hbm4b:s31+s3], $0x400, $0x38;
	[tilespmem:$0x15800] =	vst v63  }
0x5e: {  	_ =	swait.ge [sflag:s12], $0x400  }
0x5f: {  	[sflag:s12] =	ssyncset.done $0x0  }
0x60: {  	[sflag:s12] =	ssyncadd.s32 $0xFFFFFC00  }
0x61: {  	[tilespmem:s16], [sflag:$0x1] =	stream.indirect.gather [hbm4b:s4+s15], $0x10, s13, s15, $0xb8;
	[tilespmem:$0x15800] =	vst v63  }
0x62: {  	s26 =	sadd.s32 $0x80, s26  }
0x63: {  	[tilespmem:s17], [sflag:$0x5] =	stream.linear.gather [hbm4b:s26+s3], $0x400, $0x38;
	[tilespmem:$0x15800] =	vst v63  }
0x64: {  	_ =	swait.ge [sflag:s12], $0x400  }
0x65: {  	[sflag:s12] =	ssyncset.done $0x0  }
0x66: {  	s25 =	sadd.s32 $0x80, s31;
	[sflag:s12] =	ssyncadd.s32 $0xFFFFFC00  }
0x67: {  	[tilespmem:s18], [sflag:$0x5] =	stream.linear.gather [hbm4b:s25+s3], $0x400, $0x38;
	[tilespmem:$0x15800] =	vst v63  }
0x68: {  	_ =	swait.ge [sflag:s12], $0x400  }
0x69: {  	[sflag:s12] =	ssyncset.done $0x0  }
0x6a: {  	[sflag:s12] =	ssyncadd.s32 $0xFFFFFC00  }
0x6b: {  	[tilespmem:s19], [sflag:$0x2] =	stream.indirect.gather [hbm4b:s4+s15], $0x10, s17, s15, $0xb8;
	[tilespmem:$0x15800] =	vst v63  }
0x6c: {  	_ =	swait.ge [sflag:s20], $0x4000  }
0x6d: {  	[sflag:s20] =	ssyncset.done $0x0  }
0x6e: {  	[sflag:s20] =	ssyncadd.s32 $0xFFFFC000  }
0x6f: {  	[spmem:s2] =	stream.indirect.scatter.add.f32 [tilespmem:s16], [sflag:$0x3], $0x10, s14, s15, $0xb8;
	[tilespmem:$0x15800] =	vst v63  }
0x70: {  	_ =	swait.ge [sflag:s21], $0x4000  }
0x71: {  	[sflag:s21] =	ssyncset.done $0x0  }
0x72: {  	[sflag:s21] =	ssyncadd.s32 $0xFFFFC000  }
0x73: {  	[spmem:s2] =	stream.indirect.scatter.add.f32 [tilespmem:s19], [sflag:$0x4], $0x10, s18, s15, $0xb8;
	[tilespmem:$0x15800] =	vst v63  }
0x74: {  	_ =	swait.ge [sflag:s22], $0x4000  }
0x75: {  	[sflag:s22] =	ssyncset.done $0x0  }
0x76: {  	[sflag:s22] =	ssyncadd.s32 $0xFFFFC000  }
0x77: {  	_ =	swait.ge [sflag:s23], $0x4000  }
0x78: {  	s24 =	sadd.s32 $0x1, s24;
	[sflag:s23] =	ssyncset.done $0x0  }
0x79: {  	p0 =	sne.s32 s24, s7;
	[sflag:s23] =	ssyncadd.s32 $0xFFFFC000  }
.Ltmp1:
0x7a: {  	[bflag:$0x0] =	sbarrier.arrive $0xFFFF;
	(pc) =	sbr.rel @p0 .LBB2_1-.Ltmp1, $4  }
0x7b: {  	[hbm:s8], [sflag:s6] =	dma.local [spmem:s11], $0x1900  }
0x7c: {  	_ =	swait.ge [sflag:s12], $0x1900  }
0x7d: {  	[sflag:s12] =	ssyncset.done $0x0  }
0x7e: {  	[sflag:s12] =	ssyncadd.s32 $0xFFFFE700  }
0x7f: {  	_ =	sfence.sel $0x180000  }
0x80: {  	[bflag:$0x0] =	sbarrier.arrive $0xFFFF  }
0x81: {  	p0 =	sne.s32 s1, $0x0;
	_ =	strace $0x90000050  }
0x82: {  	s0 =	sadd.s32 @!p0 $0x100000, s0;
	[bflag:$0x2] =	sbarrier.arrive $0xFFFF  }
0x83: {  	[sflag:s0] =	ssyncadd.tile.s32 @!p0 $0x1;
	_ =	shalt  }
.Lfunc_end2:
_tile_overlayer_lowered:
.L_overlay_start_2:
0x84: {  	(tag) =	ssettag $0x2  }
0x85: {  	s0 =	rddreg [dreg:$0x0];
	s2 =	stileid.u32  }
0x86: {  	s1 =	rddreg [dreg:$0x1];
	p0 =	sne.s32 s2, $0x0  }
0x87: {  	s3 =	rddreg [dreg:$0x2];
	[bflag:$0x3] =	sbarrier.arrive $0xFFFF;
	s2 =	simm.s32 @!p0 $0x1C05  }
0x88: {  	[timem:s3], [sflag:s2] =	dma.local @!p0 [hbm:s0], s1  }
0x89: {  	s0 =	simm.s32 @!p0 $0x5  }
0x8a: {  	_ =	swait.ge @!p0 [sflag:s0], s1  }
0x8b: {  	s1 =	ssub.s32 @!p0 $0x0, s1;
	[sflag:s0] =	ssyncset.done @!p0 $0x0  }
0x8c: {  	[sflag:s0] =	ssyncadd.s32 @!p0 s1  }
0x8d: {  	[bflag:$0x3] =	sbarrier.arrive $0xFFFF  }
0x8e: {  	_ =	shalt  }

// kernel: kernel.24.cloned.1.call-start
scs
__scs_entry_jumppad:
0x0: {  	(pc) =	sbr.rel $0x88, $3  }
0x1: {  	(tag) =	ssettag $0x0;
	lr =	simm.s32 $0x1  }
0x2: {  	[smem:$0x3F97] =	sst lr;
	_ =	strace $0xD0000000  }
0x3: {  	_ = 	snop  }
0x4: {  	_ = 	snop  }
0x5: {  	_ = 	snop  }
0x6: {  	_ = 	snop  }
0x7: {  	_ = 	snop  }
__scs_overlays_trampoline_lowered:
0x8: {  	[smem:$0x3FA6] =	sst s0  }
0x9: {  	[smem:$0x3FA7] =	sst s1  }
0xa: {  	[smem:$0x3FA8] =	sst s2  }
0xb: {  	[smem:$0x3FA9] =	sst s3  }
0xc: {  	[smem:$0x3FAA] =	sst s4  }
0xd: {  	[smem:$0x3FAB] =	sst s5  }
0xe: {  	[smem:$0x3FAC] =	sst s6  }
0xf: {  	[smem:$0x3FAD] =	sst s7  }
0x10: {  	[smem:$0x3FAE] =	sst s8  }
0x11: {  	[smem:$0x3FAF] =	sst s9;
	s0 =	simm.s32 @!p0 $0x0  }
0x12: {  	s1 =	sld [smem:$0x3F95];
	s0 =	simm.s32 @p0 $0x1  }
0x13: {  	[smem:$0x3FB0] =	sst s0;
	s0 =	simm.s32 @!p1 $0x0  }
0x14: {  	s2 =	sld [smem:$0x3F94];
	s0 =	simm.s32 @p1 $0x1  }
0x15: {  	[smem:$0x3FB1] =	sst s0;
	s0 =	simm.s32 @!p2 $0x0  }
0x16: {  	s3 =	sld [smem:$0x3FDB];
	s0 =	simm.s32 @p2 $0x1  }
0x17: {  	s4 =	simm.s32 $0x1BF5;
	[smem:$0x3FB3] =	sst s0  }
0x18: {  	s0 =	sld [smem:$0x3F96];
	_ =	swait.ge [sflag:s4], $0x0  }
0x19: {  	s7 =	sld [smem:$0x3F97]  }
0x1a: {  	s8 =	sadd.s32 $0xFFFFE003, lr  }
0x1b: {  	s9 =	sadd.s32 $0xFFFFFEF7, lr;
	s5 =	simm.s32 $0xFFFFFFFF;
	p2 =	slt.u32 s8, $0xFFFFF086  }
0x1c: {  	p1 =	slt.u32 s9, $0xF7A;
	s5 =	simm.s32 @!p2 $0x0  }
0x1d: {  	s5 =	simm.s32 @p1 $0x1;
	p0 =	seq.s32 s7, s2  }
0x1e: {  	s7 =	smul.u32 @!p0 $0xF7A, s2;
	p2 =	seq.s32 @!p0 s5, $0x0  }
0x1f: {  	s9 =	smul.u32 $0xF7A, s1;
	s8 =	simm.s32 @!p0 $0x1BF5;
	p2 =	por !p2, p0  }
0x20: {  	[sflag:s8] =	ssyncset.s32 @!p0 $0xFFFFF086;
	s6 =	sadd.s32 @!p0 s3, s7;
	s7 =	simm.s32 @!p0 $0x108  }
0x21: {  	s3 =	sadd.s32 s3, s9;
	s6 =	sadd.s32 @!p0 $0x88, s6;
	s7 =	simm.s32 @p2 $0x1082  }
0x22: {  	[simem:s7], [sflag:s8] =	dma.local @!p0 [hbm:s6], $0xF7A  }
0x23: {  	s9 =	sor.u32 $0xD0000000, s2;
	s6 =	simm.s32 $0x108;
	_ =	swait.ge @!p0 [sflag:s8], $0x0  }
0x24: {  	s3 =	sadd.s32 $0x88, s3;
	s6 =	simm.s32 @!p1 $0x1082;
	[sflag:s4] =	ssyncset.s32 $0xFFFFF086  }
0x25: {  	[simem:s6], [sflag:s4] =	dma.local [hbm:s3], $0xF7A  }
0x26: {  	[smem:$0x3F97] =	sst s1;
	(tag) =	ssettag s2;
	_ =	strace s9  }
0x27: {  	s1 =	sld [smem:$0x3FA7]  }
0x28: {  	s2 =	sld [smem:$0x3FA8]  }
0x29: {  	s4 =	sld [smem:$0x3FAA]  }
0x2a: {  	p0 =	seq.s32 s5, $0x0;
	s5 =	sld [smem:$0x3FAB]  }
0x2b: {  	s6 =	sld [smem:$0x3FAC]  }
0x2c: {  	s7 =	sld [smem:$0x3FAD]  }
0x2d: {  	s3 =	simm.s32 $0x108;
	s8 =	sld [smem:$0x3FAE]  }
0x2e: {  	s3 =	simm.s32 @!p0 $0x1082;
	s9 =	sld [smem:$0x3FAF]  }
0x2f: {  	lr =	sadd.s32 s0, s3;
	s0 =	sld [smem:$0x3FA6]  }
0x30: {  	s3 =	sld [smem:$0x3FA9]  }
0x31: {  	[smem:$0x3FB2] =	sst s10  }
0x32: {  	s10 =	sld [smem:$0x3FB0];
	_ =	sdelay $0x3  }
0x33: {  	p0 =	seq.s32 s10, $0x1;
	s10 =	sld [smem:$0x3FB2];
	_ =	sdelay $0x3  }
0x34: {  	[smem:$0x3FB2] =	sst s10  }
0x35: {  	s10 =	sld [smem:$0x3FB1];
	_ =	sdelay $0x3  }
0x36: {  	p1 =	seq.s32 s10, $0x1;
	s10 =	sld [smem:$0x3FB2];
	_ =	sdelay $0x3  }
0x37: {  	[smem:$0x3FB2] =	sst s10  }
0x38: {  	s10 =	sld [smem:$0x3FB3]  }
0x39: {  	_ = 	snop;
	(pc) =	sbr.ind lr, $3  }
0x3a: {  	_ = 	snop  }
0x3b: {  	_ = 	snop  }
0x3c: {  	p2 =	seq.s32 s10, $0x1;
	s10 =	sld [smem:$0x3FB2]  }
0x3d: {  	_ =	shalt  }
0x3e: {  	_ =	shalt  }
0x3f: {  	_ =	shalt  }
0x40: {  	_ =	shalt  }
0x41: {  	_ =	shalt  }
0x42: {  	_ =	shalt  }
0x43: {  	_ =	shalt  }
0x44: {  	_ =	shalt  }
0x45: {  	_ =	shalt  }
0x46: {  	_ =	shalt  }
0x47: {  	_ =	shalt  }
0x48: {  	_ =	shalt  }
0x49: {  	_ =	shalt  }
0x4a: {  	_ =	shalt  }
0x4b: {  	_ =	shalt  }
0x4c: {  	_ =	shalt  }
0x4d: {  	_ =	shalt  }
0x4e: {  	_ =	shalt  }
0x4f: {  	_ =	shalt  }
0x50: {  	_ =	shalt  }
0x51: {  	_ =	shalt  }
0x52: {  	_ =	shalt  }
0x53: {  	_ =	shalt  }
0x54: {  	_ =	shalt  }
0x55: {  	_ =	shalt  }
0x56: {  	_ =	shalt  }
0x57: {  	_ =	shalt  }
0x58: {  	_ =	shalt  }
0x59: {  	_ =	shalt  }
0x5a: {  	_ =	shalt  }
0x5b: {  	_ =	shalt  }
0x5c: {  	_ =	shalt  }
0x5d: {  	_ =	shalt  }
0x5e: {  	_ =	shalt  }
0x5f: {  	_ =	shalt  }
0x60: {  	_ =	shalt  }
0x61: {  	_ =	shalt  }
0x62: {  	_ =	shalt  }
0x63: {  	_ =	shalt  }
0x64: {  	_ =	shalt  }
0x65: {  	_ =	shalt  }
0x66: {  	_ =	shalt  }
0x67: {  	_ =	shalt  }
0x68: {  	_ =	shalt  }
0x69: {  	_ =	shalt  }
0x6a: {  	_ =	shalt  }
0x6b: {  	_ =	shalt  }
0x6c: {  	_ =	shalt  }
0x6d: {  	_ =	shalt  }
0x6e: {  	_ =	shalt  }
0x6f: {  	_ =	shalt  }
0x70: {  	_ =	shalt  }
0x71: {  	_ =	shalt  }
0x72: {  	_ =	shalt  }
0x73: {  	_ =	shalt  }
0x74: {  	_ =	shalt  }
0x75: {  	_ =	shalt  }
0x76: {  	_ =	shalt  }
0x77: {  	_ =	shalt  }
0x78: {  	_ =	shalt  }
0x79: {  	_ =	shalt  }
0x7a: {  	_ =	shalt  }
0x7b: {  	_ =	shalt  }
0x7c: {  	_ =	shalt  }
0x7d: {  	_ =	shalt  }
0x7e: {  	_ =	shalt  }
0x7f: {  	_ =	shalt  }
0x80: {  	_ =	shalt  }
0x81: {  	_ =	shalt  }
0x82: {  	_ =	shalt  }
0x83: {  	_ =	shalt  }
0x84: {  	_ =	shalt  }
0x85: {  	_ =	shalt  }
0x86: {  	_ =	shalt  }
0x87: {  	_ =	shalt  }
.Lfunc_end0:
.L_simem_size_0:
called_computation.4_lowered:
.L_overlay_start_0:
0x88: {  	s2 =	sld [smem:$0x3FD9]  }
0x89: {  	s3 =	sld [smem:$0x3FFE];
	_ =	sdelay $0x1  }
0x8a: {  	s1 =	srdreg.scid  }
0x8b: {  	s0 =	sand.u32 $0x1, s1  }
0x8c: {  	s16 =	sshll.u32 s0, $0xA;
	s2 =	sadd.s32 s3, s2  }
0x8d: {  	s2 =	sadd.s32 s2, s16  }
0x8e: {  	[smem:$0x3FBE] =	sst s2  }
0x8f: {  	_ = 	snop  }
0x90: {  	(tm) =	ssettm $0x1  }
0x91: {  	s17 =	sld [smem:$0x3FFB];
	_ =	sdelay $0x3  }
0x92: {  	_ =	strace s17  }
0x93: {  	s2 =	sld [smem:$0x3FFC];
	_ =	sdelay $0x3  }
0x94: {  	_ =	strace s2  }
0x95: {  	s2 =	sld [smem:$0x3FFD];
	_ =	sdelay $0x3  }
0x96: {  	_ =	strace s2  }
0x97: {  	_ =	strace $0x8FFFFFFF  }
0x98: {  	s18 =	sld [smem:$0x3FDB];
	_ =	sdelay $0x1  }
0x99: {  	s19 =	simm.s32 $_scs_section_size  }
0x9a: {  	s4 =	simm.s32 $_size__tile_overlayer_lowered;
	s5 =	simm.s32 $_tile_overlayer_lowered  }
0x9b: {  	s22 =	simm.s32 $0x1BFF;
	s21 =	sshll.u32 s5, $0x1;
	s2 =	sadd.s32 s19, s18  }
0x9c: {  	s6 =	simm.s32 $0x0;
	s20 =	sshll.u32 s4, $0x1;
	s4 =	sadd.s32 s21, s2  }
0x9d: {  	[timem:s6], [sflag:s22] =	dma.local [hbm:s4], s20  }
0x9e: {  	_ =	swait.ge [sflag:s22], s20  }
0x9f: {  	s3 =	ssub.s32 $0x0, s20;
	[sflag:s22] =	ssyncset.done $0x0  }
0xa0: {  	[sflag:s22] =	ssyncadd.s32 s3;
	_ =	sdelay $0x1  }
0xa1: {  	s23 =	simm.s32 $0x1B8B  }
0xa2: {  	_ =	swait.ge [sflag:s23], $0x1  }
0xa3: {  	[sflag:s23] =	ssyncset.done $0x0  }
0xa4: {  	s25 =	simm.s32 $0x1B8E;
	s24 =	sld [smem:$0x3FFE];
	[sflag:s23] =	ssyncadd.s32 $0xFFFFFFFF  }
0xa5: {  	s26 =	simm.s32 $execute0_lowered;
	[smem:$0x3FD2] =	sst s25  }
0xa6: {  	s4 =	sshll.u32 s26, $0x1;
	_ =	strace $0x80000052;
	[dreg:$0x1] =	wrdreg $0xFFFFFFFF  }
0xa7: {  	s28 =	simm.s32 $_size_execute0_lowered;
	s2 =	sadd.s32 s2, s4;
	[dreg:$0x0] =	wrdreg $0x0  }
0xa8: {  	s4 =	sshll.u32 s28, $0x1;
	[dreg:$0x2] =	wrdreg s2  }
0xa9: {  	[dreg:$0x3] =	wrdreg s4  }
0xaa: {  	[dreg:$0x4] =	wrdreg $0xC0  }
0xab: {  	_ =	task [dreg:s6], $0x5FFFF  }
0xac: {  	[dreg:$0x1] =	wrdreg $0xFFFFFFFF  }
0xad: {  	[dreg:$0x0] =	wrdreg $0x60  }
0xae: {  	[dreg:$0x2] =	wrdreg s24  }
0xaf: {  	[dreg:$0x3] =	wrdreg $0x0  }
0xb0: {  	[dreg:$0x4] =	wrdreg $0x9  }
0xb1: {  	_ =	task.clear_ibuf [dreg:s6], $0x5FFFF;
	_ =	strace $0x90000052  }
0xb2: {  	s29 =	simm.s32 $0x9;
	_ =	strace $0x80000054  }
0xb3: {  	_ =	swait.ge [sflag:s29], $0x1  }
0xb4: {  	[sflag:s29] =	ssyncadd.s32 $0xFFFFFFFF  }
0xb5: {  	_ =	strace $0x90000054  }
0xb6: {  	_ =	sfence  }
0xb7: {  	s30 =	sld [smem:$0x0];
	_ =	sdelay $0x2  }
0xb8: {  	s31 =	sshll.u32 s1, $0xD;
	s1 =	sshrl.u32 s1, $0x2  }
0xb9: {  	s3 =	sand.u32 $0x4000, s31;
	s1 =	sadd.s32 s1, s30  }
0xba: {  	s0 =	sor.u32 s3, s0;
	s1 =	sshll.u32 s1, $0x11  }
0xbb: {  	s0 =	sor.u32 s1, s0  }
0xbc: {  	s0 =	sadd.s32 $0x8F2B, s0  }
0xbd: {  	[sflag:s0] =	ssyncadd.remote.s32 $0x1  }
0xbe: {  	_ =	sfence.sel $0xFFFF  }
0xbf: {  	[dreg:$0x0] =	wrdreg $0xFFFFFFFF;
	(pc) =	sbr.abs _section_cstart, $3  }
0xc0: {  	[dreg:$0x1] =	wrdreg $0xFFFFFFFF  }
0xc1: {  	_ =	task.clear_ibuf [dreg:s6], $0x2FFFF;
	_ =	strace $0x9FFFFFFF  }
0xc2: {  	(tm) =	ssettm $0x7FFFFFFF  }
0xc3: {  	_ =	shalt  }
tec
execute0_lowered:
.L_overlay_start_1:
0x0: {  	(tag) =	ssettag $0x1  }
0x1: {  	s5 =	rddreg [dreg:$0x0];
	s0 =	srdreg.scid  }
0x2: {  	s2 =	rddreg [dreg:$0x1];
	s1 =	stileid.u32  }
0x3: {  	s3 =	simm.s32 $0x0;
	s13 =	simm.s32 $0xC800;
	s14 =	simm.s32 $0xD000  }
0x4: {  	s15 =	simm.s32 $0x400;
	s16 =	simm.s32 $0xD800;
	s17 =	simm.s32 $0xCC00  }
0x5: {  	s18 =	simm.s32 $0xD400;
	s19 =	simm.s32 $0x11800;
	s20 =	simm.s32 $0x1  }
0x6: {  	s21 =	simm.s32 $0x2;
	s22 =	simm.s32 $0x3;
	s23 =	simm.s32 $0x4  }
0x7: {  	s6 =	sand.u32 $0x1, s0;
	s0 =	rddreg [dreg:$0x2];
	s7 =	smul.u32 $0x18800, s1  }
0x8: {  	s24 =	simm.s32 $0x0;
	[smem:$0x7FF] =	sst s3;
	s8 =	smul.u32 $0xC800, s1  }
0x9: {  	s31 =	sshll.u32 s1, $0x6;
	s4 =	smul.u32 $0x188000, s6;
	_ =	strace $0x80000053  }
0xa: {  	s9 =	ssub.s32 $0x2, s6;
	p0 =	seq.s32 s6, $0x1;
	s6 =	sor.u32 $0x1C05, s31  }
0xb: {  	s28 =	sshrl.u32 s8, $0x3;
	s11 =	sshrl.u32 s9, $0x1;
	s30 =	sadd.s32 s8, s2  }
0xc: {  	s7 =	sadd.s32 s7, s4;
	s4 =	sadd.s32 $0x4800, s5;
	s12 =	sadd.s32 s28, s5  }
0xd: {  	s29 =	ssub.s32 s9, s11;
	s9 =	simm.s32 $0x1D800;
	s7 =	sshrl.u32 s7, $0x3  }
0xe: {  	s11 =	sshrl.u32 s30, $0x3;
	s9 =	simm.s32 @!p0 $0x36800;
	s10 =	sadd.s32 s7, s5  }
0xf: {  	s5 =	sadd.s32 $0xC8400, s12;
	s7 =	smax.u32 s29, $0x1;
	s8 =	sadd.s32 s9, s12  }
0x10: {  	s12 =	simm.s32 $0x5;
	s9 =	sadd.s32 $0x23D400, s10;
	s10 =	sadd.s32 $0x66400, s10  }
.LBB2_1:
0x11: {  	[spmem:s11], [sflag:s6] =	dma.local [hbm:s5], $0x1900  }
0x12: {  	_ =	swait.ge [sflag:s12], $0x1900  }
0x13: {  	[sflag:s12] =	ssyncset.done $0x0  }
0x14: {  	[sflag:s12] =	ssyncadd.s32 $0xFFFFE700  }
0x15: {  	s25 =	sadd.s32 $0x0, s9;
	[bflag:$0x0] =	sbarrier.arrive $0xFFFF  }
0x16: {  	[tilespmem:s13], [sflag:$0x5] =	stream.linear.gather [hbm4b:s25+s3], $0x400, $0x38;
	[tilespmem:$0x15800] =	vst v63  }
0x17: {  	_ =	swait.ge [sflag:s12], $0x400  }
0x18: {  	[sflag:s12] =	ssyncset.done $0x0  }
0x19: {  	s26 =	sadd.s32 $0x0, s10;
	[sflag:s12] =	ssyncadd.s32 $0xFFFFFC00  }
0x1a: {  	[tilespmem:s14], [sflag:$0x5] =	stream.linear.gather [hbm4b:s26+s3], $0x400, $0x38;
	[tilespmem:$0x15800] =	vst v63  }
0x1b: {  	_ =	swait.ge [sflag:s12], $0x400  }
0x1c: {  	[sflag:s12] =	ssyncset.done $0x0  }
0x1d: {  	[sflag:s12] =	ssyncadd.s32 $0xFFFFFC00  }
0x1e: {  	[tilespmem:s16], [sflag:$0x1] =	stream.indirect.gather [hbm4b:s4+s15], $0x10, s13, s15, $0xb8;
	[tilespmem:$0x15800] =	vst v63  }
0x1f: {  	s25 =	sadd.s32 $0x80, s25  }
0x20: {  	[tilespmem:s17], [sflag:$0x5] =	stream.linear.gather [hbm4b:s25+s3], $0x400, $0x38;
	[tilespmem:$0x15800] =	vst v63  }
0x21: {  	_ =	swait.ge [sflag:s12], $0x400  }
0x22: {  	[sflag:s12] =	ssyncset.done $0x0  }
0x23: {  	s31 =	sadd.s32 $0x80, s26;
	[sflag:s12] =	ssyncadd.s32 $0xFFFFFC00  }
0x24: {  	[tilespmem:s18], [sflag:$0x5] =	stream.linear.gather [hbm4b:s31+s3], $0x400, $0x38;
	[tilespmem:$0x15800] =	vst v63  }
0x25: {  	_ =	swait.ge [sflag:s12], $0x400  }
0x26: {  	[sflag:s12] =	ssyncset.done $0x0  }
0x27: {  	[sflag:s12] =	ssyncadd.s32 $0xFFFFFC00  }
0x28: {  	[tilespmem:s19], [sflag:$0x2] =	stream.indirect.gather [hbm4b:s4+s15], $0x10, s17, s15, $0xb8;
	[tilespmem:$0x15800] =	vst v63  }
0x29: {  	_ =	swait.ge [sflag:s20], $0x4000  }
0x2a: {  	[sflag:s20] =	ssyncset.done $0x0  }
0x2b: {  	[sflag:s20] =	ssyncadd.s32 $0xFFFFC000  }
0x2c: {  	[spmem:s2] =	stream.indirect.scatter.add.f32 [tilespmem:s16], [sflag:$0x3], $0x10, s14, s15, $0xb8;
	[tilespmem:$0x15800] =	vst v63  }
0x2d: {  	_ =	swait.ge [sflag:s21], $0x4000  }
0x2e: {  	[sflag:s21] =	ssyncset.done $0x0  }
0x2f: {  	[sflag:s21] =	ssyncadd.s32 $0xFFFFC000  }
0x30: {  	[spmem:s2] =	stream.indirect.scatter.add.f32 [tilespmem:s19], [sflag:$0x4], $0x10, s18, s15, $0xb8;
	[tilespmem:$0x15800] =	vst v63  }
0x31: {  	_ =	swait.ge [sflag:s22], $0x4000  }
0x32: {  	[sflag:s22] =	ssyncset.done $0x0  }
0x33: {  	[sflag:s22] =	ssyncadd.s32 $0xFFFFC000  }
0x34: {  	_ =	swait.ge [sflag:s23], $0x4000  }
0x35: {  	s28 =	simm.s32 $0x200;
	s25 =	simm.s32 $0x100;
	[sflag:s23] =	ssyncset.done $0x0  }
.LBB2_2:
0x36: {  	s29 =	sadd.s32 s25, s9  }
0x37: {  	[sflag:s23] =	ssyncadd.s32 $0xFFFFC000;
	s30 =	smov.u32 s28;
	s26 =	sadd.s32 $0x100, s28  }
0x38: {  	[tilespmem:s13], [sflag:$0x5] =	stream.linear.gather [hbm4b:s29+s3], $0x400, $0x38;
	[tilespmem:$0x15800] =	vst v63  }
0x39: {  	p0 =	sne.s32 s28, $0x3000;
	_ =	swait.ge [sflag:s12], $0x400  }
0x3a: {  	[sflag:s12] =	ssyncset.done $0x0  }
0x3b: {  	s28 =	sadd.s32 s25, s10;
	s25 =	smov.u32 s30;
	[sflag:s12] =	ssyncadd.s32 $0xFFFFFC00  }
0x3c: {  	[tilespmem:s14], [sflag:$0x5] =	stream.linear.gather [hbm4b:s28+s3], $0x400, $0x38;
	[tilespmem:$0x15800] =	vst v63  }
0x3d: {  	_ =	swait.ge [sflag:s12], $0x400  }
0x3e: {  	[sflag:s12] =	ssyncset.done $0x0  }
0x3f: {  	[sflag:s12] =	ssyncadd.s32 $0xFFFFFC00  }
0x40: {  	[tilespmem:s16], [sflag:$0x1] =	stream.indirect.gather [hbm4b:s4+s15], $0x10, s13, s15, $0xb8;
	[tilespmem:$0x15800] =	vst v63  }
0x41: {  	s29 =	sadd.s32 $0x80, s29  }
0x42: {  	[tilespmem:s17], [sflag:$0x5] =	stream.linear.gather [hbm4b:s29+s3], $0x400, $0x38;
	[tilespmem:$0x15800] =	vst v63  }
0x43: {  	_ =	swait.ge [sflag:s12], $0x400  }
0x44: {  	[sflag:s12] =	ssyncset.done $0x0  }
0x45: {  	s28 =	sadd.s32 $0x80, s28;
	[sflag:s12] =	ssyncadd.s32 $0xFFFFFC00  }
0x46: {  	[tilespmem:s18], [sflag:$0x5] =	stream.linear.gather [hbm4b:s28+s3], $0x400, $0x38;
	[tilespmem:$0x15800] =	vst v63  }
0x47: {  	_ =	swait.ge [sflag:s12], $0x400  }
0x48: {  	[sflag:s12] =	ssyncset.done $0x0  }
0x49: {  	[sflag:s12] =	ssyncadd.s32 $0xFFFFFC00  }
0x4a: {  	[tilespmem:s19], [sflag:$0x2] =	stream.indirect.gather [hbm4b:s4+s15], $0x10, s17, s15, $0xb8;
	[tilespmem:$0x15800] =	vst v63  }
0x4b: {  	_ =	swait.ge [sflag:s20], $0x4000  }
0x4c: {  	[sflag:s20] =	ssyncset.done $0x0  }
0x4d: {  	[sflag:s20] =	ssyncadd.s32 $0xFFFFC000  }
0x4e: {  	[spmem:s2] =	stream.indirect.scatter.add.f32 [tilespmem:s16], [sflag:$0x3], $0x10, s14, s15, $0xb8;
	[tilespmem:$0x15800] =	vst v63  }
0x4f: {  	_ =	swait.ge [sflag:s21], $0x4000  }
0x50: {  	[sflag:s21] =	ssyncset.done $0x0  }
0x51: {  	[sflag:s21] =	ssyncadd.s32 $0xFFFFC000  }
0x52: {  	[spmem:s2] =	stream.indirect.scatter.add.f32 [tilespmem:s19], [sflag:$0x4], $0x10, s18, s15, $0xb8;
	[tilespmem:$0x15800] =	vst v63  }
.Ltmp0:
0x53: {  	_ =	swait.ge [sflag:s22], $0x4000;
	(pc) =	sbr.rel @p0 .LBB2_2-.Ltmp0, $4  }
0x54: {  	[sflag:s22] =	ssyncset.done $0x0  }
0x55: {  	[sflag:s22] =	ssyncadd.s32 $0xFFFFC000  }
0x56: {  	_ =	swait.ge [sflag:s23], $0x4000  }
0x57: {  	s28 =	smov.u32 s26;
	[sflag:s23] =	ssyncset.done $0x0  }
0x58: {  	s26 =	sadd.s32 s25, s9;
	[sflag:s23] =	ssyncadd.s32 $0xFFFFC000  }
0x59: {  	[tilespmem:s13], [sflag:$0x5] =	stream.linear.gather [hbm4b:s26+s3], $0x400, $0x38;
	[tilespmem:$0x15800] =	vst v63  }
0x5a: {  	_ =	swait.ge [sflag:s12], $0x400  }
0x5b: {  	[sflag:s12] =	ssyncset.done $0x0  }
0x5c: {  	s31 =	sadd.s32 s25, s10;
	[sflag:s12] =	ssyncadd.s32 $0xFFFFFC00  }
0x5d: {  	[tilespmem:s14], [sflag:$0x5] =	stream.linear.gather [hbm4b:s31+s3], $0x400, $0x38;
	[tilespmem:$0x15800] =	vst v63  }
0x5e: {  	_ =	swait.ge [sflag:s12], $0x400  }
0x5f: {  	[sflag:s12] =	ssyncset.done $0x0  }
0x60: {  	[sflag:s12] =	ssyncadd.s32 $0xFFFFFC00  }
0x61: {  	[tilespmem:s16], [sflag:$0x1] =	stream.indirect.gather [hbm4b:s4+s15], $0x10, s13, s15, $0xb8;
	[tilespmem:$0x15800] =	vst v63  }
0x62: {  	s26 =	sadd.s32 $0x80, s26  }
0x63: {  	[tilespmem:s17], [sflag:$0x5] =	stream.linear.gather [hbm4b:s26+s3], $0x400, $0x38;
	[tilespmem:$0x15800] =	vst v63  }
0x64: {  	_ =	swait.ge [sflag:s12], $0x400  }
0x65: {  	[sflag:s12] =	ssyncset.done $0x0  }
0x66: {  	s25 =	sadd.s32 $0x80, s31;
	[sflag:s12] =	ssyncadd.s32 $0xFFFFFC00  }
0x67: {  	[tilespmem:s18], [sflag:$0x5] =	stream.linear.gather [hbm4b:s25+s3], $0x400, $0x38;
	[tilespmem:$0x15800] =	vst v63  }
0x68: {  	_ =	swait.ge [sflag:s12], $0x400  }
0x69: {  	[sflag:s12] =	ssyncset.done $0x0  }
0x6a: {  	[sflag:s12] =	ssyncadd.s32 $0xFFFFFC00  }
0x6b: {  	[tilespmem:s19], [sflag:$0x2] =	stream.indirect.gather [hbm4b:s4+s15], $0x10, s17, s15, $0xb8;
	[tilespmem:$0x15800] =	vst v63  }
0x6c: {  	_ =	swait.ge [sflag:s20], $0x4000  }
0x6d: {  	[sflag:s20] =	ssyncset.done $0x0  }
0x6e: {  	[sflag:s20] =	ssyncadd.s32 $0xFFFFC000  }
0x6f: {  	[spmem:s2] =	stream.indirect.scatter.add.f32 [tilespmem:s16], [sflag:$0x3], $0x10, s14, s15, $0xb8;
	[tilespmem:$0x15800] =	vst v63  }
0x70: {  	_ =	swait.ge [sflag:s21], $0x4000  }
0x71: {  	[sflag:s21] =	ssyncset.done $0x0  }
0x72: {  	[sflag:s21] =	ssyncadd.s32 $0xFFFFC000  }
0x73: {  	[spmem:s2] =	stream.indirect.scatter.add.f32 [tilespmem:s19], [sflag:$0x4], $0x10, s18, s15, $0xb8;
	[tilespmem:$0x15800] =	vst v63  }
0x74: {  	_ =	swait.ge [sflag:s22], $0x4000  }
0x75: {  	[sflag:s22] =	ssyncset.done $0x0  }
0x76: {  	[sflag:s22] =	ssyncadd.s32 $0xFFFFC000  }
0x77: {  	_ =	swait.ge [sflag:s23], $0x4000  }
0x78: {  	s24 =	sadd.s32 $0x1, s24;
	[sflag:s23] =	ssyncset.done $0x0  }
0x79: {  	p0 =	sne.s32 s24, s7;
	[sflag:s23] =	ssyncadd.s32 $0xFFFFC000  }
.Ltmp1:
0x7a: {  	[bflag:$0x0] =	sbarrier.arrive $0xFFFF;
	(pc) =	sbr.rel @p0 .LBB2_1-.Ltmp1, $4  }
0x7b: {  	[hbm:s8], [sflag:s6] =	dma.local [spmem:s11], $0x1900  }
0x7c: {  	_ =	swait.ge [sflag:s12], $0x1900  }
0x7d: {  	[sflag:s12] =	ssyncset.done $0x0  }
0x7e: {  	[sflag:s12] =	ssyncadd.s32 $0xFFFFE700  }
0x7f: {  	_ =	sfence.sel $0x180000  }
0x80: {  	[bflag:$0x0] =	sbarrier.arrive $0xFFFF  }
0x81: {  	p0 =	sne.s32 s1, $0x0;
	_ =	strace $0x90000053  }
0x82: {  	s0 =	sadd.s32 @!p0 $0x100000, s0;
	[bflag:$0x2] =	sbarrier.arrive $0xFFFF  }
0x83: {  	[sflag:s0] =	ssyncadd.tile.s32 @!p0 $0x1;
	_ =	shalt  }
.Lfunc_end2:
_tile_overlayer_lowered:
.L_overlay_start_2:
0x84: {  	(tag) =	ssettag $0x2  }
0x85: {  	s0 =	rddreg [dreg:$0x0];
	s2 =	stileid.u32  }
0x86: {  	s1 =	rddreg [dreg:$0x1];
	p0 =	sne.s32 s2, $0x0  }
0x87: {  	s3 =	rddreg [dreg:$0x2];
	[bflag:$0x3] =	sbarrier.arrive $0xFFFF;
	s2 =	simm.s32 @!p0 $0x1C05  }
0x88: {  	[timem:s3], [sflag:s2] =	dma.local @!p0 [hbm:s0], s1  }
0x89: {  	s0 =	simm.s32 @!p0 $0x5  }
0x8a: {  	_ =	swait.ge @!p0 [sflag:s0], s1  }
0x8b: {  	s1 =	ssub.s32 @!p0 $0x0, s1;
	[sflag:s0] =	ssyncset.done @!p0 $0x0  }
0x8c: {  	[sflag:s0] =	ssyncadd.s32 @!p0 s1  }
0x8d: {  	[bflag:$0x3] =	sbarrier.arrive $0xFFFF  }
0x8e: {  	_ =	shalt  }

</sc_bundles>
